<compile_context>
chip_gen: v7x
topology: tpu7x:2x2x1
jax: 0.10.2.dev20260603
libtpu: 0.0.44.dev20260713+nightly
codegen_flags: <defaults>
</compile_context>

<pallas_src>
import functools

import jax
import jax.numpy as jnp
from jax import lax
from jax.experimental import pallas as pl
from jax.experimental.pallas import tpu as pltpu
from jax.experimental.pallas import tpu_sc as plsc

BATCH = 16384
DIM = 128
HALF = DIM // 2
LANES = 16
NC = 2
NS = 16
NW = NC * NS
ROWS_PER_W = BATCH // NW
CHUNK = 64
NCHUNK = ROWS_PER_W // CHUNK
NBUF = 2


def _body(emb_hbm, idx_hbm, real_hbm, imag_hbm, out_hbm,
          idx_v, emb_v0, emb_v1,
          gr_v0, gr_v1, gi_v0, gi_v1, out_v0, out_v1,
          emb_sem0, emb_sem1, gr_sem0, gr_sem1, gi_sem0, gi_sem1,
          out_sem0, out_sem1):
    wid = lax.axis_index("s") * NC + lax.axis_index("c")
    emb_v = (emb_v0, emb_v1)
    gr_v = (gr_v0, gr_v1)
    gi_v = (gi_v0, gi_v1)
    out_v = (out_v0, out_v1)
    emb_sem = (emb_sem0, emb_sem1)
    gr_sem = (gr_sem0, gr_sem1)
    gi_sem = (gi_sem0, gi_sem1)
    out_sem = (out_sem0, out_sem1)

    pltpu.sync_copy(idx_hbm.at[pl.ds(wid * ROWS_PER_W, ROWS_PER_W)],
                    idx_v.at[pl.ds(0, ROWS_PER_W)])

    def issue(c):
        b = c % NBUF
        base = wid * ROWS_PER_W + c * CHUNK
        h = pltpu.async_copy(emb_hbm.at[pl.ds(base, CHUNK)], emb_v[b],
                             emb_sem[b])

        def fire(i, carry):
            r = idx_v[pl.ds(c * CHUNK + i, LANES)][0]
            pltpu.make_async_copy(real_hbm.at[pl.ds(r, 1)],
                                  gr_v[b].at[pl.ds(i, 1)], gr_sem[b]).start()
            pltpu.make_async_copy(imag_hbm.at[pl.ds(r, 1)],
                                  gi_v[b].at[pl.ds(i, 1)], gi_sem[b]).start()
            return carry

        lax.fori_loop(0, CHUNK, fire, 0)
        return h

    def drain(c):
        b = c % NBUF

        def wait_row(i, carry):
            pltpu.make_async_copy(real_hbm.at[pl.ds(0, 1)],
                                  gr_v[b].at[pl.ds(i, 1)], gr_sem[b]).wait()
            pltpu.make_async_copy(imag_hbm.at[pl.ds(0, 1)],
                                  gi_v[b].at[pl.ds(i, 1)], gi_sem[b]).wait()
            return carry

        lax.fori_loop(0, CHUNK, wait_row, 0)

    pending = {0: issue(0)}
    out_pending = {}
    for c in range(NCHUNK):
        b = c % NBUF
        if c + 1 < NCHUNK:
            pending[c + 1] = issue(c + 1)
        pending.pop(c).wait()
        drain(c)
        if c - NBUF in out_pending:
            out_pending.pop(c - NBUF).wait()
        ev, rv, iv, ov = emb_v[b], gr_v[b], gi_v[b], out_v[b]

        def row(i, carry):
            for j in range(HALF // LANES):
                er = ev[i, pl.ds(j * LANES, LANES)]
                ei = ev[i, pl.ds(HALF + j * LANES, LANES)]
                rr = rv[i, pl.ds(j * LANES, LANES)]
                ri = iv[i, pl.ds(j * LANES, LANES)]
                ov[i, pl.ds(j * LANES, LANES)] = er * rr - ei * ri
                ov[i, pl.ds(HALF + j * LANES, LANES)] = er * ri + ei * rr
            return carry

        lax.fori_loop(0, CHUNK, row, 0)
        base = wid * ROWS_PER_W + c * CHUNK
        out_pending[c] = pltpu.async_copy(
            ov, out_hbm.at[pl.ds(base, CHUNK)], out_sem[b])
    for h in out_pending.values():
        h.wait()


_sc_call = functools.partial(
    pl.kernel,
    out_type=jax.ShapeDtypeStruct((BATCH, DIM), jnp.float32),
    mesh=plsc.VectorSubcoreMesh(core_axis_name="c", subcore_axis_name="s"),
    scratch_types=[
        pltpu.VMEM((ROWS_PER_W + LANES,), jnp.int32),
        pltpu.VMEM((CHUNK, DIM), jnp.float32),
        pltpu.VMEM((CHUNK, DIM), jnp.float32),
        pltpu.VMEM((CHUNK, HALF), jnp.float32),
        pltpu.VMEM((CHUNK, HALF), jnp.float32),
        pltpu.VMEM((CHUNK, HALF), jnp.float32),
        pltpu.VMEM((CHUNK, HALF), jnp.float32),
        pltpu.VMEM((CHUNK, DIM), jnp.float32),
        pltpu.VMEM((CHUNK, DIM), jnp.float32),
        pltpu.SemaphoreType.DMA,
        pltpu.SemaphoreType.DMA,
        pltpu.SemaphoreType.DMA,
        pltpu.SemaphoreType.DMA,
        pltpu.SemaphoreType.DMA,
        pltpu.SemaphoreType.DMA,
        pltpu.SemaphoreType.DMA,
        pltpu.SemaphoreType.DMA,
    ],
)(_body)


def kernel(emb, rel_index, real, imag):
    idx = rel_index.astype(jnp.int32)
    return _sc_call(emb, idx, real, imag)

# --- scband reference (transcript-rebuilt; emitter-appended) ---
"""Pipeline reference for scband-compl-ex-operator-89326729822651 (READ-ONLY COPY).

The authoritative reference and input builder live on the scoring server;
editing this copy changes nothing except your own understanding.
"""

import jax, jax.numpy as jnp
import numpy as np

REL_SIZE = 1000000
DIM = 128
BATCH = 16384


def setup_inputs(seed: int = 0) -> dict:
    key = jax.random.key(seed)
    k1, k2, k3, k4 = jax.random.split(key, 4)
    emb = jax.random.normal(k1, (BATCH, DIM), dtype=jnp.float32)
    rel_index = jax.random.randint(k2, (BATCH,), 0, REL_SIZE, dtype=jnp.int64)
    real = jax.random.uniform(k3, (REL_SIZE, DIM // 2), dtype=jnp.float32)
    imag = jax.random.uniform(k4, (REL_SIZE, DIM // 2), dtype=jnp.float32)
    return {"emb": emb, "rel_index": rel_index, "real": real, "imag": imag}


def reference(emb, rel_index, real, imag):
    d = DIM // 2
    rel_real = jnp.take(real, rel_index, axis=0)
    rel_imag = jnp.take(imag, rel_index, axis=0)
    emb_real = emb[..., :d]
    emb_imag = emb[..., d:]
    out_real = emb_real * rel_real - emb_imag * rel_imag
    out_imag = emb_real * rel_imag + emb_imag * rel_real
    return jnp.concatenate([out_real, out_imag], axis=-1)

if __name__ == "__main__":
    import jax
    _d = setup_inputs()
    print(jax.jit(kernel)(*tuple(_d.values())))

</pallas_src>

<mosaic_0001>
#map = affine_map<(d0, d1) -> (0, 0)>
#map1 = affine_map<(d0, d1) -> (0)>
module attributes {stable_mosaic.version = 14 : i64} {
  func.func @_body(%arg0: i32, %arg1: i32, %arg2: memref<16384x128xf32, #tpu.memory_space<hbm>>, %arg3: memref<16384xi32, #tpu.memory_space<hbm>>, %arg4: memref<1000000x64xf32, #tpu.memory_space<hbm>>, %arg5: memref<1000000x64xf32, #tpu.memory_space<hbm>>, %arg6: memref<16384x128xf32, #tpu.memory_space<hbm>>, %arg7: memref<528xi32, #tpu.memory_space<vmem>>, %arg8: memref<64x128xf32, #tpu.memory_space<vmem>>, %arg9: memref<64x128xf32, #tpu.memory_space<vmem>>, %arg10: memref<64x64xf32, #tpu.memory_space<vmem>>, %arg11: memref<64x64xf32, #tpu.memory_space<vmem>>, %arg12: memref<64x64xf32, #tpu.memory_space<vmem>>, %arg13: memref<64x64xf32, #tpu.memory_space<vmem>>, %arg14: memref<64x128xf32, #tpu.memory_space<vmem>>, %arg15: memref<64x128xf32, #tpu.memory_space<vmem>>, %arg16: memref<!tpu.dma_semaphore, #tpu.memory_space<semaphore_mem>>, %arg17: memref<!tpu.dma_semaphore, #tpu.memory_space<semaphore_mem>>, %arg18: memref<!tpu.dma_semaphore, #tpu.memory_space<semaphore_mem>>, %arg19: memref<!tpu.dma_semaphore, #tpu.memory_space<semaphore_mem>>, %arg20: memref<!tpu.dma_semaphore, #tpu.memory_space<semaphore_mem>>, %arg21: memref<!tpu.dma_semaphore, #tpu.memory_space<semaphore_mem>>, %arg22: memref<!tpu.dma_semaphore, #tpu.memory_space<semaphore_mem>>, %arg23: memref<!tpu.dma_semaphore, #tpu.memory_space<semaphore_mem>>) attributes {dimension_semantics = [#tpu.dimension_semantics<core_parallel>, #tpu.dimension_semantics<subcore_parallel>], iteration_bounds = array<i64: 2, 16>, scalar_prefetch = 0 : i64, scratch_operands = 17 : i64, tpu.core_type = #tpu.core_type<sc_vector_subcore>, window_params = [{transform_indices = #map}, {transform_indices = #map1}, {transform_indices = #map}, {transform_indices = #map}, {transform_indices = #map}]} {
    %mul3A = arith.constant 2 : i32
    %mul3A_0 = arith.muli %arg1, %mul3A : i32
    %add3A = arith.addi %mul3A_0, %arg0 : i32
    %mul3A_1 = arith.constant 512 : i32
    %mul3A_2 = arith.muli %add3A, %mul3A_1 : i32
    "tpu.region"() ({
      %run_scoped3A = tpu.sem_alloc : memref<!tpu.dma_semaphore, #tpu.memory_space<semaphore_mem>>
      %dma_start3A_336 = arith.constant 0 : i32
      %dma_start3A_337 = tpu.memref_slice %arg7[%dma_start3A_336] : memref<528xi32, #tpu.memory_space<vmem>> -> memref<512xi32, #tpu.memory_space<vmem>>
      %dma_start3A_338 = tpu.memref_slice %arg3[%mul3A_2] : memref<16384xi32, #tpu.memory_space<hbm>> -> memref<512xi32, #tpu.memory_space<hbm>>
      %dma_start3A_339 = arith.constant 0 : i32
      %dma_start3A_340 = tpu.memref_slice %arg7[%dma_start3A_339] : memref<528xi32, #tpu.memory_space<vmem>> -> memref<512xi32, #tpu.memory_space<vmem>>
      %dma_start3A_341 = tpu.memref_slice %arg3[%mul3A_2] : memref<16384xi32, #tpu.memory_space<hbm>> -> memref<512xi32, #tpu.memory_space<hbm>>
      tpu.enqueue_dma source(%dma_start3A_341 : memref<512xi32, #tpu.memory_space<hbm>>) target(%dma_start3A_340 : memref<512xi32, #tpu.memory_space<vmem>>) target_semaphore(%run_scoped3A : memref<!tpu.dma_semaphore, #tpu.memory_space<semaphore_mem>>)
      %dma_wait3A_342 = arith.constant 0 : i32
      %dma_wait3A_343 = tpu.memref_slice %arg7[%dma_wait3A_342] : memref<528xi32, #tpu.memory_space<vmem>> -> memref<512xi32, #tpu.memory_space<vmem>>
      %dma_wait3A_344 = tpu.memref_slice %arg3[%mul3A_2] : memref<16384xi32, #tpu.memory_space<hbm>> -> memref<512xi32, #tpu.memory_space<hbm>>
      %dma_wait3A_345 = arith.constant 0 : i32
      %dma_wait3A_346 = tpu.memref_slice %arg7[%dma_wait3A_345] : memref<528xi32, #tpu.memory_space<vmem>> -> memref<512xi32, #tpu.memory_space<vmem>>
      %dma_wait3A_347 = tpu.memref_slice %arg3[%mul3A_2] : memref<16384xi32, #tpu.memory_space<hbm>> -> memref<512xi32, #tpu.memory_space<hbm>>
      tpu.wait_dma2 semaphore(%run_scoped3A : memref<!tpu.dma_semaphore, #tpu.memory_space<semaphore_mem>>) src(%dma_wait3A_347 : memref<512xi32, #tpu.memory_space<hbm>>) dst(%dma_wait3A_346 : memref<512xi32, #tpu.memory_space<vmem>>)
      tpu.yield
    }) : () -> ()
    %mul3A_3 = arith.constant 512 : i32
    %mul3A_4 = arith.muli %add3A, %mul3A_3 : i32
    %add3A_5 = arith.constant 0 : i32
    %add3A_6 = arith.addi %mul3A_4, %add3A_5 : i32
    %dma_start3A = arith.constant 0 : i32
    %dma_start3A_7 = tpu.memref_slice %arg2[%add3A_6, %dma_start3A] : memref<16384x128xf32, #tpu.memory_space<hbm>> -> memref<64x128xf32, #tpu.memory_space<hbm>>
    %dma_start3A_8 = arith.constant 0 : i32
    %dma_start3A_9 = tpu.memref_slice %arg2[%add3A_6, %dma_start3A_8] : memref<16384x128xf32, #tpu.memory_space<hbm>> -> memref<64x128xf32, #tpu.memory_space<hbm>>
    tpu.enqueue_dma source(%dma_start3A_9 : memref<64x128xf32, #tpu.memory_space<hbm>>) target(%arg8 : memref<64x128xf32, #tpu.memory_space<vmem>>) target_semaphore(%arg16 : memref<!tpu.dma_semaphore, #tpu.memory_space<semaphore_mem>>)
    %scan3A = arith.constant 0 : i32
    %scan3A_10 = arith.constant 0 : i32
    %scan3A_11 = arith.constant 64 : i32
    %scan3A_12 = arith.addi %scan3A_10, %scan3A_11 : i32
    %scan3A_13 = arith.constant 1 : i32
    scf.for %scan3A_336 = %scan3A_10 to %scan3A_12 step %scan3A_13  : i32 {
      %add3A_337 = arith.constant 0 : i32
      %add3A_338 = arith.addi %add3A_337, %scan3A_336 : i32
      %get3A = arith.index_cast %add3A_338 : i32 to index
      %get3A_339 = tpu.vector_load %arg7[%get3A] {strides = array<i32>} : memref<528xi32, #tpu.memory_space<vmem>>, vector<16xi32>,
      %get3A_340 = vector.shape_cast %get3A_339 : vector<16xi32> to vector<16xi32>
      %slice3A = vector.extract_strided_slice %get3A_340 {offsets = [0], sizes = [1], strides = [1]} : vector<16xi32> to vector<1xi32>
      %squeeze3A = vector.extract %slice3A[0] : i32 from vector<1xi32>
      %dma_start3A_341 = arith.constant 0 : i32
      %dma_start3A_342 = tpu.memref_slice %arg10[%scan3A_336, %dma_start3A_341] : memref<64x64xf32, #tpu.memory_space<vmem>> -> memref<1x64xf32, #tpu.memory_space<vmem>>
      %dma_start3A_343 = arith.constant 0 : i32
      %dma_start3A_344 = tpu.memref_slice %arg4[%squeeze3A, %dma_start3A_343] : memref<1000000x64xf32, #tpu.memory_space<hbm>> -> memref<1x64xf32, #tpu.memory_space<hbm>>
      %dma_start3A_345 = arith.constant 0 : i32
      %dma_start3A_346 = tpu.memref_slice %arg10[%scan3A_336, %dma_start3A_345] : memref<64x64xf32, #tpu.memory_space<vmem>> -> memref<1x64xf32, #tpu.memory_space<vmem>>
      %dma_start3A_347 = arith.constant 0 : i32
      %dma_start3A_348 = tpu.memref_slice %arg4[%squeeze3A, %dma_start3A_347] : memref<1000000x64xf32, #tpu.memory_space<hbm>> -> memref<1x64xf32, #tpu.memory_space<hbm>>
      tpu.enqueue_dma source(%dma_start3A_348 : memref<1x64xf32, #tpu.memory_space<hbm>>) target(%dma_start3A_346 : memref<1x64xf32, #tpu.memory_space<vmem>>) target_semaphore(%arg18 : memref<!tpu.dma_semaphore, #tpu.memory_space<semaphore_mem>>)
      %dma_start3A_349 = arith.constant 0 : i32
      %dma_start3A_350 = tpu.memref_slice %arg12[%scan3A_336, %dma_start3A_349] : memref<64x64xf32, #tpu.memory_space<vmem>> -> memref<1x64xf32, #tpu.memory_space<vmem>>
      %dma_start3A_351 = arith.constant 0 : i32
      %dma_start3A_352 = tpu.memref_slice %arg5[%squeeze3A, %dma_start3A_351] : memref<1000000x64xf32, #tpu.memory_space<hbm>> -> memref<1x64xf32, #tpu.memory_space<hbm>>
      %dma_start3A_353 = arith.constant 0 : i32
      %dma_start3A_354 = tpu.memref_slice %arg12[%scan3A_336, %dma_start3A_353] : memref<64x64xf32, #tpu.memory_space<vmem>> -> memref<1x64xf32, #tpu.memory_space<vmem>>
      %dma_start3A_355 = arith.constant 0 : i32
      %dma_start3A_356 = tpu.memref_slice %arg5[%squeeze3A, %dma_start3A_355] : memref<1000000x64xf32, #tpu.memory_space<hbm>> -> memref<1x64xf32, #tpu.memory_space<hbm>>
      tpu.enqueue_dma source(%dma_start3A_356 : memref<1x64xf32, #tpu.memory_space<hbm>>) target(%dma_start3A_354 : memref<1x64xf32, #tpu.memory_space<vmem>>) target_semaphore(%arg20 : memref<!tpu.dma_semaphore, #tpu.memory_space<semaphore_mem>>)
    }
    %scan3A_14 = arith.constant 64 : i32
    %mul3A_15 = arith.constant 512 : i32
    %mul3A_16 = arith.muli %add3A, %mul3A_15 : i32
    %add3A_17 = arith.constant 64 : i32
    %add3A_18 = arith.addi %mul3A_16, %add3A_17 : i32
    %dma_start3A_19 = arith.constant 0 : i32
    %dma_start3A_20 = tpu.memref_slice %arg2[%add3A_18, %dma_start3A_19] : memref<16384x128xf32, #tpu.memory_space<hbm>> -> memref<64x128xf32, #tpu.memory_space<hbm>>
    %dma_start3A_21 = arith.constant 0 : i32
    %dma_start3A_22 = tpu.memref_slice %arg2[%add3A_18, %dma_start3A_21] : memref<16384x128xf32, #tpu.memory_space<hbm>> -> memref<64x128xf32, #tpu.memory_space<hbm>>
    tpu.enqueue_dma source(%dma_start3A_22 : memref<64x128xf32, #tpu.memory_space<hbm>>) target(%arg9 : memref<64x128xf32, #tpu.memory_space<vmem>>) target_semaphore(%arg17 : memref<!tpu.dma_semaphore, #tpu.memory_space<semaphore_mem>>)
    %scan3A_23 = arith.constant 0 : i32
    %scan3A_24 = arith.constant 0 : i32
    %scan3A_25 = arith.constant 64 : i32
    %scan3A_26 = arith.addi %scan3A_24, %scan3A_25 : i32
    %scan3A_27 = arith.constant 1 : i32
    scf.for %scan3A_336 = %scan3A_24 to %scan3A_26 step %scan3A_27  : i32 {
      %add3A_337 = arith.constant 64 : i32
      %add3A_338 = arith.addi %add3A_337, %scan3A_336 : i32
      %get3A = arith.index_cast %add3A_338 : i32 to index
      %get3A_339 = tpu.vector_load %arg7[%get3A] {strides = array<i32>} : memref<528xi32, #tpu.memory_space<vmem>>, vector<16xi32>,
      %get3A_340 = vector.shape_cast %get3A_339 : vector<16xi32> to vector<16xi32>
      %slice3A = vector.extract_strided_slice %get3A_340 {offsets = [0], sizes = [1], strides = [1]} : vector<16xi32> to vector<1xi32>
      %squeeze3A = vector.extract %slice3A[0] : i32 from vector<1xi32>
      %dma_start3A_341 = arith.constant 0 : i32
      %dma_start3A_342 = tpu.memref_slice %arg11[%scan3A_336, %dma_start3A_341] : memref<64x64xf32, #tpu.memory_space<vmem>> -> memref<1x64xf32, #tpu.memory_space<vmem>>
      %dma_start3A_343 = arith.constant 0 : i32
      %dma_start3A_344 = tpu.memref_slice %arg4[%squeeze3A, %dma_start3A_343] : memref<1000000x64xf32, #tpu.memory_space<hbm>> -> memref<1x64xf32, #tpu.memory_space<hbm>>
      %dma_start3A_345 = arith.constant 0 : i32
      %dma_start3A_346 = tpu.memref_slice %arg11[%scan3A_336, %dma_start3A_345] : memref<64x64xf32, #tpu.memory_space<vmem>> -> memref<1x64xf32, #tpu.memory_space<vmem>>
      %dma_start3A_347 = arith.constant 0 : i32
      %dma_start3A_348 = tpu.memref_slice %arg4[%squeeze3A, %dma_start3A_347] : memref<1000000x64xf32, #tpu.memory_space<hbm>> -> memref<1x64xf32, #tpu.memory_space<hbm>>
      tpu.enqueue_dma source(%dma_start3A_348 : memref<1x64xf32, #tpu.memory_space<hbm>>) target(%dma_start3A_346 : memref<1x64xf32, #tpu.memory_space<vmem>>) target_semaphore(%arg19 : memref<!tpu.dma_semaphore, #tpu.memory_space<semaphore_mem>>)
      %dma_start3A_349 = arith.constant 0 : i32
      %dma_start3A_350 = tpu.memref_slice %arg13[%scan3A_336, %dma_start3A_349] : memref<64x64xf32, #tpu.memory_space<vmem>> -> memref<1x64xf32, #tpu.memory_space<vmem>>
      %dma_start3A_351 = arith.constant 0 : i32
      %dma_start3A_352 = tpu.memref_slice %arg5[%squeeze3A, %dma_start3A_351] : memref<1000000x64xf32, #tpu.memory_space<hbm>> -> memref<1x64xf32, #tpu.memory_space<hbm>>
      %dma_start3A_353 = arith.constant 0 : i32
      %dma_start3A_354 = tpu.memref_slice %arg13[%scan3A_336, %dma_start3A_353] : memref<64x64xf32, #tpu.memory_space<vmem>> -> memref<1x64xf32, #tpu.memory_space<vmem>>
      %dma_start3A_355 = arith.constant 0 : i32
      %dma_start3A_356 = tpu.memref_slice %arg5[%squeeze3A, %dma_start3A_355] : memref<1000000x64xf32, #tpu.memory_space<hbm>> -> memref<1x64xf32, #tpu.memory_space<hbm>>
      tpu.enqueue_dma source(%dma_start3A_356 : memref<1x64xf32, #tpu.memory_space<hbm>>) target(%dma_start3A_354 : memref<1x64xf32, #tpu.memory_space<vmem>>) target_semaphore(%arg21 : memref<!tpu.dma_semaphore, #tpu.memory_space<semaphore_mem>>)
    }
    %scan3A_28 = arith.constant 64 : i32
    %dma_wait3A = arith.constant 0 : i32
    %dma_wait3A_29 = tpu.memref_slice %arg2[%add3A_6, %dma_wait3A] : memref<16384x128xf32, #tpu.memory_space<hbm>> -> memref<64x128xf32, #tpu.memory_space<hbm>>
    %dma_wait3A_30 = arith.constant 0 : i32
    %dma_wait3A_31 = tpu.memref_slice %arg2[%add3A_6, %dma_wait3A_30] : memref<16384x128xf32, #tpu.memory_space<hbm>> -> memref<64x128xf32, #tpu.memory_space<hbm>>
    tpu.wait_dma2 semaphore(%arg16 : memref<!tpu.dma_semaphore, #tpu.memory_space<semaphore_mem>>) src(%dma_wait3A_31 : memref<64x128xf32, #tpu.memory_space<hbm>>) dst(%arg8 : memref<64x128xf32, #tpu.memory_space<vmem>>)
    %scan3A_32 = arith.constant 0 : i32
    %scan3A_33 = arith.constant 0 : i32
    %scan3A_34 = arith.constant 64 : i32
    %scan3A_35 = arith.addi %scan3A_33, %scan3A_34 : i32
    %scan3A_36 = arith.constant 1 : i32
    scf.for %scan3A_336 = %scan3A_33 to %scan3A_35 step %scan3A_36  : i32 {
      %dma_wait3A_337 = arith.constant 0 : i32
      %dma_wait3A_338 = tpu.memref_slice %arg10[%scan3A_336, %dma_wait3A_337] : memref<64x64xf32, #tpu.memory_space<vmem>> -> memref<1x64xf32, #tpu.memory_space<vmem>>
      %dma_wait3A_339 = arith.constant 0 : i32
      %dma_wait3A_340 = arith.constant 0 : i32
      %dma_wait3A_341 = tpu.memref_slice %arg4[%dma_wait3A_339, %dma_wait3A_340] : memref<1000000x64xf32, #tpu.memory_space<hbm>> -> memref<1x64xf32, #tpu.memory_space<hbm>>
      %dma_wait3A_342 = arith.constant 0 : i32
      %dma_wait3A_343 = tpu.memref_slice %arg10[%scan3A_336, %dma_wait3A_342] : memref<64x64xf32, #tpu.memory_space<vmem>> -> memref<1x64xf32, #tpu.memory_space<vmem>>
      %dma_wait3A_344 = arith.constant 0 : i32
      %dma_wait3A_345 = arith.constant 0 : i32
      %dma_wait3A_346 = tpu.memref_slice %arg4[%dma_wait3A_344, %dma_wait3A_345] : memref<1000000x64xf32, #tpu.memory_space<hbm>> -> memref<1x64xf32, #tpu.memory_space<hbm>>
      tpu.wait_dma2 semaphore(%arg18 : memref<!tpu.dma_semaphore, #tpu.memory_space<semaphore_mem>>) src(%dma_wait3A_346 : memref<1x64xf32, #tpu.memory_space<hbm>>) dst(%dma_wait3A_343 : memref<1x64xf32, #tpu.memory_space<vmem>>)
      %dma_wait3A_347 = arith.constant 0 : i32
      %dma_wait3A_348 = tpu.memref_slice %arg12[%scan3A_336, %dma_wait3A_347] : memref<64x64xf32, #tpu.memory_space<vmem>> -> memref<1x64xf32, #tpu.memory_space<vmem>>
      %dma_wait3A_349 = arith.constant 0 : i32
      %dma_wait3A_350 = arith.constant 0 : i32
      %dma_wait3A_351 = tpu.memref_slice %arg5[%dma_wait3A_349, %dma_wait3A_350] : memref<1000000x64xf32, #tpu.memory_space<hbm>> -> memref<1x64xf32, #tpu.memory_space<hbm>>
      %dma_wait3A_352 = arith.constant 0 : i32
      %dma_wait3A_353 = tpu.memref_slice %arg12[%scan3A_336, %dma_wait3A_352] : memref<64x64xf32, #tpu.memory_space<vmem>> -> memref<1x64xf32, #tpu.memory_space<vmem>>
      %dma_wait3A_354 = arith.constant 0 : i32
      %dma_wait3A_355 = arith.constant 0 : i32
      %dma_wait3A_356 = tpu.memref_slice %arg5[%dma_wait3A_354, %dma_wait3A_355] : memref<1000000x64xf32, #tpu.memory_space<hbm>> -> memref<1x64xf32, #tpu.memory_space<hbm>>
      tpu.wait_dma2 semaphore(%arg20 : memref<!tpu.dma_semaphore, #tpu.memory_space<semaphore_mem>>) src(%dma_wait3A_356 : memref<1x64xf32, #tpu.memory_space<hbm>>) dst(%dma_wait3A_353 : memref<1x64xf32, #tpu.memory_space<vmem>>)
    }
    %scan3A_37 = arith.constant 64 : i32
    %scan3A_38 = arith.constant 0 : i32
    %scan3A_39 = arith.constant 0 : i32
    %scan3A_40 = arith.constant 64 : i32
    %scan3A_41 = arith.addi %scan3A_39, %scan3A_40 : i32
    %scan3A_42 = arith.constant 1 : i32
    scf.for %scan3A_336 = %scan3A_39 to %scan3A_41 step %scan3A_42  : i32 {
      %get3A = arith.index_cast %scan3A_336 : i32 to index
      %get3A_337 = arith.constant 0 : index
      %get3A_338 = tpu.vector_load %arg8[%get3A, %get3A_337] {strides = array<i32>} : memref<64x128xf32, #tpu.memory_space<vmem>>, vector<1x16xf32>,
      %get3A_339 = vector.shape_cast %get3A_338 : vector<1x16xf32> to vector<16xf32>
      %get3A_340 = arith.index_cast %scan3A_336 : i32 to index
      %get3A_341 = arith.constant 64 : index
      %get3A_342 = tpu.vector_load %arg8[%get3A_340, %get3A_341] {strides = array<i32>} : memref<64x128xf32, #tpu.memory_space<vmem>>, vector<1x16xf32>,
      %get3A_343 = vector.shape_cast %get3A_342 : vector<1x16xf32> to vector<16xf32>
      %get3A_344 = arith.index_cast %scan3A_336 : i32 to index
      %get3A_345 = arith.constant 0 : index
      %get3A_346 = tpu.vector_load %arg10[%get3A_344, %get3A_345] {strides = array<i32>} : memref<64x64xf32, #tpu.memory_space<vmem>>, vector<1x16xf32>,
      %get3A_347 = vector.shape_cast %get3A_346 : vector<1x16xf32> to vector<16xf32>
      %get3A_348 = arith.index_cast %scan3A_336 : i32 to index
      %get3A_349 = arith.constant 0 : index
      %get3A_350 = tpu.vector_load %arg12[%get3A_348, %get3A_349] {strides = array<i32>} : memref<64x64xf32, #tpu.memory_space<vmem>>, vector<1x16xf32>,
      %get3A_351 = vector.shape_cast %get3A_350 : vector<1x16xf32> to vector<16xf32>
      %mul3A_352 = arith.mulf %get3A_339, %get3A_347 : vector<16xf32>
      %mul3A_353 = arith.mulf %get3A_343, %get3A_351 : vector<16xf32>
      %sub3A = arith.subf %mul3A_352, %mul3A_353 : vector<16xf32>
      %swap3A = arith.index_cast %scan3A_336 : i32 to index
      %swap3A_354 = arith.constant 0 : index
      %swap3A_355 = tpu.vector_load %arg14[%swap3A, %swap3A_354] {strides = array<i32>} : memref<64x128xf32, #tpu.memory_space<vmem>>, vector<1x16xf32>,
      %swap3A_356 = vector.shape_cast %swap3A_355 : vector<1x16xf32> to vector<16xf32>
      %swap3A_357 = vector.shape_cast %sub3A : vector<16xf32> to vector<1x16xf32>
      tpu.vector_store %arg14[%swap3A, %swap3A_354], %swap3A_357 {strides = array<i32>} : memref<64x128xf32, #tpu.memory_space<vmem>>, vector<1x16xf32>,
      %mul3A_358 = arith.mulf %get3A_339, %get3A_351 : vector<16xf32>
      %mul3A_359 = arith.mulf %get3A_343, %get3A_347 : vector<16xf32>
      %add3A_360 = arith.addf %mul3A_358, %mul3A_359 : vector<16xf32>
      %swap3A_361 = arith.index_cast %scan3A_336 : i32 to index
      %swap3A_362 = arith.constant 64 : index
      %swap3A_363 = tpu.vector_load %arg14[%swap3A_361, %swap3A_362] {strides = array<i32>} : memref<64x128xf32, #tpu.memory_space<vmem>>, vector<1x16xf32>,
      %swap3A_364 = vector.shape_cast %swap3A_363 : vector<1x16xf32> to vector<16xf32>
      %swap3A_365 = vector.shape_cast %add3A_360 : vector<16xf32> to vector<1x16xf32>
      tpu.vector_store %arg14[%swap3A_361, %swap3A_362], %swap3A_365 {strides = array<i32>} : memref<64x128xf32, #tpu.memory_space<vmem>>, vector<1x16xf32>,
      %get3A_366 = arith.index_cast %scan3A_336 : i32 to index
      %get3A_367 = arith.constant 16 : index
      %get3A_368 = tpu.vector_load %arg8[%get3A_366, %get3A_367] {strides = array<i32>} : memref<64x128xf32, #tpu.memory_space<vmem>>, vector<1x16xf32>,
      %get3A_369 = vector.shape_cast %get3A_368 : vector<1x16xf32> to vector<16xf32>
      %get3A_370 = arith.index_cast %scan3A_336 : i32 to index
      %get3A_371 = arith.constant 80 : index
      %get3A_372 = tpu.vector_load %arg8[%get3A_370, %get3A_371] {strides = array<i32>} : memref<64x128xf32, #tpu.memory_space<vmem>>, vector<1x16xf32>,
      %get3A_373 = vector.shape_cast %get3A_372 : vector<1x16xf32> to vector<16xf32>
      %get3A_374 = arith.index_cast %scan3A_336 : i32 to index
      %get3A_375 = arith.constant 16 : index
      %get3A_376 = tpu.vector_load %arg10[%get3A_374, %get3A_375] {strides = array<i32>} : memref<64x64xf32, #tpu.memory_space<vmem>>, vector<1x16xf32>,
      %get3A_377 = vector.shape_cast %get3A_376 : vector<1x16xf32> to vector<16xf32>
      %get3A_378 = arith.index_cast %scan3A_336 : i32 to index
      %get3A_379 = arith.constant 16 : index
      %get3A_380 = tpu.vector_load %arg12[%get3A_378, %get3A_379] {strides = array<i32>} : memref<64x64xf32, #tpu.memory_space<vmem>>, vector<1x16xf32>,
      %get3A_381 = vector.shape_cast %get3A_380 : vector<1x16xf32> to vector<16xf32>
      %mul3A_382 = arith.mulf %get3A_369, %get3A_377 : vector<16xf32>
      %mul3A_383 = arith.mulf %get3A_373, %get3A_381 : vector<16xf32>
      %sub3A_384 = arith.subf %mul3A_382, %mul3A_383 : vector<16xf32>
      %swap3A_385 = arith.index_cast %scan3A_336 : i32 to index
      %swap3A_386 = arith.constant 16 : index
      %swap3A_387 = tpu.vector_load %arg14[%swap3A_385, %swap3A_386] {strides = array<i32>} : memref<64x128xf32, #tpu.memory_space<vmem>>, vector<1x16xf32>,
      %swap3A_388 = vector.shape_cast %swap3A_387 : vector<1x16xf32> to vector<16xf32>
      %swap3A_389 = vector.shape_cast %sub3A_384 : vector<16xf32> to vector<1x16xf32>
      tpu.vector_store %arg14[%swap3A_385, %swap3A_386], %swap3A_389 {strides = array<i32>} : memref<64x128xf32, #tpu.memory_space<vmem>>, vector<1x16xf32>,
      %mul3A_390 = arith.mulf %get3A_369, %get3A_381 : vector<16xf32>
      %mul3A_391 = arith.mulf %get3A_373, %get3A_377 : vector<16xf32>
      %add3A_392 = arith.addf %mul3A_390, %mul3A_391 : vector<16xf32>
      %swap3A_393 = arith.index_cast %scan3A_336 : i32 to index
      %swap3A_394 = arith.constant 80 : index
      %swap3A_395 = tpu.vector_load %arg14[%swap3A_393, %swap3A_394] {strides = array<i32>} : memref<64x128xf32, #tpu.memory_space<vmem>>, vector<1x16xf32>,
      %swap3A_396 = vector.shape_cast %swap3A_395 : vector<1x16xf32> to vector<16xf32>
      %swap3A_397 = vector.shape_cast %add3A_392 : vector<16xf32> to vector<1x16xf32>
      tpu.vector_store %arg14[%swap3A_393, %swap3A_394], %swap3A_397 {strides = array<i32>} : memref<64x128xf32, #tpu.memory_space<vmem>>, vector<1x16xf32>,
      %get3A_398 = arith.index_cast %scan3A_336 : i32 to index
      %get3A_399 = arith.constant 32 : index
      %get3A_400 = tpu.vector_load %arg8[%get3A_398, %get3A_399] {strides = array<i32>} : memref<64x128xf32, #tpu.memory_space<vmem>>, vector<1x16xf32>,
      %get3A_401 = vector.shape_cast %get3A_400 : vector<1x16xf32> to vector<16xf32>
      %get3A_402 = arith.index_cast %scan3A_336 : i32 to index
      %get3A_403 = arith.constant 96 : index
      %get3A_404 = tpu.vector_load %arg8[%get3A_402, %get3A_403] {strides = array<i32>} : memref<64x128xf32, #tpu.memory_space<vmem>>, vector<1x16xf32>,
      %get3A_405 = vector.shape_cast %get3A_404 : vector<1x16xf32> to vector<16xf32>
      %get3A_406 = arith.index_cast %scan3A_336 : i32 to index
      %get3A_407 = arith.constant 32 : index
      %get3A_408 = tpu.vector_load %arg10[%get3A_406, %get3A_407] {strides = array<i32>} : memref<64x64xf32, #tpu.memory_space<vmem>>, vector<1x16xf32>,
      %get3A_409 = vector.shape_cast %get3A_408 : vector<1x16xf32> to vector<16xf32>
      %get3A_410 = arith.index_cast %scan3A_336 : i32 to index
      %get3A_411 = arith.constant 32 : index
      %get3A_412 = tpu.vector_load %arg12[%get3A_410, %get3A_411] {strides = array<i32>} : memref<64x64xf32, #tpu.memory_space<vmem>>, vector<1x16xf32>,
      %get3A_413 = vector.shape_cast %get3A_412 : vector<1x16xf32> to vector<16xf32>
      %mul3A_414 = arith.mulf %get3A_401, %get3A_409 : vector<16xf32>
      %mul3A_415 = arith.mulf %get3A_405, %get3A_413 : vector<16xf32>
      %sub3A_416 = arith.subf %mul3A_414, %mul3A_415 : vector<16xf32>
      %swap3A_417 = arith.index_cast %scan3A_336 : i32 to index
      %swap3A_418 = arith.constant 32 : index
      %swap3A_419 = tpu.vector_load %arg14[%swap3A_417, %swap3A_418] {strides = array<i32>} : memref<64x128xf32, #tpu.memory_space<vmem>>, vector<1x16xf32>,
      %swap3A_420 = vector.shape_cast %swap3A_419 : vector<1x16xf32> to vector<16xf32>
      %swap3A_421 = vector.shape_cast %sub3A_416 : vector<16xf32> to vector<1x16xf32>
      tpu.vector_store %arg14[%swap3A_417, %swap3A_418], %swap3A_421 {strides = array<i32>} : memref<64x128xf32, #tpu.memory_space<vmem>>, vector<1x16xf32>,
      %mul3A_422 = arith.mulf %get3A_401, %get3A_413 : vector<16xf32>
      %mul3A_423 = arith.mulf %get3A_405, %get3A_409 : vector<16xf32>
      %add3A_424 = arith.addf %mul3A_422, %mul3A_423 : vector<16xf32>
      %swap3A_425 = arith.index_cast %scan3A_336 : i32 to index
      %swap3A_426 = arith.constant 96 : index
      %swap3A_427 = tpu.vector_load %arg14[%swap3A_425, %swap3A_426] {strides = array<i32>} : memref<64x128xf32, #tpu.memory_space<vmem>>, vector<1x16xf32>,
      %swap3A_428 = vector.shape_cast %swap3A_427 : vector<1x16xf32> to vector<16xf32>
      %swap3A_429 = vector.shape_cast %add3A_424 : vector<16xf32> to vector<1x16xf32>
      tpu.vector_store %arg14[%swap3A_425, %swap3A_426], %swap3A_429 {strides = array<i32>} : memref<64x128xf32, #tpu.memory_space<vmem>>, vector<1x16xf32>,
      %get3A_430 = arith.index_cast %scan3A_336 : i32 to index
      %get3A_431 = arith.constant 48 : index
      %get3A_432 = tpu.vector_load %arg8[%get3A_430, %get3A_431] {strides = array<i32>} : memref<64x128xf32, #tpu.memory_space<vmem>>, vector<1x16xf32>,
      %get3A_433 = vector.shape_cast %get3A_432 : vector<1x16xf32> to vector<16xf32>
      %get3A_434 = arith.index_cast %scan3A_336 : i32 to index
      %get3A_435 = arith.constant 112 : index
      %get3A_436 = tpu.vector_load %arg8[%get3A_434, %get3A_435] {strides = array<i32>} : memref<64x128xf32, #tpu.memory_space<vmem>>, vector<1x16xf32>,
      %get3A_437 = vector.shape_cast %get3A_436 : vector<1x16xf32> to vector<16xf32>
      %get3A_438 = arith.index_cast %scan3A_336 : i32 to index
      %get3A_439 = arith.constant 48 : index
      %get3A_440 = tpu.vector_load %arg10[%get3A_438, %get3A_439] {strides = array<i32>} : memref<64x64xf32, #tpu.memory_space<vmem>>, vector<1x16xf32>,
      %get3A_441 = vector.shape_cast %get3A_440 : vector<1x16xf32> to vector<16xf32>
      %get3A_442 = arith.index_cast %scan3A_336 : i32 to index
      %get3A_443 = arith.constant 48 : index
      %get3A_444 = tpu.vector_load %arg12[%get3A_442, %get3A_443] {strides = array<i32>} : memref<64x64xf32, #tpu.memory_space<vmem>>, vector<1x16xf32>,
      %get3A_445 = vector.shape_cast %get3A_444 : vector<1x16xf32> to vector<16xf32>
      %mul3A_446 = arith.mulf %get3A_433, %get3A_441 : vector<16xf32>
      %mul3A_447 = arith.mulf %get3A_437, %get3A_445 : vector<16xf32>
      %sub3A_448 = arith.subf %mul3A_446, %mul3A_447 : vector<16xf32>
      %swap3A_449 = arith.index_cast %scan3A_336 : i32 to index
      %swap3A_450 = arith.constant 48 : index
      %swap3A_451 = tpu.vector_load %arg14[%swap3A_449, %swap3A_450] {strides = array<i32>} : memref<64x128xf32, #tpu.memory_space<vmem>>, vector<1x16xf32>,
      %swap3A_452 = vector.shape_cast %swap3A_451 : vector<1x16xf32> to vector<16xf32>
      %swap3A_453 = vector.shape_cast %sub3A_448 : vector<16xf32> to vector<1x16xf32>
      tpu.vector_store %arg14[%swap3A_449, %swap3A_450], %swap3A_453 {strides = array<i32>} : memref<64x128xf32, #tpu.memory_space<vmem>>, vector<1x16xf32>,
      %mul3A_454 = arith.mulf %get3A_433, %get3A_445 : vector<16xf32>
      %mul3A_455 = arith.mulf %get3A_437, %get3A_441 : vector<16xf32>
      %add3A_456 = arith.addf %mul3A_454, %mul3A_455 : vector<16xf32>
      %swap3A_457 = arith.index_cast %scan3A_336 : i32 to index
      %swap3A_458 = arith.constant 112 : index
      %swap3A_459 = tpu.vector_load %arg14[%swap3A_457, %swap3A_458] {strides = array<i32>} : memref<64x128xf32, #tpu.memory_space<vmem>>, vector<1x16xf32>,
      %swap3A_460 = vector.shape_cast %swap3A_459 : vector<1x16xf32> to vector<16xf32>
      %swap3A_461 = vector.shape_cast %add3A_456 : vector<16xf32> to vector<1x16xf32>
      tpu.vector_store %arg14[%swap3A_457, %swap3A_458], %swap3A_461 {strides = array<i32>} : memref<64x128xf32, #tpu.memory_space<vmem>>, vector<1x16xf32>,
    }
    %scan3A_43 = arith.constant 64 : i32
    %mul3A_44 = arith.constant 512 : i32
    %mul3A_45 = arith.muli %add3A, %mul3A_44 : i32
    %add3A_46 = arith.constant 0 : i32
    %add3A_47 = arith.addi %mul3A_45, %add3A_46 : i32
    %dma_start3A_48 = arith.constant 0 : i32
    %dma_start3A_49 = tpu.memref_slice %arg6[%add3A_47, %dma_start3A_48] : memref<16384x128xf32, #tpu.memory_space<hbm>> -> memref<64x128xf32, #tpu.memory_space<hbm>>
    %dma_start3A_50 = arith.constant 0 : i32
    %dma_start3A_51 = tpu.memref_slice %arg6[%add3A_47, %dma_start3A_50] : memref<16384x128xf32, #tpu.memory_space<hbm>> -> memref<64x128xf32, #tpu.memory_space<hbm>>
    tpu.enqueue_dma source(%arg14 : memref<64x128xf32, #tpu.memory_space<vmem>>) target(%dma_start3A_51 : memref<64x128xf32, #tpu.memory_space<hbm>>) target_semaphore(%arg22 : memref<!tpu.dma_semaphore, #tpu.memory_space<semaphore_mem>>)
    %mul3A_52 = arith.constant 512 : i32
    %mul3A_53 = arith.muli %add3A, %mul3A_52 : i32
    %add3A_54 = arith.constant 128 : i32
    %add3A_55 = arith.addi %mul3A_53, %add3A_54 : i32
    %dma_start3A_56 = arith.constant 0 : i32
    %dma_start3A_57 = tpu.memref_slice %arg2[%add3A_55, %dma_start3A_56] : memref<16384x128xf32, #tpu.memory_space<hbm>> -> memref<64x128xf32, #tpu.memory_space<hbm>>
    %dma_start3A_58 = arith.constant 0 : i32
    %dma_start3A_59 = tpu.memref_slice %arg2[%add3A_55, %dma_start3A_58] : memref<16384x128xf32, #tpu.memory_space<hbm>> -> memref<64x128xf32, #tpu.memory_space<hbm>>
    tpu.enqueue_dma source(%dma_start3A_59 : memref<64x128xf32, #tpu.memory_space<hbm>>) target(%arg8 : memref<64x128xf32, #tpu.memory_space<vmem>>) target_semaphore(%arg16 : memref<!tpu.dma_semaphore, #tpu.memory_space<semaphore_mem>>)
    %scan3A_60 = arith.constant 0 : i32
    %scan3A_61 = arith.constant 0 : i32
    %scan3A_62 = arith.constant 64 : i32
    %scan3A_63 = arith.addi %scan3A_61, %scan3A_62 : i32
    %scan3A_64 = arith.constant 1 : i32
    scf.for %scan3A_336 = %scan3A_61 to %scan3A_63 step %scan3A_64  : i32 {
      %add3A_337 = arith.constant 128 : i32
      %add3A_338 = arith.addi %add3A_337, %scan3A_336 : i32
      %get3A = arith.index_cast %add3A_338 : i32 to index
      %get3A_339 = tpu.vector_load %arg7[%get3A] {strides = array<i32>} : memref<528xi32, #tpu.memory_space<vmem>>, vector<16xi32>,
      %get3A_340 = vector.shape_cast %get3A_339 : vector<16xi32> to vector<16xi32>
      %slice3A = vector.extract_strided_slice %get3A_340 {offsets = [0], sizes = [1], strides = [1]} : vector<16xi32> to vector<1xi32>
      %squeeze3A = vector.extract %slice3A[0] : i32 from vector<1xi32>
      %dma_start3A_341 = arith.constant 0 : i32
      %dma_start3A_342 = tpu.memref_slice %arg10[%scan3A_336, %dma_start3A_341] : memref<64x64xf32, #tpu.memory_space<vmem>> -> memref<1x64xf32, #tpu.memory_space<vmem>>
      %dma_start3A_343 = arith.constant 0 : i32
      %dma_start3A_344 = tpu.memref_slice %arg4[%squeeze3A, %dma_start3A_343] : memref<1000000x64xf32, #tpu.memory_space<hbm>> -> memref<1x64xf32, #tpu.memory_space<hbm>>
      %dma_start3A_345 = arith.constant 0 : i32
      %dma_start3A_346 = tpu.memref_slice %arg10[%scan3A_336, %dma_start3A_345] : memref<64x64xf32, #tpu.memory_space<vmem>> -> memref<1x64xf32, #tpu.memory_space<vmem>>
      %dma_start3A_347 = arith.constant 0 : i32
      %dma_start3A_348 = tpu.memref_slice %arg4[%squeeze3A, %dma_start3A_347] : memref<1000000x64xf32, #tpu.memory_space<hbm>> -> memref<1x64xf32, #tpu.memory_space<hbm>>
      tpu.enqueue_dma source(%dma_start3A_348 : memref<1x64xf32, #tpu.memory_space<hbm>>) target(%dma_start3A_346 : memref<1x64xf32, #tpu.memory_space<vmem>>) target_semaphore(%arg18 : memref<!tpu.dma_semaphore, #tpu.memory_space<semaphore_mem>>)
      %dma_start3A_349 = arith.constant 0 : i32
      %dma_start3A_350 = tpu.memref_slice %arg12[%scan3A_336, %dma_start3A_349] : memref<64x64xf32, #tpu.memory_space<vmem>> -> memref<1x64xf32, #tpu.memory_space<vmem>>
      %dma_start3A_351 = arith.constant 0 : i32
      %dma_start3A_352 = tpu.memref_slice %arg5[%squeeze3A, %dma_start3A_351] : memref<1000000x64xf32, #tpu.memory_space<hbm>> -> memref<1x64xf32, #tpu.memory_space<hbm>>
      %dma_start3A_353 = arith.constant 0 : i32
      %dma_start3A_354 = tpu.memref_slice %arg12[%scan3A_336, %dma_start3A_353] : memref<64x64xf32, #tpu.memory_space<vmem>> -> memref<1x64xf32, #tpu.memory_space<vmem>>
      %dma_start3A_355 = arith.constant 0 : i32
      %dma_start3A_356 = tpu.memref_slice %arg5[%squeeze3A, %dma_start3A_355] : memref<1000000x64xf32, #tpu.memory_space<hbm>> -> memref<1x64xf32, #tpu.memory_space<hbm>>
      tpu.enqueue_dma source(%dma_start3A_356 : memref<1x64xf32, #tpu.memory_space<hbm>>) target(%dma_start3A_354 : memref<1x64xf32, #tpu.memory_space<vmem>>) target_semaphore(%arg20 : memref<!tpu.dma_semaphore, #tpu.memory_space<semaphore_mem>>)
    }
    %scan3A_65 = arith.constant 64 : i32
    %dma_wait3A_66 = arith.constant 0 : i32
    %dma_wait3A_67 = tpu.memref_slice %arg2[%add3A_18, %dma_wait3A_66] : memref<16384x128xf32, #tpu.memory_space<hbm>> -> memref<64x128xf32, #tpu.memory_space<hbm>>
    %dma_wait3A_68 = arith.constant 0 : i32
    %dma_wait3A_69 = tpu.memref_slice %arg2[%add3A_18, %dma_wait3A_68] : memref<16384x128xf32, #tpu.memory_space<hbm>> -> memref<64x128xf32, #tpu.memory_space<hbm>>
    tpu.wait_dma2 semaphore(%arg17 : memref<!tpu.dma_semaphore, #tpu.memory_space<semaphore_mem>>) src(%dma_wait3A_69 : memref<64x128xf32, #tpu.memory_space<hbm>>) dst(%arg9 : memref<64x128xf32, #tpu.memory_space<vmem>>)
    %scan3A_70 = arith.constant 0 : i32
    %scan3A_71 = arith.constant 0 : i32
    %scan3A_72 = arith.constant 64 : i32
    %scan3A_73 = arith.addi %scan3A_71, %scan3A_72 : i32
    %scan3A_74 = arith.constant 1 : i32
    scf.for %scan3A_336 = %scan3A_71 to %scan3A_73 step %scan3A_74  : i32 {
      %dma_wait3A_337 = arith.constant 0 : i32
      %dma_wait3A_338 = tpu.memref_slice %arg11[%scan3A_336, %dma_wait3A_337] : memref<64x64xf32, #tpu.memory_space<vmem>> -> memref<1x64xf32, #tpu.memory_space<vmem>>
      %dma_wait3A_339 = arith.constant 0 : i32
      %dma_wait3A_340 = arith.constant 0 : i32
      %dma_wait3A_341 = tpu.memref_slice %arg4[%dma_wait3A_339, %dma_wait3A_340] : memref<1000000x64xf32, #tpu.memory_space<hbm>> -> memref<1x64xf32, #tpu.memory_space<hbm>>
      %dma_wait3A_342 = arith.constant 0 : i32
      %dma_wait3A_343 = tpu.memref_slice %arg11[%scan3A_336, %dma_wait3A_342] : memref<64x64xf32, #tpu.memory_space<vmem>> -> memref<1x64xf32, #tpu.memory_space<vmem>>
      %dma_wait3A_344 = arith.constant 0 : i32
      %dma_wait3A_345 = arith.constant 0 : i32
      %dma_wait3A_346 = tpu.memref_slice %arg4[%dma_wait3A_344, %dma_wait3A_345] : memref<1000000x64xf32, #tpu.memory_space<hbm>> -> memref<1x64xf32, #tpu.memory_space<hbm>>
      tpu.wait_dma2 semaphore(%arg19 : memref<!tpu.dma_semaphore, #tpu.memory_space<semaphore_mem>>) src(%dma_wait3A_346 : memref<1x64xf32, #tpu.memory_space<hbm>>) dst(%dma_wait3A_343 : memref<1x64xf32, #tpu.memory_space<vmem>>)
      %dma_wait3A_347 = arith.constant 0 : i32
      %dma_wait3A_348 = tpu.memref_slice %arg13[%scan3A_336, %dma_wait3A_347] : memref<64x64xf32, #tpu.memory_space<vmem>> -> memref<1x64xf32, #tpu.memory_space<vmem>>
      %dma_wait3A_349 = arith.constant 0 : i32
      %dma_wait3A_350 = arith.constant 0 : i32
      %dma_wait3A_351 = tpu.memref_slice %arg5[%dma_wait3A_349, %dma_wait3A_350] : memref<1000000x64xf32, #tpu.memory_space<hbm>> -> memref<1x64xf32, #tpu.memory_space<hbm>>
      %dma_wait3A_352 = arith.constant 0 : i32
      %dma_wait3A_353 = tpu.memref_slice %arg13[%scan3A_336, %dma_wait3A_352] : memref<64x64xf32, #tpu.memory_space<vmem>> -> memref<1x64xf32, #tpu.memory_space<vmem>>
      %dma_wait3A_354 = arith.constant 0 : i32
      %dma_wait3A_355 = arith.constant 0 : i32
      %dma_wait3A_356 = tpu.memref_slice %arg5[%dma_wait3A_354, %dma_wait3A_355] : memref<1000000x64xf32, #tpu.memory_space<hbm>> -> memref<1x64xf32, #tpu.memory_space<hbm>>
      tpu.wait_dma2 semaphore(%arg21 : memref<!tpu.dma_semaphore, #tpu.memory_space<semaphore_mem>>) src(%dma_wait3A_356 : memref<1x64xf32, #tpu.memory_space<hbm>>) dst(%dma_wait3A_353 : memref<1x64xf32, #tpu.memory_space<vmem>>)
    }
    %scan3A_75 = arith.constant 64 : i32
    %scan3A_76 = arith.constant 0 : i32
    %scan3A_77 = arith.constant 0 : i32
    %scan3A_78 = arith.constant 64 : i32
    %scan3A_79 = arith.addi %scan3A_77, %scan3A_78 : i32
    %scan3A_80 = arith.constant 1 : i32
    scf.for %scan3A_336 = %scan3A_77 to %scan3A_79 step %scan3A_80  : i32 {
      %get3A = arith.index_cast %scan3A_336 : i32 to index
      %get3A_337 = arith.constant 0 : index
      %get3A_338 = tpu.vector_load %arg9[%get3A, %get3A_337] {strides = array<i32>} : memref<64x128xf32, #tpu.memory_space<vmem>>, vector<1x16xf32>,
      %get3A_339 = vector.shape_cast %get3A_338 : vector<1x16xf32> to vector<16xf32>
      %get3A_340 = arith.index_cast %scan3A_336 : i32 to index
      %get3A_341 = arith.constant 64 : index
      %get3A_342 = tpu.vector_load %arg9[%get3A_340, %get3A_341] {strides = array<i32>} : memref<64x128xf32, #tpu.memory_space<vmem>>, vector<1x16xf32>,
      %get3A_343 = vector.shape_cast %get3A_342 : vector<1x16xf32> to vector<16xf32>
      %get3A_344 = arith.index_cast %scan3A_336 : i32 to index
      %get3A_345 = arith.constant 0 : index
      %get3A_346 = tpu.vector_load %arg11[%get3A_344, %get3A_345] {strides = array<i32>} : memref<64x64xf32, #tpu.memory_space<vmem>>, vector<1x16xf32>,
      %get3A_347 = vector.shape_cast %get3A_346 : vector<1x16xf32> to vector<16xf32>
      %get3A_348 = arith.index_cast %scan3A_336 : i32 to index
      %get3A_349 = arith.constant 0 : index
      %get3A_350 = tpu.vector_load %arg13[%get3A_348, %get3A_349] {strides = array<i32>} : memref<64x64xf32, #tpu.memory_space<vmem>>, vector<1x16xf32>,
      %get3A_351 = vector.shape_cast %get3A_350 : vector<1x16xf32> to vector<16xf32>
      %mul3A_352 = arith.mulf %get3A_339, %get3A_347 : vector<16xf32>
      %mul3A_353 = arith.mulf %get3A_343, %get3A_351 : vector<16xf32>
      %sub3A = arith.subf %mul3A_352, %mul3A_353 : vector<16xf32>
      %swap3A = arith.index_cast %scan3A_336 : i32 to index
      %swap3A_354 = arith.constant 0 : index
      %swap3A_355 = tpu.vector_load %arg15[%swap3A, %swap3A_354] {strides = array<i32>} : memref<64x128xf32, #tpu.memory_space<vmem>>, vector<1x16xf32>,
      %swap3A_356 = vector.shape_cast %swap3A_355 : vector<1x16xf32> to vector<16xf32>
      %swap3A_357 = vector.shape_cast %sub3A : vector<16xf32> to vector<1x16xf32>
      tpu.vector_store %arg15[%swap3A, %swap3A_354], %swap3A_357 {strides = array<i32>} : memref<64x128xf32, #tpu.memory_space<vmem>>, vector<1x16xf32>,
      %mul3A_358 = arith.mulf %get3A_339, %get3A_351 : vector<16xf32>
      %mul3A_359 = arith.mulf %get3A_343, %get3A_347 : vector<16xf32>
      %add3A_360 = arith.addf %mul3A_358, %mul3A_359 : vector<16xf32>
      %swap3A_361 = arith.index_cast %scan3A_336 : i32 to index
      %swap3A_362 = arith.constant 64 : index
      %swap3A_363 = tpu.vector_load %arg15[%swap3A_361, %swap3A_362] {strides = array<i32>} : memref<64x128xf32, #tpu.memory_space<vmem>>, vector<1x16xf32>,
      %swap3A_364 = vector.shape_cast %swap3A_363 : vector<1x16xf32> to vector<16xf32>
      %swap3A_365 = vector.shape_cast %add3A_360 : vector<16xf32> to vector<1x16xf32>
      tpu.vector_store %arg15[%swap3A_361, %swap3A_362], %swap3A_365 {strides = array<i32>} : memref<64x128xf32, #tpu.memory_space<vmem>>, vector<1x16xf32>,
      %get3A_366 = arith.index_cast %scan3A_336 : i32 to index
      %get3A_367 = arith.constant 16 : index
      %get3A_368 = tpu.vector_load %arg9[%get3A_366, %get3A_367] {strides = array<i32>} : memref<64x128xf32, #tpu.memory_space<vmem>>, vector<1x16xf32>,
      %get3A_369 = vector.shape_cast %get3A_368 : vector<1x16xf32> to vector<16xf32>
      %get3A_370 = arith.index_cast %scan3A_336 : i32 to index
      %get3A_371 = arith.constant 80 : index
      %get3A_372 = tpu.vector_load %arg9[%get3A_370, %get3A_371] {strides = array<i32>} : memref<64x128xf32, #tpu.memory_space<vmem>>, vector<1x16xf32>,
      %get3A_373 = vector.shape_cast %get3A_372 : vector<1x16xf32> to vector<16xf32>
      %get3A_374 = arith.index_cast %scan3A_336 : i32 to index
      %get3A_375 = arith.constant 16 : index
      %get3A_376 = tpu.vector_load %arg11[%get3A_374, %get3A_375] {strides = array<i32>} : memref<64x64xf32, #tpu.memory_space<vmem>>, vector<1x16xf32>,
      %get3A_377 = vector.shape_cast %get3A_376 : vector<1x16xf32> to vector<16xf32>
      %get3A_378 = arith.index_cast %scan3A_336 : i32 to index
      %get3A_379 = arith.constant 16 : index
      %get3A_380 = tpu.vector_load %arg13[%get3A_378, %get3A_379] {strides = array<i32>} : memref<64x64xf32, #tpu.memory_space<vmem>>, vector<1x16xf32>,
      %get3A_381 = vector.shape_cast %get3A_380 : vector<1x16xf32> to vector<16xf32>
      %mul3A_382 = arith.mulf %get3A_369, %get3A_377 : vector<16xf32>
      %mul3A_383 = arith.mulf %get3A_373, %get3A_381 : vector<16xf32>
      %sub3A_384 = arith.subf %mul3A_382, %mul3A_383 : vector<16xf32>
      %swap3A_385 = arith.index_cast %scan3A_336 : i32 to index
      %swap3A_386 = arith.constant 16 : index
      %swap3A_387 = tpu.vector_load %arg15[%swap3A_385, %swap3A_386] {strides = array<i32>} : memref<64x128xf32, #tpu.memory_space<vmem>>, vector<1x16xf32>,
      %swap3A_388 = vector.shape_cast %swap3A_387 : vector<1x16xf32> to vector<16xf32>
      %swap3A_389 = vector.shape_cast %sub3A_384 : vector<16xf32> to vector<1x16xf32>
      tpu.vector_store %arg15[%swap3A_385, %swap3A_386], %swap3A_389 {strides = array<i32>} : memref<64x128xf32, #tpu.memory_space<vmem>>, vector<1x16xf32>,
      %mul3A_390 = arith.mulf %get3A_369, %get3A_381 : vector<16xf32>
      %mul3A_391 = arith.mulf %get3A_373, %get3A_377 : vector<16xf32>
      %add3A_392 = arith.addf %mul3A_390, %mul3A_391 : vector<16xf32>
      %swap3A_393 = arith.index_cast %scan3A_336 : i32 to index
      %swap3A_394 = arith.constant 80 : index
      %swap3A_395 = tpu.vector_load %arg15[%swap3A_393, %swap3A_394] {strides = array<i32>} : memref<64x128xf32, #tpu.memory_space<vmem>>, vector<1x16xf32>,
      %swap3A_396 = vector.shape_cast %swap3A_395 : vector<1x16xf32> to vector<16xf32>
      %swap3A_397 = vector.shape_cast %add3A_392 : vector<16xf32> to vector<1x16xf32>
      tpu.vector_store %arg15[%swap3A_393, %swap3A_394], %swap3A_397 {strides = array<i32>} : memref<64x128xf32, #tpu.memory_space<vmem>>, vector<1x16xf32>,
      %get3A_398 = arith.index_cast %scan3A_336 : i32 to index
      %get3A_399 = arith.constant 32 : index
      %get3A_400 = tpu.vector_load %arg9[%get3A_398, %get3A_399] {strides = array<i32>} : memref<64x128xf32, #tpu.memory_space<vmem>>, vector<1x16xf32>,
      %get3A_401 = vector.shape_cast %get3A_400 : vector<1x16xf32> to vector<16xf32>
      %get3A_402 = arith.index_cast %scan3A_336 : i32 to index
      %get3A_403 = arith.constant 96 : index
      %get3A_404 = tpu.vector_load %arg9[%get3A_402, %get3A_403] {strides = array<i32>} : memref<64x128xf32, #tpu.memory_space<vmem>>, vector<1x16xf32>,
      %get3A_405 = vector.shape_cast %get3A_404 : vector<1x16xf32> to vector<16xf32>
      %get3A_406 = arith.index_cast %scan3A_336 : i32 to index
      %get3A_407 = arith.constant 32 : index
      %get3A_408 = tpu.vector_load %arg11[%get3A_406, %get3A_407] {strides = array<i32>} : memref<64x64xf32, #tpu.memory_space<vmem>>, vector<1x16xf32>,
      %get3A_409 = vector.shape_cast %get3A_408 : vector<1x16xf32> to vector<16xf32>
      %get3A_410 = arith.index_cast %scan3A_336 : i32 to index
      %get3A_411 = arith.constant 32 : index
      %get3A_412 = tpu.vector_load %arg13[%get3A_410, %get3A_411] {strides = array<i32>} : memref<64x64xf32, #tpu.memory_space<vmem>>, vector<1x16xf32>,
      %get3A_413 = vector.shape_cast %get3A_412 : vector<1x16xf32> to vector<16xf32>
      %mul3A_414 = arith.mulf %get3A_401, %get3A_409 : vector<16xf32>
      %mul3A_415 = arith.mulf %get3A_405, %get3A_413 : vector<16xf32>
      %sub3A_416 = arith.subf %mul3A_414, %mul3A_415 : vector<16xf32>
      %swap3A_417 = arith.index_cast %scan3A_336 : i32 to index
      %swap3A_418 = arith.constant 32 : index
      %swap3A_419 = tpu.vector_load %arg15[%swap3A_417, %swap3A_418] {strides = array<i32>} : memref<64x128xf32, #tpu.memory_space<vmem>>, vector<1x16xf32>,
      %swap3A_420 = vector.shape_cast %swap3A_419 : vector<1x16xf32> to vector<16xf32>
      %swap3A_421 = vector.shape_cast %sub3A_416 : vector<16xf32> to vector<1x16xf32>
      tpu.vector_store %arg15[%swap3A_417, %swap3A_418], %swap3A_421 {strides = array<i32>} : memref<64x128xf32, #tpu.memory_space<vmem>>, vector<1x16xf32>,
      %mul3A_422 = arith.mulf %get3A_401, %get3A_413 : vector<16xf32>
      %mul3A_423 = arith.mulf %get3A_405, %get3A_409 : vector<16xf32>
      %add3A_424 = arith.addf %mul3A_422, %mul3A_423 : vector<16xf32>
      %swap3A_425 = arith.index_cast %scan3A_336 : i32 to index
      %swap3A_426 = arith.constant 96 : index
      %swap3A_427 = tpu.vector_load %arg15[%swap3A_425, %swap3A_426] {strides = array<i32>} : memref<64x128xf32, #tpu.memory_space<vmem>>, vector<1x16xf32>,
      %swap3A_428 = vector.shape_cast %swap3A_427 : vector<1x16xf32> to vector<16xf32>
      %swap3A_429 = vector.shape_cast %add3A_424 : vector<16xf32> to vector<1x16xf32>
      tpu.vector_store %arg15[%swap3A_425, %swap3A_426], %swap3A_429 {strides = array<i32>} : memref<64x128xf32, #tpu.memory_space<vmem>>, vector<1x16xf32>,
      %get3A_430 = arith.index_cast %scan3A_336 : i32 to index
      %get3A_431 = arith.constant 48 : index
      %get3A_432 = tpu.vector_load %arg9[%get3A_430, %get3A_431] {strides = array<i32>} : memref<64x128xf32, #tpu.memory_space<vmem>>, vector<1x16xf32>,
      %get3A_433 = vector.shape_cast %get3A_432 : vector<1x16xf32> to vector<16xf32>
      %get3A_434 = arith.index_cast %scan3A_336 : i32 to index
      %get3A_435 = arith.constant 112 : index
      %get3A_436 = tpu.vector_load %arg9[%get3A_434, %get3A_435] {strides = array<i32>} : memref<64x128xf32, #tpu.memory_space<vmem>>, vector<1x16xf32>,
      %get3A_437 = vector.shape_cast %get3A_436 : vector<1x16xf32> to vector<16xf32>
      %get3A_438 = arith.index_cast %scan3A_336 : i32 to index
      %get3A_439 = arith.constant 48 : index
      %get3A_440 = tpu.vector_load %arg11[%get3A_438, %get3A_439] {strides = array<i32>} : memref<64x64xf32, #tpu.memory_space<vmem>>, vector<1x16xf32>,
      %get3A_441 = vector.shape_cast %get3A_440 : vector<1x16xf32> to vector<16xf32>
      %get3A_442 = arith.index_cast %scan3A_336 : i32 to index
      %get3A_443 = arith.constant 48 : index
      %get3A_444 = tpu.vector_load %arg13[%get3A_442, %get3A_443] {strides = array<i32>} : memref<64x64xf32, #tpu.memory_space<vmem>>, vector<1x16xf32>,
      %get3A_445 = vector.shape_cast %get3A_444 : vector<1x16xf32> to vector<16xf32>
      %mul3A_446 = arith.mulf %get3A_433, %get3A_441 : vector<16xf32>
      %mul3A_447 = arith.mulf %get3A_437, %get3A_445 : vector<16xf32>
      %sub3A_448 = arith.subf %mul3A_446, %mul3A_447 : vector<16xf32>
      %swap3A_449 = arith.index_cast %scan3A_336 : i32 to index
      %swap3A_450 = arith.constant 48 : index
      %swap3A_451 = tpu.vector_load %arg15[%swap3A_449, %swap3A_450] {strides = array<i32>} : memref<64x128xf32, #tpu.memory_space<vmem>>, vector<1x16xf32>,
      %swap3A_452 = vector.shape_cast %swap3A_451 : vector<1x16xf32> to vector<16xf32>
      %swap3A_453 = vector.shape_cast %sub3A_448 : vector<16xf32> to vector<1x16xf32>
      tpu.vector_store %arg15[%swap3A_449, %swap3A_450], %swap3A_453 {strides = array<i32>} : memref<64x128xf32, #tpu.memory_space<vmem>>, vector<1x16xf32>,
      %mul3A_454 = arith.mulf %get3A_433, %get3A_445 : vector<16xf32>
      %mul3A_455 = arith.mulf %get3A_437, %get3A_441 : vector<16xf32>
      %add3A_456 = arith.addf %mul3A_454, %mul3A_455 : vector<16xf32>
      %swap3A_457 = arith.index_cast %scan3A_336 : i32 to index
      %swap3A_458 = arith.constant 112 : index
      %swap3A_459 = tpu.vector_load %arg15[%swap3A_457, %swap3A_458] {strides = array<i32>} : memref<64x128xf32, #tpu.memory_space<vmem>>, vector<1x16xf32>,
      %swap3A_460 = vector.shape_cast %swap3A_459 : vector<1x16xf32> to vector<16xf32>
      %swap3A_461 = vector.shape_cast %add3A_456 : vector<16xf32> to vector<1x16xf32>
      tpu.vector_store %arg15[%swap3A_457, %swap3A_458], %swap3A_461 {strides = array<i32>} : memref<64x128xf32, #tpu.memory_space<vmem>>, vector<1x16xf32>,
    }
    %scan3A_81 = arith.constant 64 : i32
    %mul3A_82 = arith.constant 512 : i32
    %mul3A_83 = arith.muli %add3A, %mul3A_82 : i32
    %add3A_84 = arith.constant 64 : i32
    %add3A_85 = arith.addi %mul3A_83, %add3A_84 : i32
    %dma_start3A_86 = arith.constant 0 : i32
    %dma_start3A_87 = tpu.memref_slice %arg6[%add3A_85, %dma_start3A_86] : memref<16384x128xf32, #tpu.memory_space<hbm>> -> memref<64x128xf32, #tpu.memory_space<hbm>>
    %dma_start3A_88 = arith.constant 0 : i32
    %dma_start3A_89 = tpu.memref_slice %arg6[%add3A_85, %dma_start3A_88] : memref<16384x128xf32, #tpu.memory_space<hbm>> -> memref<64x128xf32, #tpu.memory_space<hbm>>
    tpu.enqueue_dma source(%arg15 : memref<64x128xf32, #tpu.memory_space<vmem>>) target(%dma_start3A_89 : memref<64x128xf32, #tpu.memory_space<hbm>>) target_semaphore(%arg23 : memref<!tpu.dma_semaphore, #tpu.memory_space<semaphore_mem>>)
    %mul3A_90 = arith.constant 512 : i32
    %mul3A_91 = arith.muli %add3A, %mul3A_90 : i32
    %add3A_92 = arith.constant 192 : i32
    %add3A_93 = arith.addi %mul3A_91, %add3A_92 : i32
    %dma_start3A_94 = arith.constant 0 : i32
    %dma_start3A_95 = tpu.memref_slice %arg2[%add3A_93, %dma_start3A_94] : memref<16384x128xf32, #tpu.memory_space<hbm>> -> memref<64x128xf32, #tpu.memory_space<hbm>>
    %dma_start3A_96 = arith.constant 0 : i32
    %dma_start3A_97 = tpu.memref_slice %arg2[%add3A_93, %dma_start3A_96] : memref<16384x128xf32, #tpu.memory_space<hbm>> -> memref<64x128xf32, #tpu.memory_space<hbm>>
    tpu.enqueue_dma source(%dma_start3A_97 : memref<64x128xf32, #tpu.memory_space<hbm>>) target(%arg9 : memref<64x128xf32, #tpu.memory_space<vmem>>) target_semaphore(%arg17 : memref<!tpu.dma_semaphore, #tpu.memory_space<semaphore_mem>>)
    %scan3A_98 = arith.constant 0 : i32
    %scan3A_99 = arith.constant 0 : i32
    %scan3A_100 = arith.constant 64 : i32
    %scan3A_101 = arith.addi %scan3A_99, %scan3A_100 : i32
    %scan3A_102 = arith.constant 1 : i32
    scf.for %scan3A_336 = %scan3A_99 to %scan3A_101 step %scan3A_102  : i32 {
      %add3A_337 = arith.constant 192 : i32
      %add3A_338 = arith.addi %add3A_337, %scan3A_336 : i32
      %get3A = arith.index_cast %add3A_338 : i32 to index
      %get3A_339 = tpu.vector_load %arg7[%get3A] {strides = array<i32>} : memref<528xi32, #tpu.memory_space<vmem>>, vector<16xi32>,
      %get3A_340 = vector.shape_cast %get3A_339 : vector<16xi32> to vector<16xi32>
      %slice3A = vector.extract_strided_slice %get3A_340 {offsets = [0], sizes = [1], strides = [1]} : vector<16xi32> to vector<1xi32>
      %squeeze3A = vector.extract %slice3A[0] : i32 from vector<1xi32>
      %dma_start3A_341 = arith.constant 0 : i32
      %dma_start3A_342 = tpu.memref_slice %arg11[%scan3A_336, %dma_start3A_341] : memref<64x64xf32, #tpu.memory_space<vmem>> -> memref<1x64xf32, #tpu.memory_space<vmem>>
      %dma_start3A_343 = arith.constant 0 : i32
      %dma_start3A_344 = tpu.memref_slice %arg4[%squeeze3A, %dma_start3A_343] : memref<1000000x64xf32, #tpu.memory_space<hbm>> -> memref<1x64xf32, #tpu.memory_space<hbm>>
      %dma_start3A_345 = arith.constant 0 : i32
      %dma_start3A_346 = tpu.memref_slice %arg11[%scan3A_336, %dma_start3A_345] : memref<64x64xf32, #tpu.memory_space<vmem>> -> memref<1x64xf32, #tpu.memory_space<vmem>>
      %dma_start3A_347 = arith.constant 0 : i32
      %dma_start3A_348 = tpu.memref_slice %arg4[%squeeze3A, %dma_start3A_347] : memref<1000000x64xf32, #tpu.memory_space<hbm>> -> memref<1x64xf32, #tpu.memory_space<hbm>>
      tpu.enqueue_dma source(%dma_start3A_348 : memref<1x64xf32, #tpu.memory_space<hbm>>) target(%dma_start3A_346 : memref<1x64xf32, #tpu.memory_space<vmem>>) target_semaphore(%arg19 : memref<!tpu.dma_semaphore, #tpu.memory_space<semaphore_mem>>)
      %dma_start3A_349 = arith.constant 0 : i32
      %dma_start3A_350 = tpu.memref_slice %arg13[%scan3A_336, %dma_start3A_349] : memref<64x64xf32, #tpu.memory_space<vmem>> -> memref<1x64xf32, #tpu.memory_space<vmem>>
      %dma_start3A_351 = arith.constant 0 : i32
      %dma_start3A_352 = tpu.memref_slice %arg5[%squeeze3A, %dma_start3A_351] : memref<1000000x64xf32, #tpu.memory_space<hbm>> -> memref<1x64xf32, #tpu.memory_space<hbm>>
      %dma_start3A_353 = arith.constant 0 : i32
      %dma_start3A_354 = tpu.memref_slice %arg13[%scan3A_336, %dma_start3A_353] : memref<64x64xf32, #tpu.memory_space<vmem>> -> memref<1x64xf32, #tpu.memory_space<vmem>>
      %dma_start3A_355 = arith.constant 0 : i32
      %dma_start3A_356 = tpu.memref_slice %arg5[%squeeze3A, %dma_start3A_355] : memref<1000000x64xf32, #tpu.memory_space<hbm>> -> memref<1x64xf32, #tpu.memory_space<hbm>>
      tpu.enqueue_dma source(%dma_start3A_356 : memref<1x64xf32, #tpu.memory_space<hbm>>) target(%dma_start3A_354 : memref<1x64xf32, #tpu.memory_space<vmem>>) target_semaphore(%arg21 : memref<!tpu.dma_semaphore, #tpu.memory_space<semaphore_mem>>)
    }
    %scan3A_103 = arith.constant 64 : i32
    %dma_wait3A_104 = arith.constant 0 : i32
    %dma_wait3A_105 = tpu.memref_slice %arg2[%add3A_55, %dma_wait3A_104] : memref<16384x128xf32, #tpu.memory_space<hbm>> -> memref<64x128xf32, #tpu.memory_space<hbm>>
    %dma_wait3A_106 = arith.constant 0 : i32
    %dma_wait3A_107 = tpu.memref_slice %arg2[%add3A_55, %dma_wait3A_106] : memref<16384x128xf32, #tpu.memory_space<hbm>> -> memref<64x128xf32, #tpu.memory_space<hbm>>
    tpu.wait_dma2 semaphore(%arg16 : memref<!tpu.dma_semaphore, #tpu.memory_space<semaphore_mem>>) src(%dma_wait3A_107 : memref<64x128xf32, #tpu.memory_space<hbm>>) dst(%arg8 : memref<64x128xf32, #tpu.memory_space<vmem>>)
    %scan3A_108 = arith.constant 0 : i32
    %scan3A_109 = arith.constant 0 : i32
    %scan3A_110 = arith.constant 64 : i32
    %scan3A_111 = arith.addi %scan3A_109, %scan3A_110 : i32
    %scan3A_112 = arith.constant 1 : i32
    scf.for %scan3A_336 = %scan3A_109 to %scan3A_111 step %scan3A_112  : i32 {
      %dma_wait3A_337 = arith.constant 0 : i32
      %dma_wait3A_338 = tpu.memref_slice %arg10[%scan3A_336, %dma_wait3A_337] : memref<64x64xf32, #tpu.memory_space<vmem>> -> memref<1x64xf32, #tpu.memory_space<vmem>>
      %dma_wait3A_339 = arith.constant 0 : i32
      %dma_wait3A_340 = arith.constant 0 : i32
      %dma_wait3A_341 = tpu.memref_slice %arg4[%dma_wait3A_339, %dma_wait3A_340] : memref<1000000x64xf32, #tpu.memory_space<hbm>> -> memref<1x64xf32, #tpu.memory_space<hbm>>
      %dma_wait3A_342 = arith.constant 0 : i32
      %dma_wait3A_343 = tpu.memref_slice %arg10[%scan3A_336, %dma_wait3A_342] : memref<64x64xf32, #tpu.memory_space<vmem>> -> memref<1x64xf32, #tpu.memory_space<vmem>>
      %dma_wait3A_344 = arith.constant 0 : i32
      %dma_wait3A_345 = arith.constant 0 : i32
      %dma_wait3A_346 = tpu.memref_slice %arg4[%dma_wait3A_344, %dma_wait3A_345] : memref<1000000x64xf32, #tpu.memory_space<hbm>> -> memref<1x64xf32, #tpu.memory_space<hbm>>
      tpu.wait_dma2 semaphore(%arg18 : memref<!tpu.dma_semaphore, #tpu.memory_space<semaphore_mem>>) src(%dma_wait3A_346 : memref<1x64xf32, #tpu.memory_space<hbm>>) dst(%dma_wait3A_343 : memref<1x64xf32, #tpu.memory_space<vmem>>)
      %dma_wait3A_347 = arith.constant 0 : i32
      %dma_wait3A_348 = tpu.memref_slice %arg12[%scan3A_336, %dma_wait3A_347] : memref<64x64xf32, #tpu.memory_space<vmem>> -> memref<1x64xf32, #tpu.memory_space<vmem>>
      %dma_wait3A_349 = arith.constant 0 : i32
      %dma_wait3A_350 = arith.constant 0 : i32
      %dma_wait3A_351 = tpu.memref_slice %arg5[%dma_wait3A_349, %dma_wait3A_350] : memref<1000000x64xf32, #tpu.memory_space<hbm>> -> memref<1x64xf32, #tpu.memory_space<hbm>>
      %dma_wait3A_352 = arith.constant 0 : i32
      %dma_wait3A_353 = tpu.memref_slice %arg12[%scan3A_336, %dma_wait3A_352] : memref<64x64xf32, #tpu.memory_space<vmem>> -> memref<1x64xf32, #tpu.memory_space<vmem>>
      %dma_wait3A_354 = arith.constant 0 : i32
      %dma_wait3A_355 = arith.constant 0 : i32
      %dma_wait3A_356 = tpu.memref_slice %arg5[%dma_wait3A_354, %dma_wait3A_355] : memref<1000000x64xf32, #tpu.memory_space<hbm>> -> memref<1x64xf32, #tpu.memory_space<hbm>>
      tpu.wait_dma2 semaphore(%arg20 : memref<!tpu.dma_semaphore, #tpu.memory_space<semaphore_mem>>) src(%dma_wait3A_356 : memref<1x64xf32, #tpu.memory_space<hbm>>) dst(%dma_wait3A_353 : memref<1x64xf32, #tpu.memory_space<vmem>>)
    }
    %scan3A_113 = arith.constant 64 : i32
    %dma_wait3A_114 = arith.constant 0 : i32
    %dma_wait3A_115 = tpu.memref_slice %arg6[%add3A_47, %dma_wait3A_114] : memref<16384x128xf32, #tpu.memory_space<hbm>> -> memref<64x128xf32, #tpu.memory_space<hbm>>
    %dma_wait3A_116 = arith.constant 0 : i32
    %dma_wait3A_117 = tpu.memref_slice %arg6[%add3A_47, %dma_wait3A_116] : memref<16384x128xf32, #tpu.memory_space<hbm>> -> memref<64x128xf32, #tpu.memory_space<hbm>>
    tpu.wait_dma2 semaphore(%arg22 : memref<!tpu.dma_semaphore, #tpu.memory_space<semaphore_mem>>) src(%arg14 : memref<64x128xf32, #tpu.memory_space<vmem>>) dst(%dma_wait3A_117 : memref<64x128xf32, #tpu.memory_space<hbm>>)
    %scan3A_118 = arith.constant 0 : i32
    %scan3A_119 = arith.constant 0 : i32
    %scan3A_120 = arith.constant 64 : i32
    %scan3A_121 = arith.addi %scan3A_119, %scan3A_120 : i32
    %scan3A_122 = arith.constant 1 : i32
    scf.for %scan3A_336 = %scan3A_119 to %scan3A_121 step %scan3A_122  : i32 {
      %get3A = arith.index_cast %scan3A_336 : i32 to index
      %get3A_337 = arith.constant 0 : index
      %get3A_338 = tpu.vector_load %arg8[%get3A, %get3A_337] {strides = array<i32>} : memref<64x128xf32, #tpu.memory_space<vmem>>, vector<1x16xf32>,
      %get3A_339 = vector.shape_cast %get3A_338 : vector<1x16xf32> to vector<16xf32>
      %get3A_340 = arith.index_cast %scan3A_336 : i32 to index
      %get3A_341 = arith.constant 64 : index
      %get3A_342 = tpu.vector_load %arg8[%get3A_340, %get3A_341] {strides = array<i32>} : memref<64x128xf32, #tpu.memory_space<vmem>>, vector<1x16xf32>,
      %get3A_343 = vector.shape_cast %get3A_342 : vector<1x16xf32> to vector<16xf32>
      %get3A_344 = arith.index_cast %scan3A_336 : i32 to index
      %get3A_345 = arith.constant 0 : index
      %get3A_346 = tpu.vector_load %arg10[%get3A_344, %get3A_345] {strides = array<i32>} : memref<64x64xf32, #tpu.memory_space<vmem>>, vector<1x16xf32>,
      %get3A_347 = vector.shape_cast %get3A_346 : vector<1x16xf32> to vector<16xf32>
      %get3A_348 = arith.index_cast %scan3A_336 : i32 to index
      %get3A_349 = arith.constant 0 : index
      %get3A_350 = tpu.vector_load %arg12[%get3A_348, %get3A_349] {strides = array<i32>} : memref<64x64xf32, #tpu.memory_space<vmem>>, vector<1x16xf32>,
      %get3A_351 = vector.shape_cast %get3A_350 : vector<1x16xf32> to vector<16xf32>
      %mul3A_352 = arith.mulf %get3A_339, %get3A_347 : vector<16xf32>
      %mul3A_353 = arith.mulf %get3A_343, %get3A_351 : vector<16xf32>
      %sub3A = arith.subf %mul3A_352, %mul3A_353 : vector<16xf32>
      %swap3A = arith.index_cast %scan3A_336 : i32 to index
      %swap3A_354 = arith.constant 0 : index
      %swap3A_355 = tpu.vector_load %arg14[%swap3A, %swap3A_354] {strides = array<i32>} : memref<64x128xf32, #tpu.memory_space<vmem>>, vector<1x16xf32>,
      %swap3A_356 = vector.shape_cast %swap3A_355 : vector<1x16xf32> to vector<16xf32>
      %swap3A_357 = vector.shape_cast %sub3A : vector<16xf32> to vector<1x16xf32>
      tpu.vector_store %arg14[%swap3A, %swap3A_354], %swap3A_357 {strides = array<i32>} : memref<64x128xf32, #tpu.memory_space<vmem>>, vector<1x16xf32>,
      %mul3A_358 = arith.mulf %get3A_339, %get3A_351 : vector<16xf32>
      %mul3A_359 = arith.mulf %get3A_343, %get3A_347 : vector<16xf32>
      %add3A_360 = arith.addf %mul3A_358, %mul3A_359 : vector<16xf32>
      %swap3A_361 = arith.index_cast %scan3A_336 : i32 to index
      %swap3A_362 = arith.constant 64 : index
      %swap3A_363 = tpu.vector_load %arg14[%swap3A_361, %swap3A_362] {strides = array<i32>} : memref<64x128xf32, #tpu.memory_space<vmem>>, vector<1x16xf32>,
      %swap3A_364 = vector.shape_cast %swap3A_363 : vector<1x16xf32> to vector<16xf32>
      %swap3A_365 = vector.shape_cast %add3A_360 : vector<16xf32> to vector<1x16xf32>
      tpu.vector_store %arg14[%swap3A_361, %swap3A_362], %swap3A_365 {strides = array<i32>} : memref<64x128xf32, #tpu.memory_space<vmem>>, vector<1x16xf32>,
      %get3A_366 = arith.index_cast %scan3A_336 : i32 to index
      %get3A_367 = arith.constant 16 : index
      %get3A_368 = tpu.vector_load %arg8[%get3A_366, %get3A_367] {strides = array<i32>} : memref<64x128xf32, #tpu.memory_space<vmem>>, vector<1x16xf32>,
      %get3A_369 = vector.shape_cast %get3A_368 : vector<1x16xf32> to vector<16xf32>
      %get3A_370 = arith.index_cast %scan3A_336 : i32 to index
      %get3A_371 = arith.constant 80 : index
      %get3A_372 = tpu.vector_load %arg8[%get3A_370, %get3A_371] {strides = array<i32>} : memref<64x128xf32, #tpu.memory_space<vmem>>, vector<1x16xf32>,
      %get3A_373 = vector.shape_cast %get3A_372 : vector<1x16xf32> to vector<16xf32>
      %get3A_374 = arith.index_cast %scan3A_336 : i32 to index
      %get3A_375 = arith.constant 16 : index
      %get3A_376 = tpu.vector_load %arg10[%get3A_374, %get3A_375] {strides = array<i32>} : memref<64x64xf32, #tpu.memory_space<vmem>>, vector<1x16xf32>,
      %get3A_377 = vector.shape_cast %get3A_376 : vector<1x16xf32> to vector<16xf32>
      %get3A_378 = arith.index_cast %scan3A_336 : i32 to index
      %get3A_379 = arith.constant 16 : index
      %get3A_380 = tpu.vector_load %arg12[%get3A_378, %get3A_379] {strides = array<i32>} : memref<64x64xf32, #tpu.memory_space<vmem>>, vector<1x16xf32>,
      %get3A_381 = vector.shape_cast %get3A_380 : vector<1x16xf32> to vector<16xf32>
      %mul3A_382 = arith.mulf %get3A_369, %get3A_377 : vector<16xf32>
      %mul3A_383 = arith.mulf %get3A_373, %get3A_381 : vector<16xf32>
      %sub3A_384 = arith.subf %mul3A_382, %mul3A_383 : vector<16xf32>
      %swap3A_385 = arith.index_cast %scan3A_336 : i32 to index
      %swap3A_386 = arith.constant 16 : index
      %swap3A_387 = tpu.vector_load %arg14[%swap3A_385, %swap3A_386] {strides = array<i32>} : memref<64x128xf32, #tpu.memory_space<vmem>>, vector<1x16xf32>,
      %swap3A_388 = vector.shape_cast %swap3A_387 : vector<1x16xf32> to vector<16xf32>
      %swap3A_389 = vector.shape_cast %sub3A_384 : vector<16xf32> to vector<1x16xf32>
      tpu.vector_store %arg14[%swap3A_385, %swap3A_386], %swap3A_389 {strides = array<i32>} : memref<64x128xf32, #tpu.memory_space<vmem>>, vector<1x16xf32>,
      %mul3A_390 = arith.mulf %get3A_369, %get3A_381 : vector<16xf32>
      %mul3A_391 = arith.mulf %get3A_373, %get3A_377 : vector<16xf32>
      %add3A_392 = arith.addf %mul3A_390, %mul3A_391 : vector<16xf32>
      %swap3A_393 = arith.index_cast %scan3A_336 : i32 to index
      %swap3A_394 = arith.constant 80 : index
      %swap3A_395 = tpu.vector_load %arg14[%swap3A_393, %swap3A_394] {strides = array<i32>} : memref<64x128xf32, #tpu.memory_space<vmem>>, vector<1x16xf32>,
      %swap3A_396 = vector.shape_cast %swap3A_395 : vector<1x16xf32> to vector<16xf32>
      %swap3A_397 = vector.shape_cast %add3A_392 : vector<16xf32> to vector<1x16xf32>
      tpu.vector_store %arg14[%swap3A_393, %swap3A_394], %swap3A_397 {strides = array<i32>} : memref<64x128xf32, #tpu.memory_space<vmem>>, vector<1x16xf32>,
      %get3A_398 = arith.index_cast %scan3A_336 : i32 to index
      %get3A_399 = arith.constant 32 : index
      %get3A_400 = tpu.vector_load %arg8[%get3A_398, %get3A_399] {strides = array<i32>} : memref<64x128xf32, #tpu.memory_space<vmem>>, vector<1x16xf32>,
      %get3A_401 = vector.shape_cast %get3A_400 : vector<1x16xf32> to vector<16xf32>
      %get3A_402 = arith.index_cast %scan3A_336 : i32 to index
      %get3A_403 = arith.constant 96 : index
      %get3A_404 = tpu.vector_load %arg8[%get3A_402, %get3A_403] {strides = array<i32>} : memref<64x128xf32, #tpu.memory_space<vmem>>, vector<1x16xf32>,
      %get3A_405 = vector.shape_cast %get3A_404 : vector<1x16xf32> to vector<16xf32>
      %get3A_406 = arith.index_cast %scan3A_336 : i32 to index
      %get3A_407 = arith.constant 32 : index
      %get3A_408 = tpu.vector_load %arg10[%get3A_406, %get3A_407] {strides = array<i32>} : memref<64x64xf32, #tpu.memory_space<vmem>>, vector<1x16xf32>,
      %get3A_409 = vector.shape_cast %get3A_408 : vector<1x16xf32> to vector<16xf32>
      %get3A_410 = arith.index_cast %scan3A_336 : i32 to index
      %get3A_411 = arith.constant 32 : index
      %get3A_412 = tpu.vector_load %arg12[%get3A_410, %get3A_411] {strides = array<i32>} : memref<64x64xf32, #tpu.memory_space<vmem>>, vector<1x16xf32>,
      %get3A_413 = vector.shape_cast %get3A_412 : vector<1x16xf32> to vector<16xf32>
      %mul3A_414 = arith.mulf %get3A_401, %get3A_409 : vector<16xf32>
      %mul3A_415 = arith.mulf %get3A_405, %get3A_413 : vector<16xf32>
      %sub3A_416 = arith.subf %mul3A_414, %mul3A_415 : vector<16xf32>
      %swap3A_417 = arith.index_cast %scan3A_336 : i32 to index
      %swap3A_418 = arith.constant 32 : index
      %swap3A_419 = tpu.vector_load %arg14[%swap3A_417, %swap3A_418] {strides = array<i32>} : memref<64x128xf32, #tpu.memory_space<vmem>>, vector<1x16xf32>,
      %swap3A_420 = vector.shape_cast %swap3A_419 : vector<1x16xf32> to vector<16xf32>
      %swap3A_421 = vector.shape_cast %sub3A_416 : vector<16xf32> to vector<1x16xf32>
      tpu.vector_store %arg14[%swap3A_417, %swap3A_418], %swap3A_421 {strides = array<i32>} : memref<64x128xf32, #tpu.memory_space<vmem>>, vector<1x16xf32>,
      %mul3A_422 = arith.mulf %get3A_401, %get3A_413 : vector<16xf32>
      %mul3A_423 = arith.mulf %get3A_405, %get3A_409 : vector<16xf32>
      %add3A_424 = arith.addf %mul3A_422, %mul3A_423 : vector<16xf32>
      %swap3A_425 = arith.index_cast %scan3A_336 : i32 to index
      %swap3A_426 = arith.constant 96 : index
      %swap3A_427 = tpu.vector_load %arg14[%swap3A_425, %swap3A_426] {strides = array<i32>} : memref<64x128xf32, #tpu.memory_space<vmem>>, vector<1x16xf32>,
      %swap3A_428 = vector.shape_cast %swap3A_427 : vector<1x16xf32> to vector<16xf32>
      %swap3A_429 = vector.shape_cast %add3A_424 : vector<16xf32> to vector<1x16xf32>
      tpu.vector_store %arg14[%swap3A_425, %swap3A_426], %swap3A_429 {strides = array<i32>} : memref<64x128xf32, #tpu.memory_space<vmem>>, vector<1x16xf32>,
      %get3A_430 = arith.index_cast %scan3A_336 : i32 to index
      %get3A_431 = arith.constant 48 : index
      %get3A_432 = tpu.vector_load %arg8[%get3A_430, %get3A_431] {strides = array<i32>} : memref<64x128xf32, #tpu.memory_space<vmem>>, vector<1x16xf32>,
      %get3A_433 = vector.shape_cast %get3A_432 : vector<1x16xf32> to vector<16xf32>
      %get3A_434 = arith.index_cast %scan3A_336 : i32 to index
      %get3A_435 = arith.constant 112 : index
      %get3A_436 = tpu.vector_load %arg8[%get3A_434, %get3A_435] {strides = array<i32>} : memref<64x128xf32, #tpu.memory_space<vmem>>, vector<1x16xf32>,
      %get3A_437 = vector.shape_cast %get3A_436 : vector<1x16xf32> to vector<16xf32>
      %get3A_438 = arith.index_cast %scan3A_336 : i32 to index
      %get3A_439 = arith.constant 48 : index
      %get3A_440 = tpu.vector_load %arg10[%get3A_438, %get3A_439] {strides = array<i32>} : memref<64x64xf32, #tpu.memory_space<vmem>>, vector<1x16xf32>,
      %get3A_441 = vector.shape_cast %get3A_440 : vector<1x16xf32> to vector<16xf32>
      %get3A_442 = arith.index_cast %scan3A_336 : i32 to index
      %get3A_443 = arith.constant 48 : index
      %get3A_444 = tpu.vector_load %arg12[%get3A_442, %get3A_443] {strides = array<i32>} : memref<64x64xf32, #tpu.memory_space<vmem>>, vector<1x16xf32>,
      %get3A_445 = vector.shape_cast %get3A_444 : vector<1x16xf32> to vector<16xf32>
      %mul3A_446 = arith.mulf %get3A_433, %get3A_441 : vector<16xf32>
      %mul3A_447 = arith.mulf %get3A_437, %get3A_445 : vector<16xf32>
      %sub3A_448 = arith.subf %mul3A_446, %mul3A_447 : vector<16xf32>
      %swap3A_449 = arith.index_cast %scan3A_336 : i32 to index
      %swap3A_450 = arith.constant 48 : index
      %swap3A_451 = tpu.vector_load %arg14[%swap3A_449, %swap3A_450] {strides = array<i32>} : memref<64x128xf32, #tpu.memory_space<vmem>>, vector<1x16xf32>,
      %swap3A_452 = vector.shape_cast %swap3A_451 : vector<1x16xf32> to vector<16xf32>
      %swap3A_453 = vector.shape_cast %sub3A_448 : vector<16xf32> to vector<1x16xf32>
      tpu.vector_store %arg14[%swap3A_449, %swap3A_450], %swap3A_453 {strides = array<i32>} : memref<64x128xf32, #tpu.memory_space<vmem>>, vector<1x16xf32>,
      %mul3A_454 = arith.mulf %get3A_433, %get3A_445 : vector<16xf32>
      %mul3A_455 = arith.mulf %get3A_437, %get3A_441 : vector<16xf32>
      %add3A_456 = arith.addf %mul3A_454, %mul3A_455 : vector<16xf32>
      %swap3A_457 = arith.index_cast %scan3A_336 : i32 to index
      %swap3A_458 = arith.constant 112 : index
      %swap3A_459 = tpu.vector_load %arg14[%swap3A_457, %swap3A_458] {strides = array<i32>} : memref<64x128xf32, #tpu.memory_space<vmem>>, vector<1x16xf32>,
      %swap3A_460 = vector.shape_cast %swap3A_459 : vector<1x16xf32> to vector<16xf32>
      %swap3A_461 = vector.shape_cast %add3A_456 : vector<16xf32> to vector<1x16xf32>
      tpu.vector_store %arg14[%swap3A_457, %swap3A_458], %swap3A_461 {strides = array<i32>} : memref<64x128xf32, #tpu.memory_space<vmem>>, vector<1x16xf32>,
    }
    %scan3A_123 = arith.constant 64 : i32
    %mul3A_124 = arith.constant 512 : i32
    %mul3A_125 = arith.muli %add3A, %mul3A_124 : i32
    %add3A_126 = arith.constant 128 : i32
    %add3A_127 = arith.addi %mul3A_125, %add3A_126 : i32
    %dma_start3A_128 = arith.constant 0 : i32
    %dma_start3A_129 = tpu.memref_slice %arg6[%add3A_127, %dma_start3A_128] : memref<16384x128xf32, #tpu.memory_space<hbm>> -> memref<64x128xf32, #tpu.memory_space<hbm>>
    %dma_start3A_130 = arith.constant 0 : i32
    %dma_start3A_131 = tpu.memref_slice %arg6[%add3A_127, %dma_start3A_130] : memref<16384x128xf32, #tpu.memory_space<hbm>> -> memref<64x128xf32, #tpu.memory_space<hbm>>
    tpu.enqueue_dma source(%arg14 : memref<64x128xf32, #tpu.memory_space<vmem>>) target(%dma_start3A_131 : memref<64x128xf32, #tpu.memory_space<hbm>>) target_semaphore(%arg22 : memref<!tpu.dma_semaphore, #tpu.memory_space<semaphore_mem>>)
    %mul3A_132 = arith.constant 512 : i32
    %mul3A_133 = arith.muli %add3A, %mul3A_132 : i32
    %add3A_134 = arith.constant 256 : i32
    %add3A_135 = arith.addi %mul3A_133, %add3A_134 : i32
    %dma_start3A_136 = arith.constant 0 : i32
    %dma_start3A_137 = tpu.memref_slice %arg2[%add3A_135, %dma_start3A_136] : memref<16384x128xf32, #tpu.memory_space<hbm>> -> memref<64x128xf32, #tpu.memory_space<hbm>>
    %dma_start3A_138 = arith.constant 0 : i32
    %dma_start3A_139 = tpu.memref_slice %arg2[%add3A_135, %dma_start3A_138] : memref<16384x128xf32, #tpu.memory_space<hbm>> -> memref<64x128xf32, #tpu.memory_space<hbm>>
    tpu.enqueue_dma source(%dma_start3A_139 : memref<64x128xf32, #tpu.memory_space<hbm>>) target(%arg8 : memref<64x128xf32, #tpu.memory_space<vmem>>) target_semaphore(%arg16 : memref<!tpu.dma_semaphore, #tpu.memory_space<semaphore_mem>>)
    %scan3A_140 = arith.constant 0 : i32
    %scan3A_141 = arith.constant 0 : i32
    %scan3A_142 = arith.constant 64 : i32
    %scan3A_143 = arith.addi %scan3A_141, %scan3A_142 : i32
    %scan3A_144 = arith.constant 1 : i32
    scf.for %scan3A_336 = %scan3A_141 to %scan3A_143 step %scan3A_144  : i32 {
      %add3A_337 = arith.constant 256 : i32
      %add3A_338 = arith.addi %add3A_337, %scan3A_336 : i32
      %get3A = arith.index_cast %add3A_338 : i32 to index
      %get3A_339 = tpu.vector_load %arg7[%get3A] {strides = array<i32>} : memref<528xi32, #tpu.memory_space<vmem>>, vector<16xi32>,
      %get3A_340 = vector.shape_cast %get3A_339 : vector<16xi32> to vector<16xi32>
      %slice3A = vector.extract_strided_slice %get3A_340 {offsets = [0], sizes = [1], strides = [1]} : vector<16xi32> to vector<1xi32>
      %squeeze3A = vector.extract %slice3A[0] : i32 from vector<1xi32>
      %dma_start3A_341 = arith.constant 0 : i32
      %dma_start3A_342 = tpu.memref_slice %arg10[%scan3A_336, %dma_start3A_341] : memref<64x64xf32, #tpu.memory_space<vmem>> -> memref<1x64xf32, #tpu.memory_space<vmem>>
      %dma_start3A_343 = arith.constant 0 : i32
      %dma_start3A_344 = tpu.memref_slice %arg4[%squeeze3A, %dma_start3A_343] : memref<1000000x64xf32, #tpu.memory_space<hbm>> -> memref<1x64xf32, #tpu.memory_space<hbm>>
      %dma_start3A_345 = arith.constant 0 : i32
      %dma_start3A_346 = tpu.memref_slice %arg10[%scan3A_336, %dma_start3A_345] : memref<64x64xf32, #tpu.memory_space<vmem>> -> memref<1x64xf32, #tpu.memory_space<vmem>>
      %dma_start3A_347 = arith.constant 0 : i32
      %dma_start3A_348 = tpu.memref_slice %arg4[%squeeze3A, %dma_start3A_347] : memref<1000000x64xf32, #tpu.memory_space<hbm>> -> memref<1x64xf32, #tpu.memory_space<hbm>>
      tpu.enqueue_dma source(%dma_start3A_348 : memref<1x64xf32, #tpu.memory_space<hbm>>) target(%dma_start3A_346 : memref<1x64xf32, #tpu.memory_space<vmem>>) target_semaphore(%arg18 : memref<!tpu.dma_semaphore, #tpu.memory_space<semaphore_mem>>)
      %dma_start3A_349 = arith.constant 0 : i32
      %dma_start3A_350 = tpu.memref_slice %arg12[%scan3A_336, %dma_start3A_349] : memref<64x64xf32, #tpu.memory_space<vmem>> -> memref<1x64xf32, #tpu.memory_space<vmem>>
      %dma_start3A_351 = arith.constant 0 : i32
      %dma_start3A_352 = tpu.memref_slice %arg5[%squeeze3A, %dma_start3A_351] : memref<1000000x64xf32, #tpu.memory_space<hbm>> -> memref<1x64xf32, #tpu.memory_space<hbm>>
      %dma_start3A_353 = arith.constant 0 : i32
      %dma_start3A_354 = tpu.memref_slice %arg12[%scan3A_336, %dma_start3A_353] : memref<64x64xf32, #tpu.memory_space<vmem>> -> memref<1x64xf32, #tpu.memory_space<vmem>>
      %dma_start3A_355 = arith.constant 0 : i32
      %dma_start3A_356 = tpu.memref_slice %arg5[%squeeze3A, %dma_start3A_355] : memref<1000000x64xf32, #tpu.memory_space<hbm>> -> memref<1x64xf32, #tpu.memory_space<hbm>>
      tpu.enqueue_dma source(%dma_start3A_356 : memref<1x64xf32, #tpu.memory_space<hbm>>) target(%dma_start3A_354 : memref<1x64xf32, #tpu.memory_space<vmem>>) target_semaphore(%arg20 : memref<!tpu.dma_semaphore, #tpu.memory_space<semaphore_mem>>)
    }
    %scan3A_145 = arith.constant 64 : i32
    %dma_wait3A_146 = arith.constant 0 : i32
    %dma_wait3A_147 = tpu.memref_slice %arg2[%add3A_93, %dma_wait3A_146] : memref<16384x128xf32, #tpu.memory_space<hbm>> -> memref<64x128xf32, #tpu.memory_space<hbm>>
    %dma_wait3A_148 = arith.constant 0 : i32
    %dma_wait3A_149 = tpu.memref_slice %arg2[%add3A_93, %dma_wait3A_148] : memref<16384x128xf32, #tpu.memory_space<hbm>> -> memref<64x128xf32, #tpu.memory_space<hbm>>
    tpu.wait_dma2 semaphore(%arg17 : memref<!tpu.dma_semaphore, #tpu.memory_space<semaphore_mem>>) src(%dma_wait3A_149 : memref<64x128xf32, #tpu.memory_space<hbm>>) dst(%arg9 : memref<64x128xf32, #tpu.memory_space<vmem>>)
    %scan3A_150 = arith.constant 0 : i32
    %scan3A_151 = arith.constant 0 : i32
    %scan3A_152 = arith.constant 64 : i32
    %scan3A_153 = arith.addi %scan3A_151, %scan3A_152 : i32
    %scan3A_154 = arith.constant 1 : i32
    scf.for %scan3A_336 = %scan3A_151 to %scan3A_153 step %scan3A_154  : i32 {
      %dma_wait3A_337 = arith.constant 0 : i32
      %dma_wait3A_338 = tpu.memref_slice %arg11[%scan3A_336, %dma_wait3A_337] : memref<64x64xf32, #tpu.memory_space<vmem>> -> memref<1x64xf32, #tpu.memory_space<vmem>>
      %dma_wait3A_339 = arith.constant 0 : i32
      %dma_wait3A_340 = arith.constant 0 : i32
      %dma_wait3A_341 = tpu.memref_slice %arg4[%dma_wait3A_339, %dma_wait3A_340] : memref<1000000x64xf32, #tpu.memory_space<hbm>> -> memref<1x64xf32, #tpu.memory_space<hbm>>
      %dma_wait3A_342 = arith.constant 0 : i32
      %dma_wait3A_343 = tpu.memref_slice %arg11[%scan3A_336, %dma_wait3A_342] : memref<64x64xf32, #tpu.memory_space<vmem>> -> memref<1x64xf32, #tpu.memory_space<vmem>>
      %dma_wait3A_344 = arith.constant 0 : i32
      %dma_wait3A_345 = arith.constant 0 : i32
      %dma_wait3A_346 = tpu.memref_slice %arg4[%dma_wait3A_344, %dma_wait3A_345] : memref<1000000x64xf32, #tpu.memory_space<hbm>> -> memref<1x64xf32, #tpu.memory_space<hbm>>
      tpu.wait_dma2 semaphore(%arg19 : memref<!tpu.dma_semaphore, #tpu.memory_space<semaphore_mem>>) src(%dma_wait3A_346 : memref<1x64xf32, #tpu.memory_space<hbm>>) dst(%dma_wait3A_343 : memref<1x64xf32, #tpu.memory_space<vmem>>)
      %dma_wait3A_347 = arith.constant 0 : i32
      %dma_wait3A_348 = tpu.memref_slice %arg13[%scan3A_336, %dma_wait3A_347] : memref<64x64xf32, #tpu.memory_space<vmem>> -> memref<1x64xf32, #tpu.memory_space<vmem>>
      %dma_wait3A_349 = arith.constant 0 : i32
      %dma_wait3A_350 = arith.constant 0 : i32
      %dma_wait3A_351 = tpu.memref_slice %arg5[%dma_wait3A_349, %dma_wait3A_350] : memref<1000000x64xf32, #tpu.memory_space<hbm>> -> memref<1x64xf32, #tpu.memory_space<hbm>>
      %dma_wait3A_352 = arith.constant 0 : i32
      %dma_wait3A_353 = tpu.memref_slice %arg13[%scan3A_336, %dma_wait3A_352] : memref<64x64xf32, #tpu.memory_space<vmem>> -> memref<1x64xf32, #tpu.memory_space<vmem>>
      %dma_wait3A_354 = arith.constant 0 : i32
      %dma_wait3A_355 = arith.constant 0 : i32
      %dma_wait3A_356 = tpu.memref_slice %arg5[%dma_wait3A_354, %dma_wait3A_355] : memref<1000000x64xf32, #tpu.memory_space<hbm>> -> memref<1x64xf32, #tpu.memory_space<hbm>>
      tpu.wait_dma2 semaphore(%arg21 : memref<!tpu.dma_semaphore, #tpu.memory_space<semaphore_mem>>) src(%dma_wait3A_356 : memref<1x64xf32, #tpu.memory_space<hbm>>) dst(%dma_wait3A_353 : memref<1x64xf32, #tpu.memory_space<vmem>>)
    }
    %scan3A_155 = arith.constant 64 : i32
    %dma_wait3A_156 = arith.constant 0 : i32
    %dma_wait3A_157 = tpu.memref_slice %arg6[%add3A_85, %dma_wait3A_156] : memref<16384x128xf32, #tpu.memory_space<hbm>> -> memref<64x128xf32, #tpu.memory_space<hbm>>
    %dma_wait3A_158 = arith.constant 0 : i32
    %dma_wait3A_159 = tpu.memref_slice %arg6[%add3A_85, %dma_wait3A_158] : memref<16384x128xf32, #tpu.memory_space<hbm>> -> memref<64x128xf32, #tpu.memory_space<hbm>>
    tpu.wait_dma2 semaphore(%arg23 : memref<!tpu.dma_semaphore, #tpu.memory_space<semaphore_mem>>) src(%arg15 : memref<64x128xf32, #tpu.memory_space<vmem>>) dst(%dma_wait3A_159 : memref<64x128xf32, #tpu.memory_space<hbm>>)
    %scan3A_160 = arith.constant 0 : i32
    %scan3A_161 = arith.constant 0 : i32
    %scan3A_162 = arith.constant 64 : i32
    %scan3A_163 = arith.addi %scan3A_161, %scan3A_162 : i32
    %scan3A_164 = arith.constant 1 : i32
    scf.for %scan3A_336 = %scan3A_161 to %scan3A_163 step %scan3A_164  : i32 {
      %get3A = arith.index_cast %scan3A_336 : i32 to index
      %get3A_337 = arith.constant 0 : index
      %get3A_338 = tpu.vector_load %arg9[%get3A, %get3A_337] {strides = array<i32>} : memref<64x128xf32, #tpu.memory_space<vmem>>, vector<1x16xf32>,
      %get3A_339 = vector.shape_cast %get3A_338 : vector<1x16xf32> to vector<16xf32>
      %get3A_340 = arith.index_cast %scan3A_336 : i32 to index
      %get3A_341 = arith.constant 64 : index
      %get3A_342 = tpu.vector_load %arg9[%get3A_340, %get3A_341] {strides = array<i32>} : memref<64x128xf32, #tpu.memory_space<vmem>>, vector<1x16xf32>,
      %get3A_343 = vector.shape_cast %get3A_342 : vector<1x16xf32> to vector<16xf32>
      %get3A_344 = arith.index_cast %scan3A_336 : i32 to index
      %get3A_345 = arith.constant 0 : index
      %get3A_346 = tpu.vector_load %arg11[%get3A_344, %get3A_345] {strides = array<i32>} : memref<64x64xf32, #tpu.memory_space<vmem>>, vector<1x16xf32>,
      %get3A_347 = vector.shape_cast %get3A_346 : vector<1x16xf32> to vector<16xf32>
      %get3A_348 = arith.index_cast %scan3A_336 : i32 to index
      %get3A_349 = arith.constant 0 : index
      %get3A_350 = tpu.vector_load %arg13[%get3A_348, %get3A_349] {strides = array<i32>} : memref<64x64xf32, #tpu.memory_space<vmem>>, vector<1x16xf32>,
      %get3A_351 = vector.shape_cast %get3A_350 : vector<1x16xf32> to vector<16xf32>
      %mul3A_352 = arith.mulf %get3A_339, %get3A_347 : vector<16xf32>
      %mul3A_353 = arith.mulf %get3A_343, %get3A_351 : vector<16xf32>
      %sub3A = arith.subf %mul3A_352, %mul3A_353 : vector<16xf32>
      %swap3A = arith.index_cast %scan3A_336 : i32 to index
      %swap3A_354 = arith.constant 0 : index
      %swap3A_355 = tpu.vector_load %arg15[%swap3A, %swap3A_354] {strides = array<i32>} : memref<64x128xf32, #tpu.memory_space<vmem>>, vector<1x16xf32>,
      %swap3A_356 = vector.shape_cast %swap3A_355 : vector<1x16xf32> to vector<16xf32>
      %swap3A_357 = vector.shape_cast %sub3A : vector<16xf32> to vector<1x16xf32>
      tpu.vector_store %arg15[%swap3A, %swap3A_354], %swap3A_357 {strides = array<i32>} : memref<64x128xf32, #tpu.memory_space<vmem>>, vector<1x16xf32>,
      %mul3A_358 = arith.mulf %get3A_339, %get3A_351 : vector<16xf32>
      %mul3A_359 = arith.mulf %get3A_343, %get3A_347 : vector<16xf32>
      %add3A_360 = arith.addf %mul3A_358, %mul3A_359 : vector<16xf32>
      %swap3A_361 = arith.index_cast %scan3A_336 : i32 to index
      %swap3A_362 = arith.constant 64 : index
      %swap3A_363 = tpu.vector_load %arg15[%swap3A_361, %swap3A_362] {strides = array<i32>} : memref<64x128xf32, #tpu.memory_space<vmem>>, vector<1x16xf32>,
      %swap3A_364 = vector.shape_cast %swap3A_363 : vector<1x16xf32> to vector<16xf32>
      %swap3A_365 = vector.shape_cast %add3A_360 : vector<16xf32> to vector<1x16xf32>
      tpu.vector_store %arg15[%swap3A_361, %swap3A_362], %swap3A_365 {strides = array<i32>} : memref<64x128xf32, #tpu.memory_space<vmem>>, vector<1x16xf32>,
      %get3A_366 = arith.index_cast %scan3A_336 : i32 to index
      %get3A_367 = arith.constant 16 : index
      %get3A_368 = tpu.vector_load %arg9[%get3A_366, %get3A_367] {strides = array<i32>} : memref<64x128xf32, #tpu.memory_space<vmem>>, vector<1x16xf32>,
      %get3A_369 = vector.shape_cast %get3A_368 : vector<1x16xf32> to vector<16xf32>
      %get3A_370 = arith.index_cast %scan3A_336 : i32 to index
      %get3A_371 = arith.constant 80 : index
      %get3A_372 = tpu.vector_load %arg9[%get3A_370, %get3A_371] {strides = array<i32>} : memref<64x128xf32, #tpu.memory_space<vmem>>, vector<1x16xf32>,
      %get3A_373 = vector.shape_cast %get3A_372 : vector<1x16xf32> to vector<16xf32>
      %get3A_374 = arith.index_cast %scan3A_336 : i32 to index
      %get3A_375 = arith.constant 16 : index
      %get3A_376 = tpu.vector_load %arg11[%get3A_374, %get3A_375] {strides = array<i32>} : memref<64x64xf32, #tpu.memory_space<vmem>>, vector<1x16xf32>,
      %get3A_377 = vector.shape_cast %get3A_376 : vector<1x16xf32> to vector<16xf32>
      %get3A_378 = arith.index_cast %scan3A_336 : i32 to index
      %get3A_379 = arith.constant 16 : index
      %get3A_380 = tpu.vector_load %arg13[%get3A_378, %get3A_379] {strides = array<i32>} : memref<64x64xf32, #tpu.memory_space<vmem>>, vector<1x16xf32>,
      %get3A_381 = vector.shape_cast %get3A_380 : vector<1x16xf32> to vector<16xf32>
      %mul3A_382 = arith.mulf %get3A_369, %get3A_377 : vector<16xf32>
      %mul3A_383 = arith.mulf %get3A_373, %get3A_381 : vector<16xf32>
      %sub3A_384 = arith.subf %mul3A_382, %mul3A_383 : vector<16xf32>
      %swap3A_385 = arith.index_cast %scan3A_336 : i32 to index
      %swap3A_386 = arith.constant 16 : index
      %swap3A_387 = tpu.vector_load %arg15[%swap3A_385, %swap3A_386] {strides = array<i32>} : memref<64x128xf32, #tpu.memory_space<vmem>>, vector<1x16xf32>,
      %swap3A_388 = vector.shape_cast %swap3A_387 : vector<1x16xf32> to vector<16xf32>
      %swap3A_389 = vector.shape_cast %sub3A_384 : vector<16xf32> to vector<1x16xf32>
      tpu.vector_store %arg15[%swap3A_385, %swap3A_386], %swap3A_389 {strides = array<i32>} : memref<64x128xf32, #tpu.memory_space<vmem>>, vector<1x16xf32>,
      %mul3A_390 = arith.mulf %get3A_369, %get3A_381 : vector<16xf32>
      %mul3A_391 = arith.mulf %get3A_373, %get3A_377 : vector<16xf32>
      %add3A_392 = arith.addf %mul3A_390, %mul3A_391 : vector<16xf32>
      %swap3A_393 = arith.index_cast %scan3A_336 : i32 to index
      %swap3A_394 = arith.constant 80 : index
      %swap3A_395 = tpu.vector_load %arg15[%swap3A_393, %swap3A_394] {strides = array<i32>} : memref<64x128xf32, #tpu.memory_space<vmem>>, vector<1x16xf32>,
      %swap3A_396 = vector.shape_cast %swap3A_395 : vector<1x16xf32> to vector<16xf32>
      %swap3A_397 = vector.shape_cast %add3A_392 : vector<16xf32> to vector<1x16xf32>
      tpu.vector_store %arg15[%swap3A_393, %swap3A_394], %swap3A_397 {strides = array<i32>} : memref<64x128xf32, #tpu.memory_space<vmem>>, vector<1x16xf32>,
      %get3A_398 = arith.index_cast %scan3A_336 : i32 to index
      %get3A_399 = arith.constant 32 : index
      %get3A_400 = tpu.vector_load %arg9[%get3A_398, %get3A_399] {strides = array<i32>} : memref<64x128xf32, #tpu.memory_space<vmem>>, vector<1x16xf32>,
      %get3A_401 = vector.shape_cast %get3A_400 : vector<1x16xf32> to vector<16xf32>
      %get3A_402 = arith.index_cast %scan3A_336 : i32 to index
      %get3A_403 = arith.constant 96 : index
      %get3A_404 = tpu.vector_load %arg9[%get3A_402, %get3A_403] {strides = array<i32>} : memref<64x128xf32, #tpu.memory_space<vmem>>, vector<1x16xf32>,
      %get3A_405 = vector.shape_cast %get3A_404 : vector<1x16xf32> to vector<16xf32>
      %get3A_406 = arith.index_cast %scan3A_336 : i32 to index
      %get3A_407 = arith.constant 32 : index
      %get3A_408 = tpu.vector_load %arg11[%get3A_406, %get3A_407] {strides = array<i32>} : memref<64x64xf32, #tpu.memory_space<vmem>>, vector<1x16xf32>,
      %get3A_409 = vector.shape_cast %get3A_408 : vector<1x16xf32> to vector<16xf32>
      %get3A_410 = arith.index_cast %scan3A_336 : i32 to index
      %get3A_411 = arith.constant 32 : index
      %get3A_412 = tpu.vector_load %arg13[%get3A_410, %get3A_411] {strides = array<i32>} : memref<64x64xf32, #tpu.memory_space<vmem>>, vector<1x16xf32>,
      %get3A_413 = vector.shape_cast %get3A_412 : vector<1x16xf32> to vector<16xf32>
      %mul3A_414 = arith.mulf %get3A_401, %get3A_409 : vector<16xf32>
      %mul3A_415 = arith.mulf %get3A_405, %get3A_413 : vector<16xf32>
      %sub3A_416 = arith.subf %mul3A_414, %mul3A_415 : vector<16xf32>
      %swap3A_417 = arith.index_cast %scan3A_336 : i32 to index
      %swap3A_418 = arith.constant 32 : index
      %swap3A_419 = tpu.vector_load %arg15[%swap3A_417, %swap3A_418] {strides = array<i32>} : memref<64x128xf32, #tpu.memory_space<vmem>>, vector<1x16xf32>,
      %swap3A_420 = vector.shape_cast %swap3A_419 : vector<1x16xf32> to vector<16xf32>
      %swap3A_421 = vector.shape_cast %sub3A_416 : vector<16xf32> to vector<1x16xf32>
      tpu.vector_store %arg15[%swap3A_417, %swap3A_418], %swap3A_421 {strides = array<i32>} : memref<64x128xf32, #tpu.memory_space<vmem>>, vector<1x16xf32>,
      %mul3A_422 = arith.mulf %get3A_401, %get3A_413 : vector<16xf32>
      %mul3A_423 = arith.mulf %get3A_405, %get3A_409 : vector<16xf32>
      %add3A_424 = arith.addf %mul3A_422, %mul3A_423 : vector<16xf32>
      %swap3A_425 = arith.index_cast %scan3A_336 : i32 to index
      %swap3A_426 = arith.constant 96 : index
      %swap3A_427 = tpu.vector_load %arg15[%swap3A_425, %swap3A_426] {strides = array<i32>} : memref<64x128xf32, #tpu.memory_space<vmem>>, vector<1x16xf32>,
      %swap3A_428 = vector.shape_cast %swap3A_427 : vector<1x16xf32> to vector<16xf32>
      %swap3A_429 = vector.shape_cast %add3A_424 : vector<16xf32> to vector<1x16xf32>
      tpu.vector_store %arg15[%swap3A_425, %swap3A_426], %swap3A_429 {strides = array<i32>} : memref<64x128xf32, #tpu.memory_space<vmem>>, vector<1x16xf32>,
      %get3A_430 = arith.index_cast %scan3A_336 : i32 to index
      %get3A_431 = arith.constant 48 : index
      %get3A_432 = tpu.vector_load %arg9[%get3A_430, %get3A_431] {strides = array<i32>} : memref<64x128xf32, #tpu.memory_space<vmem>>, vector<1x16xf32>,
      %get3A_433 = vector.shape_cast %get3A_432 : vector<1x16xf32> to vector<16xf32>
      %get3A_434 = arith.index_cast %scan3A_336 : i32 to index
      %get3A_435 = arith.constant 112 : index
      %get3A_436 = tpu.vector_load %arg9[%get3A_434, %get3A_435] {strides = array<i32>} : memref<64x128xf32, #tpu.memory_space<vmem>>, vector<1x16xf32>,
      %get3A_437 = vector.shape_cast %get3A_436 : vector<1x16xf32> to vector<16xf32>
      %get3A_438 = arith.index_cast %scan3A_336 : i32 to index
      %get3A_439 = arith.constant 48 : index
      %get3A_440 = tpu.vector_load %arg11[%get3A_438, %get3A_439] {strides = array<i32>} : memref<64x64xf32, #tpu.memory_space<vmem>>, vector<1x16xf32>,
      %get3A_441 = vector.shape_cast %get3A_440 : vector<1x16xf32> to vector<16xf32>
      %get3A_442 = arith.index_cast %scan3A_336 : i32 to index
      %get3A_443 = arith.constant 48 : index
      %get3A_444 = tpu.vector_load %arg13[%get3A_442, %get3A_443] {strides = array<i32>} : memref<64x64xf32, #tpu.memory_space<vmem>>, vector<1x16xf32>,
      %get3A_445 = vector.shape_cast %get3A_444 : vector<1x16xf32> to vector<16xf32>
      %mul3A_446 = arith.mulf %get3A_433, %get3A_441 : vector<16xf32>
      %mul3A_447 = arith.mulf %get3A_437, %get3A_445 : vector<16xf32>
      %sub3A_448 = arith.subf %mul3A_446, %mul3A_447 : vector<16xf32>
      %swap3A_449 = arith.index_cast %scan3A_336 : i32 to index
      %swap3A_450 = arith.constant 48 : index
      %swap3A_451 = tpu.vector_load %arg15[%swap3A_449, %swap3A_450] {strides = array<i32>} : memref<64x128xf32, #tpu.memory_space<vmem>>, vector<1x16xf32>,
      %swap3A_452 = vector.shape_cast %swap3A_451 : vector<1x16xf32> to vector<16xf32>
      %swap3A_453 = vector.shape_cast %sub3A_448 : vector<16xf32> to vector<1x16xf32>
      tpu.vector_store %arg15[%swap3A_449, %swap3A_450], %swap3A_453 {strides = array<i32>} : memref<64x128xf32, #tpu.memory_space<vmem>>, vector<1x16xf32>,
      %mul3A_454 = arith.mulf %get3A_433, %get3A_445 : vector<16xf32>
      %mul3A_455 = arith.mulf %get3A_437, %get3A_441 : vector<16xf32>
      %add3A_456 = arith.addf %mul3A_454, %mul3A_455 : vector<16xf32>
      %swap3A_457 = arith.index_cast %scan3A_336 : i32 to index
      %swap3A_458 = arith.constant 112 : index
      %swap3A_459 = tpu.vector_load %arg15[%swap3A_457, %swap3A_458] {strides = array<i32>} : memref<64x128xf32, #tpu.memory_space<vmem>>, vector<1x16xf32>,
      %swap3A_460 = vector.shape_cast %swap3A_459 : vector<1x16xf32> to vector<16xf32>
      %swap3A_461 = vector.shape_cast %add3A_456 : vector<16xf32> to vector<1x16xf32>
      tpu.vector_store %arg15[%swap3A_457, %swap3A_458], %swap3A_461 {strides = array<i32>} : memref<64x128xf32, #tpu.memory_space<vmem>>, vector<1x16xf32>,
    }
    %scan3A_165 = arith.constant 64 : i32
    %mul3A_166 = arith.constant 512 : i32
    %mul3A_167 = arith.muli %add3A, %mul3A_166 : i32
    %add3A_168 = arith.constant 192 : i32
    %add3A_169 = arith.addi %mul3A_167, %add3A_168 : i32
    %dma_start3A_170 = arith.constant 0 : i32
    %dma_start3A_171 = tpu.memref_slice %arg6[%add3A_169, %dma_start3A_170] : memref<16384x128xf32, #tpu.memory_space<hbm>> -> memref<64x128xf32, #tpu.memory_space<hbm>>
    %dma_start3A_172 = arith.constant 0 : i32
    %dma_start3A_173 = tpu.memref_slice %arg6[%add3A_169, %dma_start3A_172] : memref<16384x128xf32, #tpu.memory_space<hbm>> -> memref<64x128xf32, #tpu.memory_space<hbm>>
    tpu.enqueue_dma source(%arg15 : memref<64x128xf32, #tpu.memory_space<vmem>>) target(%dma_start3A_173 : memref<64x128xf32, #tpu.memory_space<hbm>>) target_semaphore(%arg23 : memref<!tpu.dma_semaphore, #tpu.memory_space<semaphore_mem>>)
    %mul3A_174 = arith.constant 512 : i32
    %mul3A_175 = arith.muli %add3A, %mul3A_174 : i32
    %add3A_176 = arith.constant 320 : i32
    %add3A_177 = arith.addi %mul3A_175, %add3A_176 : i32
    %dma_start3A_178 = arith.constant 0 : i32
    %dma_start3A_179 = tpu.memref_slice %arg2[%add3A_177, %dma_start3A_178] : memref<16384x128xf32, #tpu.memory_space<hbm>> -> memref<64x128xf32, #tpu.memory_space<hbm>>
    %dma_start3A_180 = arith.constant 0 : i32
    %dma_start3A_181 = tpu.memref_slice %arg2[%add3A_177, %dma_start3A_180] : memref<16384x128xf32, #tpu.memory_space<hbm>> -> memref<64x128xf32, #tpu.memory_space<hbm>>
    tpu.enqueue_dma source(%dma_start3A_181 : memref<64x128xf32, #tpu.memory_space<hbm>>) target(%arg9 : memref<64x128xf32, #tpu.memory_space<vmem>>) target_semaphore(%arg17 : memref<!tpu.dma_semaphore, #tpu.memory_space<semaphore_mem>>)
    %scan3A_182 = arith.constant 0 : i32
    %scan3A_183 = arith.constant 0 : i32
    %scan3A_184 = arith.constant 64 : i32
    %scan3A_185 = arith.addi %scan3A_183, %scan3A_184 : i32
    %scan3A_186 = arith.constant 1 : i32
    scf.for %scan3A_336 = %scan3A_183 to %scan3A_185 step %scan3A_186  : i32 {
      %add3A_337 = arith.constant 320 : i32
      %add3A_338 = arith.addi %add3A_337, %scan3A_336 : i32
      %get3A = arith.index_cast %add3A_338 : i32 to index
      %get3A_339 = tpu.vector_load %arg7[%get3A] {strides = array<i32>} : memref<528xi32, #tpu.memory_space<vmem>>, vector<16xi32>,
      %get3A_340 = vector.shape_cast %get3A_339 : vector<16xi32> to vector<16xi32>
      %slice3A = vector.extract_strided_slice %get3A_340 {offsets = [0], sizes = [1], strides = [1]} : vector<16xi32> to vector<1xi32>
      %squeeze3A = vector.extract %slice3A[0] : i32 from vector<1xi32>
      %dma_start3A_341 = arith.constant 0 : i32
      %dma_start3A_342 = tpu.memref_slice %arg11[%scan3A_336, %dma_start3A_341] : memref<64x64xf32, #tpu.memory_space<vmem>> -> memref<1x64xf32, #tpu.memory_space<vmem>>
      %dma_start3A_343 = arith.constant 0 : i32
      %dma_start3A_344 = tpu.memref_slice %arg4[%squeeze3A, %dma_start3A_343] : memref<1000000x64xf32, #tpu.memory_space<hbm>> -> memref<1x64xf32, #tpu.memory_space<hbm>>
      %dma_start3A_345 = arith.constant 0 : i32
      %dma_start3A_346 = tpu.memref_slice %arg11[%scan3A_336, %dma_start3A_345] : memref<64x64xf32, #tpu.memory_space<vmem>> -> memref<1x64xf32, #tpu.memory_space<vmem>>
      %dma_start3A_347 = arith.constant 0 : i32
      %dma_start3A_348 = tpu.memref_slice %arg4[%squeeze3A, %dma_start3A_347] : memref<1000000x64xf32, #tpu.memory_space<hbm>> -> memref<1x64xf32, #tpu.memory_space<hbm>>
      tpu.enqueue_dma source(%dma_start3A_348 : memref<1x64xf32, #tpu.memory_space<hbm>>) target(%dma_start3A_346 : memref<1x64xf32, #tpu.memory_space<vmem>>) target_semaphore(%arg19 : memref<!tpu.dma_semaphore, #tpu.memory_space<semaphore_mem>>)
      %dma_start3A_349 = arith.constant 0 : i32
      %dma_start3A_350 = tpu.memref_slice %arg13[%scan3A_336, %dma_start3A_349] : memref<64x64xf32, #tpu.memory_space<vmem>> -> memref<1x64xf32, #tpu.memory_space<vmem>>
      %dma_start3A_351 = arith.constant 0 : i32
      %dma_start3A_352 = tpu.memref_slice %arg5[%squeeze3A, %dma_start3A_351] : memref<1000000x64xf32, #tpu.memory_space<hbm>> -> memref<1x64xf32, #tpu.memory_space<hbm>>
      %dma_start3A_353 = arith.constant 0 : i32
      %dma_start3A_354 = tpu.memref_slice %arg13[%scan3A_336, %dma_start3A_353] : memref<64x64xf32, #tpu.memory_space<vmem>> -> memref<1x64xf32, #tpu.memory_space<vmem>>
      %dma_start3A_355 = arith.constant 0 : i32
      %dma_start3A_356 = tpu.memref_slice %arg5[%squeeze3A, %dma_start3A_355] : memref<1000000x64xf32, #tpu.memory_space<hbm>> -> memref<1x64xf32, #tpu.memory_space<hbm>>
      tpu.enqueue_dma source(%dma_start3A_356 : memref<1x64xf32, #tpu.memory_space<hbm>>) target(%dma_start3A_354 : memref<1x64xf32, #tpu.memory_space<vmem>>) target_semaphore(%arg21 : memref<!tpu.dma_semaphore, #tpu.memory_space<semaphore_mem>>)
    }
    %scan3A_187 = arith.constant 64 : i32
    %dma_wait3A_188 = arith.constant 0 : i32
    %dma_wait3A_189 = tpu.memref_slice %arg2[%add3A_135, %dma_wait3A_188] : memref<16384x128xf32, #tpu.memory_space<hbm>> -> memref<64x128xf32, #tpu.memory_space<hbm>>
    %dma_wait3A_190 = arith.constant 0 : i32
    %dma_wait3A_191 = tpu.memref_slice %arg2[%add3A_135, %dma_wait3A_190] : memref<16384x128xf32, #tpu.memory_space<hbm>> -> memref<64x128xf32, #tpu.memory_space<hbm>>
    tpu.wait_dma2 semaphore(%arg16 : memref<!tpu.dma_semaphore, #tpu.memory_space<semaphore_mem>>) src(%dma_wait3A_191 : memref<64x128xf32, #tpu.memory_space<hbm>>) dst(%arg8 : memref<64x128xf32, #tpu.memory_space<vmem>>)
    %scan3A_192 = arith.constant 0 : i32
    %scan3A_193 = arith.constant 0 : i32
    %scan3A_194 = arith.constant 64 : i32
    %scan3A_195 = arith.addi %scan3A_193, %scan3A_194 : i32
    %scan3A_196 = arith.constant 1 : i32
    scf.for %scan3A_336 = %scan3A_193 to %scan3A_195 step %scan3A_196  : i32 {
      %dma_wait3A_337 = arith.constant 0 : i32
      %dma_wait3A_338 = tpu.memref_slice %arg10[%scan3A_336, %dma_wait3A_337] : memref<64x64xf32, #tpu.memory_space<vmem>> -> memref<1x64xf32, #tpu.memory_space<vmem>>
      %dma_wait3A_339 = arith.constant 0 : i32
      %dma_wait3A_340 = arith.constant 0 : i32
      %dma_wait3A_341 = tpu.memref_slice %arg4[%dma_wait3A_339, %dma_wait3A_340] : memref<1000000x64xf32, #tpu.memory_space<hbm>> -> memref<1x64xf32, #tpu.memory_space<hbm>>
      %dma_wait3A_342 = arith.constant 0 : i32
      %dma_wait3A_343 = tpu.memref_slice %arg10[%scan3A_336, %dma_wait3A_342] : memref<64x64xf32, #tpu.memory_space<vmem>> -> memref<1x64xf32, #tpu.memory_space<vmem>>
      %dma_wait3A_344 = arith.constant 0 : i32
      %dma_wait3A_345 = arith.constant 0 : i32
      %dma_wait3A_346 = tpu.memref_slice %arg4[%dma_wait3A_344, %dma_wait3A_345] : memref<1000000x64xf32, #tpu.memory_space<hbm>> -> memref<1x64xf32, #tpu.memory_space<hbm>>
      tpu.wait_dma2 semaphore(%arg18 : memref<!tpu.dma_semaphore, #tpu.memory_space<semaphore_mem>>) src(%dma_wait3A_346 : memref<1x64xf32, #tpu.memory_space<hbm>>) dst(%dma_wait3A_343 : memref<1x64xf32, #tpu.memory_space<vmem>>)
      %dma_wait3A_347 = arith.constant 0 : i32
      %dma_wait3A_348 = tpu.memref_slice %arg12[%scan3A_336, %dma_wait3A_347] : memref<64x64xf32, #tpu.memory_space<vmem>> -> memref<1x64xf32, #tpu.memory_space<vmem>>
      %dma_wait3A_349 = arith.constant 0 : i32
      %dma_wait3A_350 = arith.constant 0 : i32
      %dma_wait3A_351 = tpu.memref_slice %arg5[%dma_wait3A_349, %dma_wait3A_350] : memref<1000000x64xf32, #tpu.memory_space<hbm>> -> memref<1x64xf32, #tpu.memory_space<hbm>>
      %dma_wait3A_352 = arith.constant 0 : i32
      %dma_wait3A_353 = tpu.memref_slice %arg12[%scan3A_336, %dma_wait3A_352] : memref<64x64xf32, #tpu.memory_space<vmem>> -> memref<1x64xf32, #tpu.memory_space<vmem>>
      %dma_wait3A_354 = arith.constant 0 : i32
      %dma_wait3A_355 = arith.constant 0 : i32
      %dma_wait3A_356 = tpu.memref_slice %arg5[%dma_wait3A_354, %dma_wait3A_355] : memref<1000000x64xf32, #tpu.memory_space<hbm>> -> memref<1x64xf32, #tpu.memory_space<hbm>>
      tpu.wait_dma2 semaphore(%arg20 : memref<!tpu.dma_semaphore, #tpu.memory_space<semaphore_mem>>) src(%dma_wait3A_356 : memref<1x64xf32, #tpu.memory_space<hbm>>) dst(%dma_wait3A_353 : memref<1x64xf32, #tpu.memory_space<vmem>>)
    }
    %scan3A_197 = arith.constant 64 : i32
    %dma_wait3A_198 = arith.constant 0 : i32
    %dma_wait3A_199 = tpu.memref_slice %arg6[%add3A_127, %dma_wait3A_198] : memref<16384x128xf32, #tpu.memory_space<hbm>> -> memref<64x128xf32, #tpu.memory_space<hbm>>
    %dma_wait3A_200 = arith.constant 0 : i32
    %dma_wait3A_201 = tpu.memref_slice %arg6[%add3A_127, %dma_wait3A_200] : memref<16384x128xf32, #tpu.memory_space<hbm>> -> memref<64x128xf32, #tpu.memory_space<hbm>>
    tpu.wait_dma2 semaphore(%arg22 : memref<!tpu.dma_semaphore, #tpu.memory_space<semaphore_mem>>) src(%arg14 : memref<64x128xf32, #tpu.memory_space<vmem>>) dst(%dma_wait3A_201 : memref<64x128xf32, #tpu.memory_space<hbm>>)
    %scan3A_202 = arith.constant 0 : i32
    %scan3A_203 = arith.constant 0 : i32
    %scan3A_204 = arith.constant 64 : i32
    %scan3A_205 = arith.addi %scan3A_203, %scan3A_204 : i32
    %scan3A_206 = arith.constant 1 : i32
    scf.for %scan3A_336 = %scan3A_203 to %scan3A_205 step %scan3A_206  : i32 {
      %get3A = arith.index_cast %scan3A_336 : i32 to index
      %get3A_337 = arith.constant 0 : index
      %get3A_338 = tpu.vector_load %arg8[%get3A, %get3A_337] {strides = array<i32>} : memref<64x128xf32, #tpu.memory_space<vmem>>, vector<1x16xf32>,
      %get3A_339 = vector.shape_cast %get3A_338 : vector<1x16xf32> to vector<16xf32>
      %get3A_340 = arith.index_cast %scan3A_336 : i32 to index
      %get3A_341 = arith.constant 64 : index
      %get3A_342 = tpu.vector_load %arg8[%get3A_340, %get3A_341] {strides = array<i32>} : memref<64x128xf32, #tpu.memory_space<vmem>>, vector<1x16xf32>,
      %get3A_343 = vector.shape_cast %get3A_342 : vector<1x16xf32> to vector<16xf32>
      %get3A_344 = arith.index_cast %scan3A_336 : i32 to index
      %get3A_345 = arith.constant 0 : index
      %get3A_346 = tpu.vector_load %arg10[%get3A_344, %get3A_345] {strides = array<i32>} : memref<64x64xf32, #tpu.memory_space<vmem>>, vector<1x16xf32>,
      %get3A_347 = vector.shape_cast %get3A_346 : vector<1x16xf32> to vector<16xf32>
      %get3A_348 = arith.index_cast %scan3A_336 : i32 to index
      %get3A_349 = arith.constant 0 : index
      %get3A_350 = tpu.vector_load %arg12[%get3A_348, %get3A_349] {strides = array<i32>} : memref<64x64xf32, #tpu.memory_space<vmem>>, vector<1x16xf32>,
      %get3A_351 = vector.shape_cast %get3A_350 : vector<1x16xf32> to vector<16xf32>
      %mul3A_352 = arith.mulf %get3A_339, %get3A_347 : vector<16xf32>
      %mul3A_353 = arith.mulf %get3A_343, %get3A_351 : vector<16xf32>
      %sub3A = arith.subf %mul3A_352, %mul3A_353 : vector<16xf32>
      %swap3A = arith.index_cast %scan3A_336 : i32 to index
      %swap3A_354 = arith.constant 0 : index
      %swap3A_355 = tpu.vector_load %arg14[%swap3A, %swap3A_354] {strides = array<i32>} : memref<64x128xf32, #tpu.memory_space<vmem>>, vector<1x16xf32>,
      %swap3A_356 = vector.shape_cast %swap3A_355 : vector<1x16xf32> to vector<16xf32>
      %swap3A_357 = vector.shape_cast %sub3A : vector<16xf32> to vector<1x16xf32>
      tpu.vector_store %arg14[%swap3A, %swap3A_354], %swap3A_357 {strides = array<i32>} : memref<64x128xf32, #tpu.memory_space<vmem>>, vector<1x16xf32>,
      %mul3A_358 = arith.mulf %get3A_339, %get3A_351 : vector<16xf32>
      %mul3A_359 = arith.mulf %get3A_343, %get3A_347 : vector<16xf32>
      %add3A_360 = arith.addf %mul3A_358, %mul3A_359 : vector<16xf32>
      %swap3A_361 = arith.index_cast %scan3A_336 : i32 to index
      %swap3A_362 = arith.constant 64 : index
      %swap3A_363 = tpu.vector_load %arg14[%swap3A_361, %swap3A_362] {strides = array<i32>} : memref<64x128xf32, #tpu.memory_space<vmem>>, vector<1x16xf32>,
      %swap3A_364 = vector.shape_cast %swap3A_363 : vector<1x16xf32> to vector<16xf32>
      %swap3A_365 = vector.shape_cast %add3A_360 : vector<16xf32> to vector<1x16xf32>
      tpu.vector_store %arg14[%swap3A_361, %swap3A_362], %swap3A_365 {strides = array<i32>} : memref<64x128xf32, #tpu.memory_space<vmem>>, vector<1x16xf32>,
      %get3A_366 = arith.index_cast %scan3A_336 : i32 to index
      %get3A_367 = arith.constant 16 : index
      %get3A_368 = tpu.vector_load %arg8[%get3A_366, %get3A_367] {strides = array<i32>} : memref<64x128xf32, #tpu.memory_space<vmem>>, vector<1x16xf32>,
      %get3A_369 = vector.shape_cast %get3A_368 : vector<1x16xf32> to vector<16xf32>
      %get3A_370 = arith.index_cast %scan3A_336 : i32 to index
      %get3A_371 = arith.constant 80 : index
      %get3A_372 = tpu.vector_load %arg8[%get3A_370, %get3A_371] {strides = array<i32>} : memref<64x128xf32, #tpu.memory_space<vmem>>, vector<1x16xf32>,
      %get3A_373 = vector.shape_cast %get3A_372 : vector<1x16xf32> to vector<16xf32>
      %get3A_374 = arith.index_cast %scan3A_336 : i32 to index
      %get3A_375 = arith.constant 16 : index
      %get3A_376 = tpu.vector_load %arg10[%get3A_374, %get3A_375] {strides = array<i32>} : memref<64x64xf32, #tpu.memory_space<vmem>>, vector<1x16xf32>,
      %get3A_377 = vector.shape_cast %get3A_376 : vector<1x16xf32> to vector<16xf32>
      %get3A_378 = arith.index_cast %scan3A_336 : i32 to index
      %get3A_379 = arith.constant 16 : index
      %get3A_380 = tpu.vector_load %arg12[%get3A_378, %get3A_379] {strides = array<i32>} : memref<64x64xf32, #tpu.memory_space<vmem>>, vector<1x16xf32>,
      %get3A_381 = vector.shape_cast %get3A_380 : vector<1x16xf32> to vector<16xf32>
      %mul3A_382 = arith.mulf %get3A_369, %get3A_377 : vector<16xf32>
      %mul3A_383 = arith.mulf %get3A_373, %get3A_381 : vector<16xf32>
      %sub3A_384 = arith.subf %mul3A_382, %mul3A_383 : vector<16xf32>
      %swap3A_385 = arith.index_cast %scan3A_336 : i32 to index
      %swap3A_386 = arith.constant 16 : index
      %swap3A_387 = tpu.vector_load %arg14[%swap3A_385, %swap3A_386] {strides = array<i32>} : memref<64x128xf32, #tpu.memory_space<vmem>>, vector<1x16xf32>,
      %swap3A_388 = vector.shape_cast %swap3A_387 : vector<1x16xf32> to vector<16xf32>
      %swap3A_389 = vector.shape_cast %sub3A_384 : vector<16xf32> to vector<1x16xf32>
      tpu.vector_store %arg14[%swap3A_385, %swap3A_386], %swap3A_389 {strides = array<i32>} : memref<64x128xf32, #tpu.memory_space<vmem>>, vector<1x16xf32>,
      %mul3A_390 = arith.mulf %get3A_369, %get3A_381 : vector<16xf32>
      %mul3A_391 = arith.mulf %get3A_373, %get3A_377 : vector<16xf32>
      %add3A_392 = arith.addf %mul3A_390, %mul3A_391 : vector<16xf32>
      %swap3A_393 = arith.index_cast %scan3A_336 : i32 to index
      %swap3A_394 = arith.constant 80 : index
      %swap3A_395 = tpu.vector_load %arg14[%swap3A_393, %swap3A_394] {strides = array<i32>} : memref<64x128xf32, #tpu.memory_space<vmem>>, vector<1x16xf32>,
      %swap3A_396 = vector.shape_cast %swap3A_395 : vector<1x16xf32> to vector<16xf32>
      %swap3A_397 = vector.shape_cast %add3A_392 : vector<16xf32> to vector<1x16xf32>
      tpu.vector_store %arg14[%swap3A_393, %swap3A_394], %swap3A_397 {strides = array<i32>} : memref<64x128xf32, #tpu.memory_space<vmem>>, vector<1x16xf32>,
      %get3A_398 = arith.index_cast %scan3A_336 : i32 to index
      %get3A_399 = arith.constant 32 : index
      %get3A_400 = tpu.vector_load %arg8[%get3A_398, %get3A_399] {strides = array<i32>} : memref<64x128xf32, #tpu.memory_space<vmem>>, vector<1x16xf32>,
      %get3A_401 = vector.shape_cast %get3A_400 : vector<1x16xf32> to vector<16xf32>
      %get3A_402 = arith.index_cast %scan3A_336 : i32 to index
      %get3A_403 = arith.constant 96 : index
      %get3A_404 = tpu.vector_load %arg8[%get3A_402, %get3A_403] {strides = array<i32>} : memref<64x128xf32, #tpu.memory_space<vmem>>, vector<1x16xf32>,
      %get3A_405 = vector.shape_cast %get3A_404 : vector<1x16xf32> to vector<16xf32>
      %get3A_406 = arith.index_cast %scan3A_336 : i32 to index
      %get3A_407 = arith.constant 32 : index
      %get3A_408 = tpu.vector_load %arg10[%get3A_406, %get3A_407] {strides = array<i32>} : memref<64x64xf32, #tpu.memory_space<vmem>>, vector<1x16xf32>,
      %get3A_409 = vector.shape_cast %get3A_408 : vector<1x16xf32> to vector<16xf32>
      %get3A_410 = arith.index_cast %scan3A_336 : i32 to index
      %get3A_411 = arith.constant 32 : index
      %get3A_412 = tpu.vector_load %arg12[%get3A_410, %get3A_411] {strides = array<i32>} : memref<64x64xf32, #tpu.memory_space<vmem>>, vector<1x16xf32>,
      %get3A_413 = vector.shape_cast %get3A_412 : vector<1x16xf32> to vector<16xf32>
      %mul3A_414 = arith.mulf %get3A_401, %get3A_409 : vector<16xf32>
      %mul3A_415 = arith.mulf %get3A_405, %get3A_413 : vector<16xf32>
      %sub3A_416 = arith.subf %mul3A_414, %mul3A_415 : vector<16xf32>
      %swap3A_417 = arith.index_cast %scan3A_336 : i32 to index
      %swap3A_418 = arith.constant 32 : index
      %swap3A_419 = tpu.vector_load %arg14[%swap3A_417, %swap3A_418] {strides = array<i32>} : memref<64x128xf32, #tpu.memory_space<vmem>>, vector<1x16xf32>,
      %swap3A_420 = vector.shape_cast %swap3A_419 : vector<1x16xf32> to vector<16xf32>
      %swap3A_421 = vector.shape_cast %sub3A_416 : vector<16xf32> to vector<1x16xf32>
      tpu.vector_store %arg14[%swap3A_417, %swap3A_418], %swap3A_421 {strides = array<i32>} : memref<64x128xf32, #tpu.memory_space<vmem>>, vector<1x16xf32>,
      %mul3A_422 = arith.mulf %get3A_401, %get3A_413 : vector<16xf32>
      %mul3A_423 = arith.mulf %get3A_405, %get3A_409 : vector<16xf32>
      %add3A_424 = arith.addf %mul3A_422, %mul3A_423 : vector<16xf32>
      %swap3A_425 = arith.index_cast %scan3A_336 : i32 to index
      %swap3A_426 = arith.constant 96 : index
      %swap3A_427 = tpu.vector_load %arg14[%swap3A_425, %swap3A_426] {strides = array<i32>} : memref<64x128xf32, #tpu.memory_space<vmem>>, vector<1x16xf32>,
      %swap3A_428 = vector.shape_cast %swap3A_427 : vector<1x16xf32> to vector<16xf32>
      %swap3A_429 = vector.shape_cast %add3A_424 : vector<16xf32> to vector<1x16xf32>
      tpu.vector_store %arg14[%swap3A_425, %swap3A_426], %swap3A_429 {strides = array<i32>} : memref<64x128xf32, #tpu.memory_space<vmem>>, vector<1x16xf32>,
      %get3A_430 = arith.index_cast %scan3A_336 : i32 to index
      %get3A_431 = arith.constant 48 : index
      %get3A_432 = tpu.vector_load %arg8[%get3A_430, %get3A_431] {strides = array<i32>} : memref<64x128xf32, #tpu.memory_space<vmem>>, vector<1x16xf32>,
      %get3A_433 = vector.shape_cast %get3A_432 : vector<1x16xf32> to vector<16xf32>
      %get3A_434 = arith.index_cast %scan3A_336 : i32 to index
      %get3A_435 = arith.constant 112 : index
      %get3A_436 = tpu.vector_load %arg8[%get3A_434, %get3A_435] {strides = array<i32>} : memref<64x128xf32, #tpu.memory_space<vmem>>, vector<1x16xf32>,
      %get3A_437 = vector.shape_cast %get3A_436 : vector<1x16xf32> to vector<16xf32>
      %get3A_438 = arith.index_cast %scan3A_336 : i32 to index
      %get3A_439 = arith.constant 48 : index
      %get3A_440 = tpu.vector_load %arg10[%get3A_438, %get3A_439] {strides = array<i32>} : memref<64x64xf32, #tpu.memory_space<vmem>>, vector<1x16xf32>,
      %get3A_441 = vector.shape_cast %get3A_440 : vector<1x16xf32> to vector<16xf32>
      %get3A_442 = arith.index_cast %scan3A_336 : i32 to index
      %get3A_443 = arith.constant 48 : index
      %get3A_444 = tpu.vector_load %arg12[%get3A_442, %get3A_443] {strides = array<i32>} : memref<64x64xf32, #tpu.memory_space<vmem>>, vector<1x16xf32>,
      %get3A_445 = vector.shape_cast %get3A_444 : vector<1x16xf32> to vector<16xf32>
      %mul3A_446 = arith.mulf %get3A_433, %get3A_441 : vector<16xf32>
      %mul3A_447 = arith.mulf %get3A_437, %get3A_445 : vector<16xf32>
      %sub3A_448 = arith.subf %mul3A_446, %mul3A_447 : vector<16xf32>
      %swap3A_449 = arith.index_cast %scan3A_336 : i32 to index
      %swap3A_450 = arith.constant 48 : index
      %swap3A_451 = tpu.vector_load %arg14[%swap3A_449, %swap3A_450] {strides = array<i32>} : memref<64x128xf32, #tpu.memory_space<vmem>>, vector<1x16xf32>,
      %swap3A_452 = vector.shape_cast %swap3A_451 : vector<1x16xf32> to vector<16xf32>
      %swap3A_453 = vector.shape_cast %sub3A_448 : vector<16xf32> to vector<1x16xf32>
      tpu.vector_store %arg14[%swap3A_449, %swap3A_450], %swap3A_453 {strides = array<i32>} : memref<64x128xf32, #tpu.memory_space<vmem>>, vector<1x16xf32>,
      %mul3A_454 = arith.mulf %get3A_433, %get3A_445 : vector<16xf32>
      %mul3A_455 = arith.mulf %get3A_437, %get3A_441 : vector<16xf32>
      %add3A_456 = arith.addf %mul3A_454, %mul3A_455 : vector<16xf32>
      %swap3A_457 = arith.index_cast %scan3A_336 : i32 to index
      %swap3A_458 = arith.constant 112 : index
      %swap3A_459 = tpu.vector_load %arg14[%swap3A_457, %swap3A_458] {strides = array<i32>} : memref<64x128xf32, #tpu.memory_space<vmem>>, vector<1x16xf32>,
      %swap3A_460 = vector.shape_cast %swap3A_459 : vector<1x16xf32> to vector<16xf32>
      %swap3A_461 = vector.shape_cast %add3A_456 : vector<16xf32> to vector<1x16xf32>
      tpu.vector_store %arg14[%swap3A_457, %swap3A_458], %swap3A_461 {strides = array<i32>} : memref<64x128xf32, #tpu.memory_space<vmem>>, vector<1x16xf32>,
    }
    %scan3A_207 = arith.constant 64 : i32
    %mul3A_208 = arith.constant 512 : i32
    %mul3A_209 = arith.muli %add3A, %mul3A_208 : i32
    %add3A_210 = arith.constant 256 : i32
    %add3A_211 = arith.addi %mul3A_209, %add3A_210 : i32
    %dma_start3A_212 = arith.constant 0 : i32
    %dma_start3A_213 = tpu.memref_slice %arg6[%add3A_211, %dma_start3A_212] : memref<16384x128xf32, #tpu.memory_space<hbm>> -> memref<64x128xf32, #tpu.memory_space<hbm>>
    %dma_start3A_214 = arith.constant 0 : i32
    %dma_start3A_215 = tpu.memref_slice %arg6[%add3A_211, %dma_start3A_214] : memref<16384x128xf32, #tpu.memory_space<hbm>> -> memref<64x128xf32, #tpu.memory_space<hbm>>
    tpu.enqueue_dma source(%arg14 : memref<64x128xf32, #tpu.memory_space<vmem>>) target(%dma_start3A_215 : memref<64x128xf32, #tpu.memory_space<hbm>>) target_semaphore(%arg22 : memref<!tpu.dma_semaphore, #tpu.memory_space<semaphore_mem>>)
    %mul3A_216 = arith.constant 512 : i32
    %mul3A_217 = arith.muli %add3A, %mul3A_216 : i32
    %add3A_218 = arith.constant 384 : i32
    %add3A_219 = arith.addi %mul3A_217, %add3A_218 : i32
    %dma_start3A_220 = arith.constant 0 : i32
    %dma_start3A_221 = tpu.memref_slice %arg2[%add3A_219, %dma_start3A_220] : memref<16384x128xf32, #tpu.memory_space<hbm>> -> memref<64x128xf32, #tpu.memory_space<hbm>>
    %dma_start3A_222 = arith.constant 0 : i32
    %dma_start3A_223 = tpu.memref_slice %arg2[%add3A_219, %dma_start3A_222] : memref<16384x128xf32, #tpu.memory_space<hbm>> -> memref<64x128xf32, #tpu.memory_space<hbm>>
    tpu.enqueue_dma source(%dma_start3A_223 : memref<64x128xf32, #tpu.memory_space<hbm>>) target(%arg8 : memref<64x128xf32, #tpu.memory_space<vmem>>) target_semaphore(%arg16 : memref<!tpu.dma_semaphore, #tpu.memory_space<semaphore_mem>>)
    %scan3A_224 = arith.constant 0 : i32
    %scan3A_225 = arith.constant 0 : i32
    %scan3A_226 = arith.constant 64 : i32
    %scan3A_227 = arith.addi %scan3A_225, %scan3A_226 : i32
    %scan3A_228 = arith.constant 1 : i32
    scf.for %scan3A_336 = %scan3A_225 to %scan3A_227 step %scan3A_228  : i32 {
      %add3A_337 = arith.constant 384 : i32
      %add3A_338 = arith.addi %add3A_337, %scan3A_336 : i32
      %get3A = arith.index_cast %add3A_338 : i32 to index
      %get3A_339 = tpu.vector_load %arg7[%get3A] {strides = array<i32>} : memref<528xi32, #tpu.memory_space<vmem>>, vector<16xi32>,
      %get3A_340 = vector.shape_cast %get3A_339 : vector<16xi32> to vector<16xi32>
      %slice3A = vector.extract_strided_slice %get3A_340 {offsets = [0], sizes = [1], strides = [1]} : vector<16xi32> to vector<1xi32>
      %squeeze3A = vector.extract %slice3A[0] : i32 from vector<1xi32>
      %dma_start3A_341 = arith.constant 0 : i32
      %dma_start3A_342 = tpu.memref_slice %arg10[%scan3A_336, %dma_start3A_341] : memref<64x64xf32, #tpu.memory_space<vmem>> -> memref<1x64xf32, #tpu.memory_space<vmem>>
      %dma_start3A_343 = arith.constant 0 : i32
      %dma_start3A_344 = tpu.memref_slice %arg4[%squeeze3A, %dma_start3A_343] : memref<1000000x64xf32, #tpu.memory_space<hbm>> -> memref<1x64xf32, #tpu.memory_space<hbm>>
      %dma_start3A_345 = arith.constant 0 : i32
      %dma_start3A_346 = tpu.memref_slice %arg10[%scan3A_336, %dma_start3A_345] : memref<64x64xf32, #tpu.memory_space<vmem>> -> memref<1x64xf32, #tpu.memory_space<vmem>>
      %dma_start3A_347 = arith.constant 0 : i32
      %dma_start3A_348 = tpu.memref_slice %arg4[%squeeze3A, %dma_start3A_347] : memref<1000000x64xf32, #tpu.memory_space<hbm>> -> memref<1x64xf32, #tpu.memory_space<hbm>>
      tpu.enqueue_dma source(%dma_start3A_348 : memref<1x64xf32, #tpu.memory_space<hbm>>) target(%dma_start3A_346 : memref<1x64xf32, #tpu.memory_space<vmem>>) target_semaphore(%arg18 : memref<!tpu.dma_semaphore, #tpu.memory_space<semaphore_mem>>)
      %dma_start3A_349 = arith.constant 0 : i32
      %dma_start3A_350 = tpu.memref_slice %arg12[%scan3A_336, %dma_start3A_349] : memref<64x64xf32, #tpu.memory_space<vmem>> -> memref<1x64xf32, #tpu.memory_space<vmem>>
      %dma_start3A_351 = arith.constant 0 : i32
      %dma_start3A_352 = tpu.memref_slice %arg5[%squeeze3A, %dma_start3A_351] : memref<1000000x64xf32, #tpu.memory_space<hbm>> -> memref<1x64xf32, #tpu.memory_space<hbm>>
      %dma_start3A_353 = arith.constant 0 : i32
      %dma_start3A_354 = tpu.memref_slice %arg12[%scan3A_336, %dma_start3A_353] : memref<64x64xf32, #tpu.memory_space<vmem>> -> memref<1x64xf32, #tpu.memory_space<vmem>>
      %dma_start3A_355 = arith.constant 0 : i32
      %dma_start3A_356 = tpu.memref_slice %arg5[%squeeze3A, %dma_start3A_355] : memref<1000000x64xf32, #tpu.memory_space<hbm>> -> memref<1x64xf32, #tpu.memory_space<hbm>>
      tpu.enqueue_dma source(%dma_start3A_356 : memref<1x64xf32, #tpu.memory_space<hbm>>) target(%dma_start3A_354 : memref<1x64xf32, #tpu.memory_space<vmem>>) target_semaphore(%arg20 : memref<!tpu.dma_semaphore, #tpu.memory_space<semaphore_mem>>)
    }
    %scan3A_229 = arith.constant 64 : i32
    %dma_wait3A_230 = arith.constant 0 : i32
    %dma_wait3A_231 = tpu.memref_slice %arg2[%add3A_177, %dma_wait3A_230] : memref<16384x128xf32, #tpu.memory_space<hbm>> -> memref<64x128xf32, #tpu.memory_space<hbm>>
    %dma_wait3A_232 = arith.constant 0 : i32
    %dma_wait3A_233 = tpu.memref_slice %arg2[%add3A_177, %dma_wait3A_232] : memref<16384x128xf32, #tpu.memory_space<hbm>> -> memref<64x128xf32, #tpu.memory_space<hbm>>
    tpu.wait_dma2 semaphore(%arg17 : memref<!tpu.dma_semaphore, #tpu.memory_space<semaphore_mem>>) src(%dma_wait3A_233 : memref<64x128xf32, #tpu.memory_space<hbm>>) dst(%arg9 : memref<64x128xf32, #tpu.memory_space<vmem>>)
    %scan3A_234 = arith.constant 0 : i32
    %scan3A_235 = arith.constant 0 : i32
    %scan3A_236 = arith.constant 64 : i32
    %scan3A_237 = arith.addi %scan3A_235, %scan3A_236 : i32
    %scan3A_238 = arith.constant 1 : i32
    scf.for %scan3A_336 = %scan3A_235 to %scan3A_237 step %scan3A_238  : i32 {
      %dma_wait3A_337 = arith.constant 0 : i32
      %dma_wait3A_338 = tpu.memref_slice %arg11[%scan3A_336, %dma_wait3A_337] : memref<64x64xf32, #tpu.memory_space<vmem>> -> memref<1x64xf32, #tpu.memory_space<vmem>>
      %dma_wait3A_339 = arith.constant 0 : i32
      %dma_wait3A_340 = arith.constant 0 : i32
      %dma_wait3A_341 = tpu.memref_slice %arg4[%dma_wait3A_339, %dma_wait3A_340] : memref<1000000x64xf32, #tpu.memory_space<hbm>> -> memref<1x64xf32, #tpu.memory_space<hbm>>
      %dma_wait3A_342 = arith.constant 0 : i32
      %dma_wait3A_343 = tpu.memref_slice %arg11[%scan3A_336, %dma_wait3A_342] : memref<64x64xf32, #tpu.memory_space<vmem>> -> memref<1x64xf32, #tpu.memory_space<vmem>>
      %dma_wait3A_344 = arith.constant 0 : i32
      %dma_wait3A_345 = arith.constant 0 : i32
      %dma_wait3A_346 = tpu.memref_slice %arg4[%dma_wait3A_344, %dma_wait3A_345] : memref<1000000x64xf32, #tpu.memory_space<hbm>> -> memref<1x64xf32, #tpu.memory_space<hbm>>
      tpu.wait_dma2 semaphore(%arg19 : memref<!tpu.dma_semaphore, #tpu.memory_space<semaphore_mem>>) src(%dma_wait3A_346 : memref<1x64xf32, #tpu.memory_space<hbm>>) dst(%dma_wait3A_343 : memref<1x64xf32, #tpu.memory_space<vmem>>)
      %dma_wait3A_347 = arith.constant 0 : i32
      %dma_wait3A_348 = tpu.memref_slice %arg13[%scan3A_336, %dma_wait3A_347] : memref<64x64xf32, #tpu.memory_space<vmem>> -> memref<1x64xf32, #tpu.memory_space<vmem>>
      %dma_wait3A_349 = arith.constant 0 : i32
      %dma_wait3A_350 = arith.constant 0 : i32
      %dma_wait3A_351 = tpu.memref_slice %arg5[%dma_wait3A_349, %dma_wait3A_350] : memref<1000000x64xf32, #tpu.memory_space<hbm>> -> memref<1x64xf32, #tpu.memory_space<hbm>>
      %dma_wait3A_352 = arith.constant 0 : i32
      %dma_wait3A_353 = tpu.memref_slice %arg13[%scan3A_336, %dma_wait3A_352] : memref<64x64xf32, #tpu.memory_space<vmem>> -> memref<1x64xf32, #tpu.memory_space<vmem>>
      %dma_wait3A_354 = arith.constant 0 : i32
      %dma_wait3A_355 = arith.constant 0 : i32
      %dma_wait3A_356 = tpu.memref_slice %arg5[%dma_wait3A_354, %dma_wait3A_355] : memref<1000000x64xf32, #tpu.memory_space<hbm>> -> memref<1x64xf32, #tpu.memory_space<hbm>>
      tpu.wait_dma2 semaphore(%arg21 : memref<!tpu.dma_semaphore, #tpu.memory_space<semaphore_mem>>) src(%dma_wait3A_356 : memref<1x64xf32, #tpu.memory_space<hbm>>) dst(%dma_wait3A_353 : memref<1x64xf32, #tpu.memory_space<vmem>>)
    }
    %scan3A_239 = arith.constant 64 : i32
    %dma_wait3A_240 = arith.constant 0 : i32
    %dma_wait3A_241 = tpu.memref_slice %arg6[%add3A_169, %dma_wait3A_240] : memref<16384x128xf32, #tpu.memory_space<hbm>> -> memref<64x128xf32, #tpu.memory_space<hbm>>
    %dma_wait3A_242 = arith.constant 0 : i32
    %dma_wait3A_243 = tpu.memref_slice %arg6[%add3A_169, %dma_wait3A_242] : memref<16384x128xf32, #tpu.memory_space<hbm>> -> memref<64x128xf32, #tpu.memory_space<hbm>>
    tpu.wait_dma2 semaphore(%arg23 : memref<!tpu.dma_semaphore, #tpu.memory_space<semaphore_mem>>) src(%arg15 : memref<64x128xf32, #tpu.memory_space<vmem>>) dst(%dma_wait3A_243 : memref<64x128xf32, #tpu.memory_space<hbm>>)
    %scan3A_244 = arith.constant 0 : i32
    %scan3A_245 = arith.constant 0 : i32
    %scan3A_246 = arith.constant 64 : i32
    %scan3A_247 = arith.addi %scan3A_245, %scan3A_246 : i32
    %scan3A_248 = arith.constant 1 : i32
    scf.for %scan3A_336 = %scan3A_245 to %scan3A_247 step %scan3A_248  : i32 {
      %get3A = arith.index_cast %scan3A_336 : i32 to index
      %get3A_337 = arith.constant 0 : index
      %get3A_338 = tpu.vector_load %arg9[%get3A, %get3A_337] {strides = array<i32>} : memref<64x128xf32, #tpu.memory_space<vmem>>, vector<1x16xf32>,
      %get3A_339 = vector.shape_cast %get3A_338 : vector<1x16xf32> to vector<16xf32>
      %get3A_340 = arith.index_cast %scan3A_336 : i32 to index
      %get3A_341 = arith.constant 64 : index
      %get3A_342 = tpu.vector_load %arg9[%get3A_340, %get3A_341] {strides = array<i32>} : memref<64x128xf32, #tpu.memory_space<vmem>>, vector<1x16xf32>,
      %get3A_343 = vector.shape_cast %get3A_342 : vector<1x16xf32> to vector<16xf32>
      %get3A_344 = arith.index_cast %scan3A_336 : i32 to index
      %get3A_345 = arith.constant 0 : index
      %get3A_346 = tpu.vector_load %arg11[%get3A_344, %get3A_345] {strides = array<i32>} : memref<64x64xf32, #tpu.memory_space<vmem>>, vector<1x16xf32>,
      %get3A_347 = vector.shape_cast %get3A_346 : vector<1x16xf32> to vector<16xf32>
      %get3A_348 = arith.index_cast %scan3A_336 : i32 to index
      %get3A_349 = arith.constant 0 : index
      %get3A_350 = tpu.vector_load %arg13[%get3A_348, %get3A_349] {strides = array<i32>} : memref<64x64xf32, #tpu.memory_space<vmem>>, vector<1x16xf32>,
      %get3A_351 = vector.shape_cast %get3A_350 : vector<1x16xf32> to vector<16xf32>
      %mul3A_352 = arith.mulf %get3A_339, %get3A_347 : vector<16xf32>
      %mul3A_353 = arith.mulf %get3A_343, %get3A_351 : vector<16xf32>
      %sub3A = arith.subf %mul3A_352, %mul3A_353 : vector<16xf32>
      %swap3A = arith.index_cast %scan3A_336 : i32 to index
      %swap3A_354 = arith.constant 0 : index
      %swap3A_355 = tpu.vector_load %arg15[%swap3A, %swap3A_354] {strides = array<i32>} : memref<64x128xf32, #tpu.memory_space<vmem>>, vector<1x16xf32>,
      %swap3A_356 = vector.shape_cast %swap3A_355 : vector<1x16xf32> to vector<16xf32>
      %swap3A_357 = vector.shape_cast %sub3A : vector<16xf32> to vector<1x16xf32>
      tpu.vector_store %arg15[%swap3A, %swap3A_354], %swap3A_357 {strides = array<i32>} : memref<64x128xf32, #tpu.memory_space<vmem>>, vector<1x16xf32>,
      %mul3A_358 = arith.mulf %get3A_339, %get3A_351 : vector<16xf32>
      %mul3A_359 = arith.mulf %get3A_343, %get3A_347 : vector<16xf32>
      %add3A_360 = arith.addf %mul3A_358, %mul3A_359 : vector<16xf32>
      %swap3A_361 = arith.index_cast %scan3A_336 : i32 to index
      %swap3A_362 = arith.constant 64 : index
      %swap3A_363 = tpu.vector_load %arg15[%swap3A_361, %swap3A_362] {strides = array<i32>} : memref<64x128xf32, #tpu.memory_space<vmem>>, vector<1x16xf32>,
      %swap3A_364 = vector.shape_cast %swap3A_363 : vector<1x16xf32> to vector<16xf32>
      %swap3A_365 = vector.shape_cast %add3A_360 : vector<16xf32> to vector<1x16xf32>
      tpu.vector_store %arg15[%swap3A_361, %swap3A_362], %swap3A_365 {strides = array<i32>} : memref<64x128xf32, #tpu.memory_space<vmem>>, vector<1x16xf32>,
      %get3A_366 = arith.index_cast %scan3A_336 : i32 to index
      %get3A_367 = arith.constant 16 : index
      %get3A_368 = tpu.vector_load %arg9[%get3A_366, %get3A_367] {strides = array<i32>} : memref<64x128xf32, #tpu.memory_space<vmem>>, vector<1x16xf32>,
      %get3A_369 = vector.shape_cast %get3A_368 : vector<1x16xf32> to vector<16xf32>
      %get3A_370 = arith.index_cast %scan3A_336 : i32 to index
      %get3A_371 = arith.constant 80 : index
      %get3A_372 = tpu.vector_load %arg9[%get3A_370, %get3A_371] {strides = array<i32>} : memref<64x128xf32, #tpu.memory_space<vmem>>, vector<1x16xf32>,
      %get3A_373 = vector.shape_cast %get3A_372 : vector<1x16xf32> to vector<16xf32>
      %get3A_374 = arith.index_cast %scan3A_336 : i32 to index
      %get3A_375 = arith.constant 16 : index
      %get3A_376 = tpu.vector_load %arg11[%get3A_374, %get3A_375] {strides = array<i32>} : memref<64x64xf32, #tpu.memory_space<vmem>>, vector<1x16xf32>,
      %get3A_377 = vector.shape_cast %get3A_376 : vector<1x16xf32> to vector<16xf32>
      %get3A_378 = arith.index_cast %scan3A_336 : i32 to index
      %get3A_379 = arith.constant 16 : index
      %get3A_380 = tpu.vector_load %arg13[%get3A_378, %get3A_379] {strides = array<i32>} : memref<64x64xf32, #tpu.memory_space<vmem>>, vector<1x16xf32>,
      %get3A_381 = vector.shape_cast %get3A_380 : vector<1x16xf32> to vector<16xf32>
      %mul3A_382 = arith.mulf %get3A_369, %get3A_377 : vector<16xf32>
      %mul3A_383 = arith.mulf %get3A_373, %get3A_381 : vector<16xf32>
      %sub3A_384 = arith.subf %mul3A_382, %mul3A_383 : vector<16xf32>
      %swap3A_385 = arith.index_cast %scan3A_336 : i32 to index
      %swap3A_386 = arith.constant 16 : index
      %swap3A_387 = tpu.vector_load %arg15[%swap3A_385, %swap3A_386] {strides = array<i32>} : memref<64x128xf32, #tpu.memory_space<vmem>>, vector<1x16xf32>,
      %swap3A_388 = vector.shape_cast %swap3A_387 : vector<1x16xf32> to vector<16xf32>
      %swap3A_389 = vector.shape_cast %sub3A_384 : vector<16xf32> to vector<1x16xf32>
      tpu.vector_store %arg15[%swap3A_385, %swap3A_386], %swap3A_389 {strides = array<i32>} : memref<64x128xf32, #tpu.memory_space<vmem>>, vector<1x16xf32>,
      %mul3A_390 = arith.mulf %get3A_369, %get3A_381 : vector<16xf32>
      %mul3A_391 = arith.mulf %get3A_373, %get3A_377 : vector<16xf32>
      %add3A_392 = arith.addf %mul3A_390, %mul3A_391 : vector<16xf32>
      %swap3A_393 = arith.index_cast %scan3A_336 : i32 to index
      %swap3A_394 = arith.constant 80 : index
      %swap3A_395 = tpu.vector_load %arg15[%swap3A_393, %swap3A_394] {strides = array<i32>} : memref<64x128xf32, #tpu.memory_space<vmem>>, vector<1x16xf32>,
      %swap3A_396 = vector.shape_cast %swap3A_395 : vector<1x16xf32> to vector<16xf32>
      %swap3A_397 = vector.shape_cast %add3A_392 : vector<16xf32> to vector<1x16xf32>
      tpu.vector_store %arg15[%swap3A_393, %swap3A_394], %swap3A_397 {strides = array<i32>} : memref<64x128xf32, #tpu.memory_space<vmem>>, vector<1x16xf32>,
      %get3A_398 = arith.index_cast %scan3A_336 : i32 to index
      %get3A_399 = arith.constant 32 : index
      %get3A_400 = tpu.vector_load %arg9[%get3A_398, %get3A_399] {strides = array<i32>} : memref<64x128xf32, #tpu.memory_space<vmem>>, vector<1x16xf32>,
      %get3A_401 = vector.shape_cast %get3A_400 : vector<1x16xf32> to vector<16xf32>
      %get3A_402 = arith.index_cast %scan3A_336 : i32 to index
      %get3A_403 = arith.constant 96 : index
      %get3A_404 = tpu.vector_load %arg9[%get3A_402, %get3A_403] {strides = array<i32>} : memref<64x128xf32, #tpu.memory_space<vmem>>, vector<1x16xf32>,
      %get3A_405 = vector.shape_cast %get3A_404 : vector<1x16xf32> to vector<16xf32>
      %get3A_406 = arith.index_cast %scan3A_336 : i32 to index
      %get3A_407 = arith.constant 32 : index
      %get3A_408 = tpu.vector_load %arg11[%get3A_406, %get3A_407] {strides = array<i32>} : memref<64x64xf32, #tpu.memory_space<vmem>>, vector<1x16xf32>,
      %get3A_409 = vector.shape_cast %get3A_408 : vector<1x16xf32> to vector<16xf32>
      %get3A_410 = arith.index_cast %scan3A_336 : i32 to index
      %get3A_411 = arith.constant 32 : index
      %get3A_412 = tpu.vector_load %arg13[%get3A_410, %get3A_411] {strides = array<i32>} : memref<64x64xf32, #tpu.memory_space<vmem>>, vector<1x16xf32>,
      %get3A_413 = vector.shape_cast %get3A_412 : vector<1x16xf32> to vector<16xf32>
      %mul3A_414 = arith.mulf %get3A_401, %get3A_409 : vector<16xf32>
      %mul3A_415 = arith.mulf %get3A_405, %get3A_413 : vector<16xf32>
      %sub3A_416 = arith.subf %mul3A_414, %mul3A_415 : vector<16xf32>
      %swap3A_417 = arith.index_cast %scan3A_336 : i32 to index
      %swap3A_418 = arith.constant 32 : index
      %swap3A_419 = tpu.vector_load %arg15[%swap3A_417, %swap3A_418] {strides = array<i32>} : memref<64x128xf32, #tpu.memory_space<vmem>>, vector<1x16xf32>,
      %swap3A_420 = vector.shape_cast %swap3A_419 : vector<1x16xf32> to vector<16xf32>
      %swap3A_421 = vector.shape_cast %sub3A_416 : vector<16xf32> to vector<1x16xf32>
      tpu.vector_store %arg15[%swap3A_417, %swap3A_418], %swap3A_421 {strides = array<i32>} : memref<64x128xf32, #tpu.memory_space<vmem>>, vector<1x16xf32>,
      %mul3A_422 = arith.mulf %get3A_401, %get3A_413 : vector<16xf32>
      %mul3A_423 = arith.mulf %get3A_405, %get3A_409 : vector<16xf32>
      %add3A_424 = arith.addf %mul3A_422, %mul3A_423 : vector<16xf32>
      %swap3A_425 = arith.index_cast %scan3A_336 : i32 to index
      %swap3A_426 = arith.constant 96 : index
      %swap3A_427 = tpu.vector_load %arg15[%swap3A_425, %swap3A_426] {strides = array<i32>} : memref<64x128xf32, #tpu.memory_space<vmem>>, vector<1x16xf32>,
      %swap3A_428 = vector.shape_cast %swap3A_427 : vector<1x16xf32> to vector<16xf32>
      %swap3A_429 = vector.shape_cast %add3A_424 : vector<16xf32> to vector<1x16xf32>
      tpu.vector_store %arg15[%swap3A_425, %swap3A_426], %swap3A_429 {strides = array<i32>} : memref<64x128xf32, #tpu.memory_space<vmem>>, vector<1x16xf32>,
      %get3A_430 = arith.index_cast %scan3A_336 : i32 to index
      %get3A_431 = arith.constant 48 : index
      %get3A_432 = tpu.vector_load %arg9[%get3A_430, %get3A_431] {strides = array<i32>} : memref<64x128xf32, #tpu.memory_space<vmem>>, vector<1x16xf32>,
      %get3A_433 = vector.shape_cast %get3A_432 : vector<1x16xf32> to vector<16xf32>
      %get3A_434 = arith.index_cast %scan3A_336 : i32 to index
      %get3A_435 = arith.constant 112 : index
      %get3A_436 = tpu.vector_load %arg9[%get3A_434, %get3A_435] {strides = array<i32>} : memref<64x128xf32, #tpu.memory_space<vmem>>, vector<1x16xf32>,
      %get3A_437 = vector.shape_cast %get3A_436 : vector<1x16xf32> to vector<16xf32>
      %get3A_438 = arith.index_cast %scan3A_336 : i32 to index
      %get3A_439 = arith.constant 48 : index
      %get3A_440 = tpu.vector_load %arg11[%get3A_438, %get3A_439] {strides = array<i32>} : memref<64x64xf32, #tpu.memory_space<vmem>>, vector<1x16xf32>,
      %get3A_441 = vector.shape_cast %get3A_440 : vector<1x16xf32> to vector<16xf32>
      %get3A_442 = arith.index_cast %scan3A_336 : i32 to index
      %get3A_443 = arith.constant 48 : index
      %get3A_444 = tpu.vector_load %arg13[%get3A_442, %get3A_443] {strides = array<i32>} : memref<64x64xf32, #tpu.memory_space<vmem>>, vector<1x16xf32>,
      %get3A_445 = vector.shape_cast %get3A_444 : vector<1x16xf32> to vector<16xf32>
      %mul3A_446 = arith.mulf %get3A_433, %get3A_441 : vector<16xf32>
      %mul3A_447 = arith.mulf %get3A_437, %get3A_445 : vector<16xf32>
      %sub3A_448 = arith.subf %mul3A_446, %mul3A_447 : vector<16xf32>
      %swap3A_449 = arith.index_cast %scan3A_336 : i32 to index
      %swap3A_450 = arith.constant 48 : index
      %swap3A_451 = tpu.vector_load %arg15[%swap3A_449, %swap3A_450] {strides = array<i32>} : memref<64x128xf32, #tpu.memory_space<vmem>>, vector<1x16xf32>,
      %swap3A_452 = vector.shape_cast %swap3A_451 : vector<1x16xf32> to vector<16xf32>
      %swap3A_453 = vector.shape_cast %sub3A_448 : vector<16xf32> to vector<1x16xf32>
      tpu.vector_store %arg15[%swap3A_449, %swap3A_450], %swap3A_453 {strides = array<i32>} : memref<64x128xf32, #tpu.memory_space<vmem>>, vector<1x16xf32>,
      %mul3A_454 = arith.mulf %get3A_433, %get3A_445 : vector<16xf32>
      %mul3A_455 = arith.mulf %get3A_437, %get3A_441 : vector<16xf32>
      %add3A_456 = arith.addf %mul3A_454, %mul3A_455 : vector<16xf32>
      %swap3A_457 = arith.index_cast %scan3A_336 : i32 to index
      %swap3A_458 = arith.constant 112 : index
      %swap3A_459 = tpu.vector_load %arg15[%swap3A_457, %swap3A_458] {strides = array<i32>} : memref<64x128xf32, #tpu.memory_space<vmem>>, vector<1x16xf32>,
      %swap3A_460 = vector.shape_cast %swap3A_459 : vector<1x16xf32> to vector<16xf32>
      %swap3A_461 = vector.shape_cast %add3A_456 : vector<16xf32> to vector<1x16xf32>
      tpu.vector_store %arg15[%swap3A_457, %swap3A_458], %swap3A_461 {strides = array<i32>} : memref<64x128xf32, #tpu.memory_space<vmem>>, vector<1x16xf32>,
    }
    %scan3A_249 = arith.constant 64 : i32
    %mul3A_250 = arith.constant 512 : i32
    %mul3A_251 = arith.muli %add3A, %mul3A_250 : i32
    %add3A_252 = arith.constant 320 : i32
    %add3A_253 = arith.addi %mul3A_251, %add3A_252 : i32
    %dma_start3A_254 = arith.constant 0 : i32
    %dma_start3A_255 = tpu.memref_slice %arg6[%add3A_253, %dma_start3A_254] : memref<16384x128xf32, #tpu.memory_space<hbm>> -> memref<64x128xf32, #tpu.memory_space<hbm>>
    %dma_start3A_256 = arith.constant 0 : i32
    %dma_start3A_257 = tpu.memref_slice %arg6[%add3A_253, %dma_start3A_256] : memref<16384x128xf32, #tpu.memory_space<hbm>> -> memref<64x128xf32, #tpu.memory_space<hbm>>
    tpu.enqueue_dma source(%arg15 : memref<64x128xf32, #tpu.memory_space<vmem>>) target(%dma_start3A_257 : memref<64x128xf32, #tpu.memory_space<hbm>>) target_semaphore(%arg23 : memref<!tpu.dma_semaphore, #tpu.memory_space<semaphore_mem>>)
    %mul3A_258 = arith.constant 512 : i32
    %mul3A_259 = arith.muli %add3A, %mul3A_258 : i32
    %add3A_260 = arith.constant 448 : i32
    %add3A_261 = arith.addi %mul3A_259, %add3A_260 : i32
    %dma_start3A_262 = arith.constant 0 : i32
    %dma_start3A_263 = tpu.memref_slice %arg2[%add3A_261, %dma_start3A_262] : memref<16384x128xf32, #tpu.memory_space<hbm>> -> memref<64x128xf32, #tpu.memory_space<hbm>>
    %dma_start3A_264 = arith.constant 0 : i32
    %dma_start3A_265 = tpu.memref_slice %arg2[%add3A_261, %dma_start3A_264] : memref<16384x128xf32, #tpu.memory_space<hbm>> -> memref<64x128xf32, #tpu.memory_space<hbm>>
    tpu.enqueue_dma source(%dma_start3A_265 : memref<64x128xf32, #tpu.memory_space<hbm>>) target(%arg9 : memref<64x128xf32, #tpu.memory_space<vmem>>) target_semaphore(%arg17 : memref<!tpu.dma_semaphore, #tpu.memory_space<semaphore_mem>>)
    %scan3A_266 = arith.constant 0 : i32
    %scan3A_267 = arith.constant 0 : i32
    %scan3A_268 = arith.constant 64 : i32
    %scan3A_269 = arith.addi %scan3A_267, %scan3A_268 : i32
    %scan3A_270 = arith.constant 1 : i32
    scf.for %scan3A_336 = %scan3A_267 to %scan3A_269 step %scan3A_270  : i32 {
      %add3A_337 = arith.constant 448 : i32
      %add3A_338 = arith.addi %add3A_337, %scan3A_336 : i32
      %get3A = arith.index_cast %add3A_338 : i32 to index
      %get3A_339 = tpu.vector_load %arg7[%get3A] {strides = array<i32>} : memref<528xi32, #tpu.memory_space<vmem>>, vector<16xi32>,
      %get3A_340 = vector.shape_cast %get3A_339 : vector<16xi32> to vector<16xi32>
      %slice3A = vector.extract_strided_slice %get3A_340 {offsets = [0], sizes = [1], strides = [1]} : vector<16xi32> to vector<1xi32>
      %squeeze3A = vector.extract %slice3A[0] : i32 from vector<1xi32>
      %dma_start3A_341 = arith.constant 0 : i32
      %dma_start3A_342 = tpu.memref_slice %arg11[%scan3A_336, %dma_start3A_341] : memref<64x64xf32, #tpu.memory_space<vmem>> -> memref<1x64xf32, #tpu.memory_space<vmem>>
      %dma_start3A_343 = arith.constant 0 : i32
      %dma_start3A_344 = tpu.memref_slice %arg4[%squeeze3A, %dma_start3A_343] : memref<1000000x64xf32, #tpu.memory_space<hbm>> -> memref<1x64xf32, #tpu.memory_space<hbm>>
      %dma_start3A_345 = arith.constant 0 : i32
      %dma_start3A_346 = tpu.memref_slice %arg11[%scan3A_336, %dma_start3A_345] : memref<64x64xf32, #tpu.memory_space<vmem>> -> memref<1x64xf32, #tpu.memory_space<vmem>>
      %dma_start3A_347 = arith.constant 0 : i32
      %dma_start3A_348 = tpu.memref_slice %arg4[%squeeze3A, %dma_start3A_347] : memref<1000000x64xf32, #tpu.memory_space<hbm>> -> memref<1x64xf32, #tpu.memory_space<hbm>>
      tpu.enqueue_dma source(%dma_start3A_348 : memref<1x64xf32, #tpu.memory_space<hbm>>) target(%dma_start3A_346 : memref<1x64xf32, #tpu.memory_space<vmem>>) target_semaphore(%arg19 : memref<!tpu.dma_semaphore, #tpu.memory_space<semaphore_mem>>)
      %dma_start3A_349 = arith.constant 0 : i32
      %dma_start3A_350 = tpu.memref_slice %arg13[%scan3A_336, %dma_start3A_349] : memref<64x64xf32, #tpu.memory_space<vmem>> -> memref<1x64xf32, #tpu.memory_space<vmem>>
      %dma_start3A_351 = arith.constant 0 : i32
      %dma_start3A_352 = tpu.memref_slice %arg5[%squeeze3A, %dma_start3A_351] : memref<1000000x64xf32, #tpu.memory_space<hbm>> -> memref<1x64xf32, #tpu.memory_space<hbm>>
      %dma_start3A_353 = arith.constant 0 : i32
      %dma_start3A_354 = tpu.memref_slice %arg13[%scan3A_336, %dma_start3A_353] : memref<64x64xf32, #tpu.memory_space<vmem>> -> memref<1x64xf32, #tpu.memory_space<vmem>>
      %dma_start3A_355 = arith.constant 0 : i32
      %dma_start3A_356 = tpu.memref_slice %arg5[%squeeze3A, %dma_start3A_355] : memref<1000000x64xf32, #tpu.memory_space<hbm>> -> memref<1x64xf32, #tpu.memory_space<hbm>>
      tpu.enqueue_dma source(%dma_start3A_356 : memref<1x64xf32, #tpu.memory_space<hbm>>) target(%dma_start3A_354 : memref<1x64xf32, #tpu.memory_space<vmem>>) target_semaphore(%arg21 : memref<!tpu.dma_semaphore, #tpu.memory_space<semaphore_mem>>)
    }
    %scan3A_271 = arith.constant 64 : i32
    %dma_wait3A_272 = arith.constant 0 : i32
    %dma_wait3A_273 = tpu.memref_slice %arg2[%add3A_219, %dma_wait3A_272] : memref<16384x128xf32, #tpu.memory_space<hbm>> -> memref<64x128xf32, #tpu.memory_space<hbm>>
    %dma_wait3A_274 = arith.constant 0 : i32
    %dma_wait3A_275 = tpu.memref_slice %arg2[%add3A_219, %dma_wait3A_274] : memref<16384x128xf32, #tpu.memory_space<hbm>> -> memref<64x128xf32, #tpu.memory_space<hbm>>
    tpu.wait_dma2 semaphore(%arg16 : memref<!tpu.dma_semaphore, #tpu.memory_space<semaphore_mem>>) src(%dma_wait3A_275 : memref<64x128xf32, #tpu.memory_space<hbm>>) dst(%arg8 : memref<64x128xf32, #tpu.memory_space<vmem>>)
    %scan3A_276 = arith.constant 0 : i32
    %scan3A_277 = arith.constant 0 : i32
    %scan3A_278 = arith.constant 64 : i32
    %scan3A_279 = arith.addi %scan3A_277, %scan3A_278 : i32
    %scan3A_280 = arith.constant 1 : i32
    scf.for %scan3A_336 = %scan3A_277 to %scan3A_279 step %scan3A_280  : i32 {
      %dma_wait3A_337 = arith.constant 0 : i32
      %dma_wait3A_338 = tpu.memref_slice %arg10[%scan3A_336, %dma_wait3A_337] : memref<64x64xf32, #tpu.memory_space<vmem>> -> memref<1x64xf32, #tpu.memory_space<vmem>>
      %dma_wait3A_339 = arith.constant 0 : i32
      %dma_wait3A_340 = arith.constant 0 : i32
      %dma_wait3A_341 = tpu.memref_slice %arg4[%dma_wait3A_339, %dma_wait3A_340] : memref<1000000x64xf32, #tpu.memory_space<hbm>> -> memref<1x64xf32, #tpu.memory_space<hbm>>
      %dma_wait3A_342 = arith.constant 0 : i32
      %dma_wait3A_343 = tpu.memref_slice %arg10[%scan3A_336, %dma_wait3A_342] : memref<64x64xf32, #tpu.memory_space<vmem>> -> memref<1x64xf32, #tpu.memory_space<vmem>>
      %dma_wait3A_344 = arith.constant 0 : i32
      %dma_wait3A_345 = arith.constant 0 : i32
      %dma_wait3A_346 = tpu.memref_slice %arg4[%dma_wait3A_344, %dma_wait3A_345] : memref<1000000x64xf32, #tpu.memory_space<hbm>> -> memref<1x64xf32, #tpu.memory_space<hbm>>
      tpu.wait_dma2 semaphore(%arg18 : memref<!tpu.dma_semaphore, #tpu.memory_space<semaphore_mem>>) src(%dma_wait3A_346 : memref<1x64xf32, #tpu.memory_space<hbm>>) dst(%dma_wait3A_343 : memref<1x64xf32, #tpu.memory_space<vmem>>)
      %dma_wait3A_347 = arith.constant 0 : i32
      %dma_wait3A_348 = tpu.memref_slice %arg12[%scan3A_336, %dma_wait3A_347] : memref<64x64xf32, #tpu.memory_space<vmem>> -> memref<1x64xf32, #tpu.memory_space<vmem>>
      %dma_wait3A_349 = arith.constant 0 : i32
      %dma_wait3A_350 = arith.constant 0 : i32
      %dma_wait3A_351 = tpu.memref_slice %arg5[%dma_wait3A_349, %dma_wait3A_350] : memref<1000000x64xf32, #tpu.memory_space<hbm>> -> memref<1x64xf32, #tpu.memory_space<hbm>>
      %dma_wait3A_352 = arith.constant 0 : i32
      %dma_wait3A_353 = tpu.memref_slice %arg12[%scan3A_336, %dma_wait3A_352] : memref<64x64xf32, #tpu.memory_space<vmem>> -> memref<1x64xf32, #tpu.memory_space<vmem>>
      %dma_wait3A_354 = arith.constant 0 : i32
      %dma_wait3A_355 = arith.constant 0 : i32
      %dma_wait3A_356 = tpu.memref_slice %arg5[%dma_wait3A_354, %dma_wait3A_355] : memref<1000000x64xf32, #tpu.memory_space<hbm>> -> memref<1x64xf32, #tpu.memory_space<hbm>>
      tpu.wait_dma2 semaphore(%arg20 : memref<!tpu.dma_semaphore, #tpu.memory_space<semaphore_mem>>) src(%dma_wait3A_356 : memref<1x64xf32, #tpu.memory_space<hbm>>) dst(%dma_wait3A_353 : memref<1x64xf32, #tpu.memory_space<vmem>>)
    }
    %scan3A_281 = arith.constant 64 : i32
    %dma_wait3A_282 = arith.constant 0 : i32
    %dma_wait3A_283 = tpu.memref_slice %arg6[%add3A_211, %dma_wait3A_282] : memref<16384x128xf32, #tpu.memory_space<hbm>> -> memref<64x128xf32, #tpu.memory_space<hbm>>
    %dma_wait3A_284 = arith.constant 0 : i32
    %dma_wait3A_285 = tpu.memref_slice %arg6[%add3A_211, %dma_wait3A_284] : memref<16384x128xf32, #tpu.memory_space<hbm>> -> memref<64x128xf32, #tpu.memory_space<hbm>>
    tpu.wait_dma2 semaphore(%arg22 : memref<!tpu.dma_semaphore, #tpu.memory_space<semaphore_mem>>) src(%arg14 : memref<64x128xf32, #tpu.memory_space<vmem>>) dst(%dma_wait3A_285 : memref<64x128xf32, #tpu.memory_space<hbm>>)
    %scan3A_286 = arith.constant 0 : i32
    %scan3A_287 = arith.constant 0 : i32
    %scan3A_288 = arith.constant 64 : i32
    %scan3A_289 = arith.addi %scan3A_287, %scan3A_288 : i32
    %scan3A_290 = arith.constant 1 : i32
    scf.for %scan3A_336 = %scan3A_287 to %scan3A_289 step %scan3A_290  : i32 {
      %get3A = arith.index_cast %scan3A_336 : i32 to index
      %get3A_337 = arith.constant 0 : index
      %get3A_338 = tpu.vector_load %arg8[%get3A, %get3A_337] {strides = array<i32>} : memref<64x128xf32, #tpu.memory_space<vmem>>, vector<1x16xf32>,
      %get3A_339 = vector.shape_cast %get3A_338 : vector<1x16xf32> to vector<16xf32>
      %get3A_340 = arith.index_cast %scan3A_336 : i32 to index
      %get3A_341 = arith.constant 64 : index
      %get3A_342 = tpu.vector_load %arg8[%get3A_340, %get3A_341] {strides = array<i32>} : memref<64x128xf32, #tpu.memory_space<vmem>>, vector<1x16xf32>,
      %get3A_343 = vector.shape_cast %get3A_342 : vector<1x16xf32> to vector<16xf32>
      %get3A_344 = arith.index_cast %scan3A_336 : i32 to index
      %get3A_345 = arith.constant 0 : index
      %get3A_346 = tpu.vector_load %arg10[%get3A_344, %get3A_345] {strides = array<i32>} : memref<64x64xf32, #tpu.memory_space<vmem>>, vector<1x16xf32>,
      %get3A_347 = vector.shape_cast %get3A_346 : vector<1x16xf32> to vector<16xf32>
      %get3A_348 = arith.index_cast %scan3A_336 : i32 to index
      %get3A_349 = arith.constant 0 : index
      %get3A_350 = tpu.vector_load %arg12[%get3A_348, %get3A_349] {strides = array<i32>} : memref<64x64xf32, #tpu.memory_space<vmem>>, vector<1x16xf32>,
      %get3A_351 = vector.shape_cast %get3A_350 : vector<1x16xf32> to vector<16xf32>
      %mul3A_352 = arith.mulf %get3A_339, %get3A_347 : vector<16xf32>
      %mul3A_353 = arith.mulf %get3A_343, %get3A_351 : vector<16xf32>
      %sub3A = arith.subf %mul3A_352, %mul3A_353 : vector<16xf32>
      %swap3A = arith.index_cast %scan3A_336 : i32 to index
      %swap3A_354 = arith.constant 0 : index
      %swap3A_355 = tpu.vector_load %arg14[%swap3A, %swap3A_354] {strides = array<i32>} : memref<64x128xf32, #tpu.memory_space<vmem>>, vector<1x16xf32>,
      %swap3A_356 = vector.shape_cast %swap3A_355 : vector<1x16xf32> to vector<16xf32>
      %swap3A_357 = vector.shape_cast %sub3A : vector<16xf32> to vector<1x16xf32>
      tpu.vector_store %arg14[%swap3A, %swap3A_354], %swap3A_357 {strides = array<i32>} : memref<64x128xf32, #tpu.memory_space<vmem>>, vector<1x16xf32>,
      %mul3A_358 = arith.mulf %get3A_339, %get3A_351 : vector<16xf32>
      %mul3A_359 = arith.mulf %get3A_343, %get3A_347 : vector<16xf32>
      %add3A_360 = arith.addf %mul3A_358, %mul3A_359 : vector<16xf32>
      %swap3A_361 = arith.index_cast %scan3A_336 : i32 to index
      %swap3A_362 = arith.constant 64 : index
      %swap3A_363 = tpu.vector_load %arg14[%swap3A_361, %swap3A_362] {strides = array<i32>} : memref<64x128xf32, #tpu.memory_space<vmem>>, vector<1x16xf32>,
      %swap3A_364 = vector.shape_cast %swap3A_363 : vector<1x16xf32> to vector<16xf32>
      %swap3A_365 = vector.shape_cast %add3A_360 : vector<16xf32> to vector<1x16xf32>
      tpu.vector_store %arg14[%swap3A_361, %swap3A_362], %swap3A_365 {strides = array<i32>} : memref<64x128xf32, #tpu.memory_space<vmem>>, vector<1x16xf32>,
      %get3A_366 = arith.index_cast %scan3A_336 : i32 to index
      %get3A_367 = arith.constant 16 : index
      %get3A_368 = tpu.vector_load %arg8[%get3A_366, %get3A_367] {strides = array<i32>} : memref<64x128xf32, #tpu.memory_space<vmem>>, vector<1x16xf32>,
      %get3A_369 = vector.shape_cast %get3A_368 : vector<1x16xf32> to vector<16xf32>
      %get3A_370 = arith.index_cast %scan3A_336 : i32 to index
      %get3A_371 = arith.constant 80 : index
      %get3A_372 = tpu.vector_load %arg8[%get3A_370, %get3A_371] {strides = array<i32>} : memref<64x128xf32, #tpu.memory_space<vmem>>, vector<1x16xf32>,
      %get3A_373 = vector.shape_cast %get3A_372 : vector<1x16xf32> to vector<16xf32>
      %get3A_374 = arith.index_cast %scan3A_336 : i32 to index
      %get3A_375 = arith.constant 16 : index
      %get3A_376 = tpu.vector_load %arg10[%get3A_374, %get3A_375] {strides = array<i32>} : memref<64x64xf32, #tpu.memory_space<vmem>>, vector<1x16xf32>,
      %get3A_377 = vector.shape_cast %get3A_376 : vector<1x16xf32> to vector<16xf32>
      %get3A_378 = arith.index_cast %scan3A_336 : i32 to index
      %get3A_379 = arith.constant 16 : index
      %get3A_380 = tpu.vector_load %arg12[%get3A_378, %get3A_379] {strides = array<i32>} : memref<64x64xf32, #tpu.memory_space<vmem>>, vector<1x16xf32>,
      %get3A_381 = vector.shape_cast %get3A_380 : vector<1x16xf32> to vector<16xf32>
      %mul3A_382 = arith.mulf %get3A_369, %get3A_377 : vector<16xf32>
      %mul3A_383 = arith.mulf %get3A_373, %get3A_381 : vector<16xf32>
      %sub3A_384 = arith.subf %mul3A_382, %mul3A_383 : vector<16xf32>
      %swap3A_385 = arith.index_cast %scan3A_336 : i32 to index
      %swap3A_386 = arith.constant 16 : index
      %swap3A_387 = tpu.vector_load %arg14[%swap3A_385, %swap3A_386] {strides = array<i32>} : memref<64x128xf32, #tpu.memory_space<vmem>>, vector<1x16xf32>,
      %swap3A_388 = vector.shape_cast %swap3A_387 : vector<1x16xf32> to vector<16xf32>
      %swap3A_389 = vector.shape_cast %sub3A_384 : vector<16xf32> to vector<1x16xf32>
      tpu.vector_store %arg14[%swap3A_385, %swap3A_386], %swap3A_389 {strides = array<i32>} : memref<64x128xf32, #tpu.memory_space<vmem>>, vector<1x16xf32>,
      %mul3A_390 = arith.mulf %get3A_369, %get3A_381 : vector<16xf32>
      %mul3A_391 = arith.mulf %get3A_373, %get3A_377 : vector<16xf32>
      %add3A_392 = arith.addf %mul3A_390, %mul3A_391 : vector<16xf32>
      %swap3A_393 = arith.index_cast %scan3A_336 : i32 to index
      %swap3A_394 = arith.constant 80 : index
      %swap3A_395 = tpu.vector_load %arg14[%swap3A_393, %swap3A_394] {strides = array<i32>} : memref<64x128xf32, #tpu.memory_space<vmem>>, vector<1x16xf32>,
      %swap3A_396 = vector.shape_cast %swap3A_395 : vector<1x16xf32> to vector<16xf32>
      %swap3A_397 = vector.shape_cast %add3A_392 : vector<16xf32> to vector<1x16xf32>
      tpu.vector_store %arg14[%swap3A_393, %swap3A_394], %swap3A_397 {strides = array<i32>} : memref<64x128xf32, #tpu.memory_space<vmem>>, vector<1x16xf32>,
      %get3A_398 = arith.index_cast %scan3A_336 : i32 to index
      %get3A_399 = arith.constant 32 : index
      %get3A_400 = tpu.vector_load %arg8[%get3A_398, %get3A_399] {strides = array<i32>} : memref<64x128xf32, #tpu.memory_space<vmem>>, vector<1x16xf32>,
      %get3A_401 = vector.shape_cast %get3A_400 : vector<1x16xf32> to vector<16xf32>
      %get3A_402 = arith.index_cast %scan3A_336 : i32 to index
      %get3A_403 = arith.constant 96 : index
      %get3A_404 = tpu.vector_load %arg8[%get3A_402, %get3A_403] {strides = array<i32>} : memref<64x128xf32, #tpu.memory_space<vmem>>, vector<1x16xf32>,
      %get3A_405 = vector.shape_cast %get3A_404 : vector<1x16xf32> to vector<16xf32>
      %get3A_406 = arith.index_cast %scan3A_336 : i32 to index
      %get3A_407 = arith.constant 32 : index
      %get3A_408 = tpu.vector_load %arg10[%get3A_406, %get3A_407] {strides = array<i32>} : memref<64x64xf32, #tpu.memory_space<vmem>>, vector<1x16xf32>,
      %get3A_409 = vector.shape_cast %get3A_408 : vector<1x16xf32> to vector<16xf32>
      %get3A_410 = arith.index_cast %scan3A_336 : i32 to index
      %get3A_411 = arith.constant 32 : index
      %get3A_412 = tpu.vector_load %arg12[%get3A_410, %get3A_411] {strides = array<i32>} : memref<64x64xf32, #tpu.memory_space<vmem>>, vector<1x16xf32>,
      %get3A_413 = vector.shape_cast %get3A_412 : vector<1x16xf32> to vector<16xf32>
      %mul3A_414 = arith.mulf %get3A_401, %get3A_409 : vector<16xf32>
      %mul3A_415 = arith.mulf %get3A_405, %get3A_413 : vector<16xf32>
      %sub3A_416 = arith.subf %mul3A_414, %mul3A_415 : vector<16xf32>
      %swap3A_417 = arith.index_cast %scan3A_336 : i32 to index
      %swap3A_418 = arith.constant 32 : index
      %swap3A_419 = tpu.vector_load %arg14[%swap3A_417, %swap3A_418] {strides = array<i32>} : memref<64x128xf32, #tpu.memory_space<vmem>>, vector<1x16xf32>,
      %swap3A_420 = vector.shape_cast %swap3A_419 : vector<1x16xf32> to vector<16xf32>
      %swap3A_421 = vector.shape_cast %sub3A_416 : vector<16xf32> to vector<1x16xf32>
      tpu.vector_store %arg14[%swap3A_417, %swap3A_418], %swap3A_421 {strides = array<i32>} : memref<64x128xf32, #tpu.memory_space<vmem>>, vector<1x16xf32>,
      %mul3A_422 = arith.mulf %get3A_401, %get3A_413 : vector<16xf32>
      %mul3A_423 = arith.mulf %get3A_405, %get3A_409 : vector<16xf32>
      %add3A_424 = arith.addf %mul3A_422, %mul3A_423 : vector<16xf32>
      %swap3A_425 = arith.index_cast %scan3A_336 : i32 to index
      %swap3A_426 = arith.constant 96 : index
      %swap3A_427 = tpu.vector_load %arg14[%swap3A_425, %swap3A_426] {strides = array<i32>} : memref<64x128xf32, #tpu.memory_space<vmem>>, vector<1x16xf32>,
      %swap3A_428 = vector.shape_cast %swap3A_427 : vector<1x16xf32> to vector<16xf32>
      %swap3A_429 = vector.shape_cast %add3A_424 : vector<16xf32> to vector<1x16xf32>
      tpu.vector_store %arg14[%swap3A_425, %swap3A_426], %swap3A_429 {strides = array<i32>} : memref<64x128xf32, #tpu.memory_space<vmem>>, vector<1x16xf32>,
      %get3A_430 = arith.index_cast %scan3A_336 : i32 to index
      %get3A_431 = arith.constant 48 : index
      %get3A_432 = tpu.vector_load %arg8[%get3A_430, %get3A_431] {strides = array<i32>} : memref<64x128xf32, #tpu.memory_space<vmem>>, vector<1x16xf32>,
      %get3A_433 = vector.shape_cast %get3A_432 : vector<1x16xf32> to vector<16xf32>
      %get3A_434 = arith.index_cast %scan3A_336 : i32 to index
      %get3A_435 = arith.constant 112 : index
      %get3A_436 = tpu.vector_load %arg8[%get3A_434, %get3A_435] {strides = array<i32>} : memref<64x128xf32, #tpu.memory_space<vmem>>, vector<1x16xf32>,
      %get3A_437 = vector.shape_cast %get3A_436 : vector<1x16xf32> to vector<16xf32>
      %get3A_438 = arith.index_cast %scan3A_336 : i32 to index
      %get3A_439 = arith.constant 48 : index
      %get3A_440 = tpu.vector_load %arg10[%get3A_438, %get3A_439] {strides = array<i32>} : memref<64x64xf32, #tpu.memory_space<vmem>>, vector<1x16xf32>,
      %get3A_441 = vector.shape_cast %get3A_440 : vector<1x16xf32> to vector<16xf32>
      %get3A_442 = arith.index_cast %scan3A_336 : i32 to index
      %get3A_443 = arith.constant 48 : index
      %get3A_444 = tpu.vector_load %arg12[%get3A_442, %get3A_443] {strides = array<i32>} : memref<64x64xf32, #tpu.memory_space<vmem>>, vector<1x16xf32>,
      %get3A_445 = vector.shape_cast %get3A_444 : vector<1x16xf32> to vector<16xf32>
      %mul3A_446 = arith.mulf %get3A_433, %get3A_441 : vector<16xf32>
      %mul3A_447 = arith.mulf %get3A_437, %get3A_445 : vector<16xf32>
      %sub3A_448 = arith.subf %mul3A_446, %mul3A_447 : vector<16xf32>
      %swap3A_449 = arith.index_cast %scan3A_336 : i32 to index
      %swap3A_450 = arith.constant 48 : index
      %swap3A_451 = tpu.vector_load %arg14[%swap3A_449, %swap3A_450] {strides = array<i32>} : memref<64x128xf32, #tpu.memory_space<vmem>>, vector<1x16xf32>,
      %swap3A_452 = vector.shape_cast %swap3A_451 : vector<1x16xf32> to vector<16xf32>
      %swap3A_453 = vector.shape_cast %sub3A_448 : vector<16xf32> to vector<1x16xf32>
      tpu.vector_store %arg14[%swap3A_449, %swap3A_450], %swap3A_453 {strides = array<i32>} : memref<64x128xf32, #tpu.memory_space<vmem>>, vector<1x16xf32>,
      %mul3A_454 = arith.mulf %get3A_433, %get3A_445 : vector<16xf32>
      %mul3A_455 = arith.mulf %get3A_437, %get3A_441 : vector<16xf32>
      %add3A_456 = arith.addf %mul3A_454, %mul3A_455 : vector<16xf32>
      %swap3A_457 = arith.index_cast %scan3A_336 : i32 to index
      %swap3A_458 = arith.constant 112 : index
      %swap3A_459 = tpu.vector_load %arg14[%swap3A_457, %swap3A_458] {strides = array<i32>} : memref<64x128xf32, #tpu.memory_space<vmem>>, vector<1x16xf32>,
      %swap3A_460 = vector.shape_cast %swap3A_459 : vector<1x16xf32> to vector<16xf32>
      %swap3A_461 = vector.shape_cast %add3A_456 : vector<16xf32> to vector<1x16xf32>
      tpu.vector_store %arg14[%swap3A_457, %swap3A_458], %swap3A_461 {strides = array<i32>} : memref<64x128xf32, #tpu.memory_space<vmem>>, vector<1x16xf32>,
    }
    %scan3A_291 = arith.constant 64 : i32
    %mul3A_292 = arith.constant 512 : i32
    %mul3A_293 = arith.muli %add3A, %mul3A_292 : i32
    %add3A_294 = arith.constant 384 : i32
    %add3A_295 = arith.addi %mul3A_293, %add3A_294 : i32
    %dma_start3A_296 = arith.constant 0 : i32
    %dma_start3A_297 = tpu.memref_slice %arg6[%add3A_295, %dma_start3A_296] : memref<16384x128xf32, #tpu.memory_space<hbm>> -> memref<64x128xf32, #tpu.memory_space<hbm>>
    %dma_start3A_298 = arith.constant 0 : i32
    %dma_start3A_299 = tpu.memref_slice %arg6[%add3A_295, %dma_start3A_298] : memref<16384x128xf32, #tpu.memory_space<hbm>> -> memref<64x128xf32, #tpu.memory_space<hbm>>
    tpu.enqueue_dma source(%arg14 : memref<64x128xf32, #tpu.memory_space<vmem>>) target(%dma_start3A_299 : memref<64x128xf32, #tpu.memory_space<hbm>>) target_semaphore(%arg22 : memref<!tpu.dma_semaphore, #tpu.memory_space<semaphore_mem>>)
    %dma_wait3A_300 = arith.constant 0 : i32
    %dma_wait3A_301 = tpu.memref_slice %arg2[%add3A_261, %dma_wait3A_300] : memref<16384x128xf32, #tpu.memory_space<hbm>> -> memref<64x128xf32, #tpu.memory_space<hbm>>
    %dma_wait3A_302 = arith.constant 0 : i32
    %dma_wait3A_303 = tpu.memref_slice %arg2[%add3A_261, %dma_wait3A_302] : memref<16384x128xf32, #tpu.memory_space<hbm>> -> memref<64x128xf32, #tpu.memory_space<hbm>>
    tpu.wait_dma2 semaphore(%arg17 : memref<!tpu.dma_semaphore, #tpu.memory_space<semaphore_mem>>) src(%dma_wait3A_303 : memref<64x128xf32, #tpu.memory_space<hbm>>) dst(%arg9 : memref<64x128xf32, #tpu.memory_space<vmem>>)
    %scan3A_304 = arith.constant 0 : i32
    %scan3A_305 = arith.constant 0 : i32
    %scan3A_306 = arith.constant 64 : i32
    %scan3A_307 = arith.addi %scan3A_305, %scan3A_306 : i32
    %scan3A_308 = arith.constant 1 : i32
    scf.for %scan3A_336 = %scan3A_305 to %scan3A_307 step %scan3A_308  : i32 {
      %dma_wait3A_337 = arith.constant 0 : i32
      %dma_wait3A_338 = tpu.memref_slice %arg11[%scan3A_336, %dma_wait3A_337] : memref<64x64xf32, #tpu.memory_space<vmem>> -> memref<1x64xf32, #tpu.memory_space<vmem>>
      %dma_wait3A_339 = arith.constant 0 : i32
      %dma_wait3A_340 = arith.constant 0 : i32
      %dma_wait3A_341 = tpu.memref_slice %arg4[%dma_wait3A_339, %dma_wait3A_340] : memref<1000000x64xf32, #tpu.memory_space<hbm>> -> memref<1x64xf32, #tpu.memory_space<hbm>>
      %dma_wait3A_342 = arith.constant 0 : i32
      %dma_wait3A_343 = tpu.memref_slice %arg11[%scan3A_336, %dma_wait3A_342] : memref<64x64xf32, #tpu.memory_space<vmem>> -> memref<1x64xf32, #tpu.memory_space<vmem>>
      %dma_wait3A_344 = arith.constant 0 : i32
      %dma_wait3A_345 = arith.constant 0 : i32
      %dma_wait3A_346 = tpu.memref_slice %arg4[%dma_wait3A_344, %dma_wait3A_345] : memref<1000000x64xf32, #tpu.memory_space<hbm>> -> memref<1x64xf32, #tpu.memory_space<hbm>>
      tpu.wait_dma2 semaphore(%arg19 : memref<!tpu.dma_semaphore, #tpu.memory_space<semaphore_mem>>) src(%dma_wait3A_346 : memref<1x64xf32, #tpu.memory_space<hbm>>) dst(%dma_wait3A_343 : memref<1x64xf32, #tpu.memory_space<vmem>>)
      %dma_wait3A_347 = arith.constant 0 : i32
      %dma_wait3A_348 = tpu.memref_slice %arg13[%scan3A_336, %dma_wait3A_347] : memref<64x64xf32, #tpu.memory_space<vmem>> -> memref<1x64xf32, #tpu.memory_space<vmem>>
      %dma_wait3A_349 = arith.constant 0 : i32
      %dma_wait3A_350 = arith.constant 0 : i32
      %dma_wait3A_351 = tpu.memref_slice %arg5[%dma_wait3A_349, %dma_wait3A_350] : memref<1000000x64xf32, #tpu.memory_space<hbm>> -> memref<1x64xf32, #tpu.memory_space<hbm>>
      %dma_wait3A_352 = arith.constant 0 : i32
      %dma_wait3A_353 = tpu.memref_slice %arg13[%scan3A_336, %dma_wait3A_352] : memref<64x64xf32, #tpu.memory_space<vmem>> -> memref<1x64xf32, #tpu.memory_space<vmem>>
      %dma_wait3A_354 = arith.constant 0 : i32
      %dma_wait3A_355 = arith.constant 0 : i32
      %dma_wait3A_356 = tpu.memref_slice %arg5[%dma_wait3A_354, %dma_wait3A_355] : memref<1000000x64xf32, #tpu.memory_space<hbm>> -> memref<1x64xf32, #tpu.memory_space<hbm>>
      tpu.wait_dma2 semaphore(%arg21 : memref<!tpu.dma_semaphore, #tpu.memory_space<semaphore_mem>>) src(%dma_wait3A_356 : memref<1x64xf32, #tpu.memory_space<hbm>>) dst(%dma_wait3A_353 : memref<1x64xf32, #tpu.memory_space<vmem>>)
    }
    %scan3A_309 = arith.constant 64 : i32
    %dma_wait3A_310 = arith.constant 0 : i32
    %dma_wait3A_311 = tpu.memref_slice %arg6[%add3A_253, %dma_wait3A_310] : memref<16384x128xf32, #tpu.memory_space<hbm>> -> memref<64x128xf32, #tpu.memory_space<hbm>>
    %dma_wait3A_312 = arith.constant 0 : i32
    %dma_wait3A_313 = tpu.memref_slice %arg6[%add3A_253, %dma_wait3A_312] : memref<16384x128xf32, #tpu.memory_space<hbm>> -> memref<64x128xf32, #tpu.memory_space<hbm>>
    tpu.wait_dma2 semaphore(%arg23 : memref<!tpu.dma_semaphore, #tpu.memory_space<semaphore_mem>>) src(%arg15 : memref<64x128xf32, #tpu.memory_space<vmem>>) dst(%dma_wait3A_313 : memref<64x128xf32, #tpu.memory_space<hbm>>)
    %scan3A_314 = arith.constant 0 : i32
    %scan3A_315 = arith.constant 0 : i32
    %scan3A_316 = arith.constant 64 : i32
    %scan3A_317 = arith.addi %scan3A_315, %scan3A_316 : i32
    %scan3A_318 = arith.constant 1 : i32
    scf.for %scan3A_336 = %scan3A_315 to %scan3A_317 step %scan3A_318  : i32 {
      %get3A = arith.index_cast %scan3A_336 : i32 to index
      %get3A_337 = arith.constant 0 : index
      %get3A_338 = tpu.vector_load %arg9[%get3A, %get3A_337] {strides = array<i32>} : memref<64x128xf32, #tpu.memory_space<vmem>>, vector<1x16xf32>,
      %get3A_339 = vector.shape_cast %get3A_338 : vector<1x16xf32> to vector<16xf32>
      %get3A_340 = arith.index_cast %scan3A_336 : i32 to index
      %get3A_341 = arith.constant 64 : index
      %get3A_342 = tpu.vector_load %arg9[%get3A_340, %get3A_341] {strides = array<i32>} : memref<64x128xf32, #tpu.memory_space<vmem>>, vector<1x16xf32>,
      %get3A_343 = vector.shape_cast %get3A_342 : vector<1x16xf32> to vector<16xf32>
      %get3A_344 = arith.index_cast %scan3A_336 : i32 to index
      %get3A_345 = arith.constant 0 : index
      %get3A_346 = tpu.vector_load %arg11[%get3A_344, %get3A_345] {strides = array<i32>} : memref<64x64xf32, #tpu.memory_space<vmem>>, vector<1x16xf32>,
      %get3A_347 = vector.shape_cast %get3A_346 : vector<1x16xf32> to vector<16xf32>
      %get3A_348 = arith.index_cast %scan3A_336 : i32 to index
      %get3A_349 = arith.constant 0 : index
      %get3A_350 = tpu.vector_load %arg13[%get3A_348, %get3A_349] {strides = array<i32>} : memref<64x64xf32, #tpu.memory_space<vmem>>, vector<1x16xf32>,
      %get3A_351 = vector.shape_cast %get3A_350 : vector<1x16xf32> to vector<16xf32>
      %mul3A_352 = arith.mulf %get3A_339, %get3A_347 : vector<16xf32>
      %mul3A_353 = arith.mulf %get3A_343, %get3A_351 : vector<16xf32>
      %sub3A = arith.subf %mul3A_352, %mul3A_353 : vector<16xf32>
      %swap3A = arith.index_cast %scan3A_336 : i32 to index
      %swap3A_354 = arith.constant 0 : index
      %swap3A_355 = tpu.vector_load %arg15[%swap3A, %swap3A_354] {strides = array<i32>} : memref<64x128xf32, #tpu.memory_space<vmem>>, vector<1x16xf32>,
      %swap3A_356 = vector.shape_cast %swap3A_355 : vector<1x16xf32> to vector<16xf32>
      %swap3A_357 = vector.shape_cast %sub3A : vector<16xf32> to vector<1x16xf32>
      tpu.vector_store %arg15[%swap3A, %swap3A_354], %swap3A_357 {strides = array<i32>} : memref<64x128xf32, #tpu.memory_space<vmem>>, vector<1x16xf32>,
      %mul3A_358 = arith.mulf %get3A_339, %get3A_351 : vector<16xf32>
      %mul3A_359 = arith.mulf %get3A_343, %get3A_347 : vector<16xf32>
      %add3A_360 = arith.addf %mul3A_358, %mul3A_359 : vector<16xf32>
      %swap3A_361 = arith.index_cast %scan3A_336 : i32 to index
      %swap3A_362 = arith.constant 64 : index
      %swap3A_363 = tpu.vector_load %arg15[%swap3A_361, %swap3A_362] {strides = array<i32>} : memref<64x128xf32, #tpu.memory_space<vmem>>, vector<1x16xf32>,
      %swap3A_364 = vector.shape_cast %swap3A_363 : vector<1x16xf32> to vector<16xf32>
      %swap3A_365 = vector.shape_cast %add3A_360 : vector<16xf32> to vector<1x16xf32>
      tpu.vector_store %arg15[%swap3A_361, %swap3A_362], %swap3A_365 {strides = array<i32>} : memref<64x128xf32, #tpu.memory_space<vmem>>, vector<1x16xf32>,
      %get3A_366 = arith.index_cast %scan3A_336 : i32 to index
      %get3A_367 = arith.constant 16 : index
      %get3A_368 = tpu.vector_load %arg9[%get3A_366, %get3A_367] {strides = array<i32>} : memref<64x128xf32, #tpu.memory_space<vmem>>, vector<1x16xf32>,
      %get3A_369 = vector.shape_cast %get3A_368 : vector<1x16xf32> to vector<16xf32>
      %get3A_370 = arith.index_cast %scan3A_336 : i32 to index
      %get3A_371 = arith.constant 80 : index
      %get3A_372 = tpu.vector_load %arg9[%get3A_370, %get3A_371] {strides = array<i32>} : memref<64x128xf32, #tpu.memory_space<vmem>>, vector<1x16xf32>,
      %get3A_373 = vector.shape_cast %get3A_372 : vector<1x16xf32> to vector<16xf32>
      %get3A_374 = arith.index_cast %scan3A_336 : i32 to index
      %get3A_375 = arith.constant 16 : index
      %get3A_376 = tpu.vector_load %arg11[%get3A_374, %get3A_375] {strides = array<i32>} : memref<64x64xf32, #tpu.memory_space<vmem>>, vector<1x16xf32>,
      %get3A_377 = vector.shape_cast %get3A_376 : vector<1x16xf32> to vector<16xf32>
      %get3A_378 = arith.index_cast %scan3A_336 : i32 to index
      %get3A_379 = arith.constant 16 : index
      %get3A_380 = tpu.vector_load %arg13[%get3A_378, %get3A_379] {strides = array<i32>} : memref<64x64xf32, #tpu.memory_space<vmem>>, vector<1x16xf32>,
      %get3A_381 = vector.shape_cast %get3A_380 : vector<1x16xf32> to vector<16xf32>
      %mul3A_382 = arith.mulf %get3A_369, %get3A_377 : vector<16xf32>
      %mul3A_383 = arith.mulf %get3A_373, %get3A_381 : vector<16xf32>
      %sub3A_384 = arith.subf %mul3A_382, %mul3A_383 : vector<16xf32>
      %swap3A_385 = arith.index_cast %scan3A_336 : i32 to index
      %swap3A_386 = arith.constant 16 : index
      %swap3A_387 = tpu.vector_load %arg15[%swap3A_385, %swap3A_386] {strides = array<i32>} : memref<64x128xf32, #tpu.memory_space<vmem>>, vector<1x16xf32>,
      %swap3A_388 = vector.shape_cast %swap3A_387 : vector<1x16xf32> to vector<16xf32>
      %swap3A_389 = vector.shape_cast %sub3A_384 : vector<16xf32> to vector<1x16xf32>
      tpu.vector_store %arg15[%swap3A_385, %swap3A_386], %swap3A_389 {strides = array<i32>} : memref<64x128xf32, #tpu.memory_space<vmem>>, vector<1x16xf32>,
      %mul3A_390 = arith.mulf %get3A_369, %get3A_381 : vector<16xf32>
      %mul3A_391 = arith.mulf %get3A_373, %get3A_377 : vector<16xf32>
      %add3A_392 = arith.addf %mul3A_390, %mul3A_391 : vector<16xf32>
      %swap3A_393 = arith.index_cast %scan3A_336 : i32 to index
      %swap3A_394 = arith.constant 80 : index
      %swap3A_395 = tpu.vector_load %arg15[%swap3A_393, %swap3A_394] {strides = array<i32>} : memref<64x128xf32, #tpu.memory_space<vmem>>, vector<1x16xf32>,
      %swap3A_396 = vector.shape_cast %swap3A_395 : vector<1x16xf32> to vector<16xf32>
      %swap3A_397 = vector.shape_cast %add3A_392 : vector<16xf32> to vector<1x16xf32>
      tpu.vector_store %arg15[%swap3A_393, %swap3A_394], %swap3A_397 {strides = array<i32>} : memref<64x128xf32, #tpu.memory_space<vmem>>, vector<1x16xf32>,
      %get3A_398 = arith.index_cast %scan3A_336 : i32 to index
      %get3A_399 = arith.constant 32 : index
      %get3A_400 = tpu.vector_load %arg9[%get3A_398, %get3A_399] {strides = array<i32>} : memref<64x128xf32, #tpu.memory_space<vmem>>, vector<1x16xf32>,
      %get3A_401 = vector.shape_cast %get3A_400 : vector<1x16xf32> to vector<16xf32>
      %get3A_402 = arith.index_cast %scan3A_336 : i32 to index
      %get3A_403 = arith.constant 96 : index
      %get3A_404 = tpu.vector_load %arg9[%get3A_402, %get3A_403] {strides = array<i32>} : memref<64x128xf32, #tpu.memory_space<vmem>>, vector<1x16xf32>,
      %get3A_405 = vector.shape_cast %get3A_404 : vector<1x16xf32> to vector<16xf32>
      %get3A_406 = arith.index_cast %scan3A_336 : i32 to index
      %get3A_407 = arith.constant 32 : index
      %get3A_408 = tpu.vector_load %arg11[%get3A_406, %get3A_407] {strides = array<i32>} : memref<64x64xf32, #tpu.memory_space<vmem>>, vector<1x16xf32>,
      %get3A_409 = vector.shape_cast %get3A_408 : vector<1x16xf32> to vector<16xf32>
      %get3A_410 = arith.index_cast %scan3A_336 : i32 to index
      %get3A_411 = arith.constant 32 : index
      %get3A_412 = tpu.vector_load %arg13[%get3A_410, %get3A_411] {strides = array<i32>} : memref<64x64xf32, #tpu.memory_space<vmem>>, vector<1x16xf32>,
      %get3A_413 = vector.shape_cast %get3A_412 : vector<1x16xf32> to vector<16xf32>
      %mul3A_414 = arith.mulf %get3A_401, %get3A_409 : vector<16xf32>
      %mul3A_415 = arith.mulf %get3A_405, %get3A_413 : vector<16xf32>
      %sub3A_416 = arith.subf %mul3A_414, %mul3A_415 : vector<16xf32>
      %swap3A_417 = arith.index_cast %scan3A_336 : i32 to index
      %swap3A_418 = arith.constant 32 : index
      %swap3A_419 = tpu.vector_load %arg15[%swap3A_417, %swap3A_418] {strides = array<i32>} : memref<64x128xf32, #tpu.memory_space<vmem>>, vector<1x16xf32>,
      %swap3A_420 = vector.shape_cast %swap3A_419 : vector<1x16xf32> to vector<16xf32>
      %swap3A_421 = vector.shape_cast %sub3A_416 : vector<16xf32> to vector<1x16xf32>
      tpu.vector_store %arg15[%swap3A_417, %swap3A_418], %swap3A_421 {strides = array<i32>} : memref<64x128xf32, #tpu.memory_space<vmem>>, vector<1x16xf32>,
      %mul3A_422 = arith.mulf %get3A_401, %get3A_413 : vector<16xf32>
      %mul3A_423 = arith.mulf %get3A_405, %get3A_409 : vector<16xf32>
      %add3A_424 = arith.addf %mul3A_422, %mul3A_423 : vector<16xf32>
      %swap3A_425 = arith.index_cast %scan3A_336 : i32 to index
      %swap3A_426 = arith.constant 96 : index
      %swap3A_427 = tpu.vector_load %arg15[%swap3A_425, %swap3A_426] {strides = array<i32>} : memref<64x128xf32, #tpu.memory_space<vmem>>, vector<1x16xf32>,
      %swap3A_428 = vector.shape_cast %swap3A_427 : vector<1x16xf32> to vector<16xf32>
      %swap3A_429 = vector.shape_cast %add3A_424 : vector<16xf32> to vector<1x16xf32>
      tpu.vector_store %arg15[%swap3A_425, %swap3A_426], %swap3A_429 {strides = array<i32>} : memref<64x128xf32, #tpu.memory_space<vmem>>, vector<1x16xf32>,
      %get3A_430 = arith.index_cast %scan3A_336 : i32 to index
      %get3A_431 = arith.constant 48 : index
      %get3A_432 = tpu.vector_load %arg9[%get3A_430, %get3A_431] {strides = array<i32>} : memref<64x128xf32, #tpu.memory_space<vmem>>, vector<1x16xf32>,
      %get3A_433 = vector.shape_cast %get3A_432 : vector<1x16xf32> to vector<16xf32>
      %get3A_434 = arith.index_cast %scan3A_336 : i32 to index
      %get3A_435 = arith.constant 112 : index
      %get3A_436 = tpu.vector_load %arg9[%get3A_434, %get3A_435] {strides = array<i32>} : memref<64x128xf32, #tpu.memory_space<vmem>>, vector<1x16xf32>,
      %get3A_437 = vector.shape_cast %get3A_436 : vector<1x16xf32> to vector<16xf32>
      %get3A_438 = arith.index_cast %scan3A_336 : i32 to index
      %get3A_439 = arith.constant 48 : index
      %get3A_440 = tpu.vector_load %arg11[%get3A_438, %get3A_439] {strides = array<i32>} : memref<64x64xf32, #tpu.memory_space<vmem>>, vector<1x16xf32>,
      %get3A_441 = vector.shape_cast %get3A_440 : vector<1x16xf32> to vector<16xf32>
      %get3A_442 = arith.index_cast %scan3A_336 : i32 to index
      %get3A_443 = arith.constant 48 : index
      %get3A_444 = tpu.vector_load %arg13[%get3A_442, %get3A_443] {strides = array<i32>} : memref<64x64xf32, #tpu.memory_space<vmem>>, vector<1x16xf32>,
      %get3A_445 = vector.shape_cast %get3A_444 : vector<1x16xf32> to vector<16xf32>
      %mul3A_446 = arith.mulf %get3A_433, %get3A_441 : vector<16xf32>
      %mul3A_447 = arith.mulf %get3A_437, %get3A_445 : vector<16xf32>
      %sub3A_448 = arith.subf %mul3A_446, %mul3A_447 : vector<16xf32>
      %swap3A_449 = arith.index_cast %scan3A_336 : i32 to index
      %swap3A_450 = arith.constant 48 : index
      %swap3A_451 = tpu.vector_load %arg15[%swap3A_449, %swap3A_450] {strides = array<i32>} : memref<64x128xf32, #tpu.memory_space<vmem>>, vector<1x16xf32>,
      %swap3A_452 = vector.shape_cast %swap3A_451 : vector<1x16xf32> to vector<16xf32>
      %swap3A_453 = vector.shape_cast %sub3A_448 : vector<16xf32> to vector<1x16xf32>
      tpu.vector_store %arg15[%swap3A_449, %swap3A_450], %swap3A_453 {strides = array<i32>} : memref<64x128xf32, #tpu.memory_space<vmem>>, vector<1x16xf32>,
      %mul3A_454 = arith.mulf %get3A_433, %get3A_445 : vector<16xf32>
      %mul3A_455 = arith.mulf %get3A_437, %get3A_441 : vector<16xf32>
      %add3A_456 = arith.addf %mul3A_454, %mul3A_455 : vector<16xf32>
      %swap3A_457 = arith.index_cast %scan3A_336 : i32 to index
      %swap3A_458 = arith.constant 112 : index
      %swap3A_459 = tpu.vector_load %arg15[%swap3A_457, %swap3A_458] {strides = array<i32>} : memref<64x128xf32, #tpu.memory_space<vmem>>, vector<1x16xf32>,
      %swap3A_460 = vector.shape_cast %swap3A_459 : vector<1x16xf32> to vector<16xf32>
      %swap3A_461 = vector.shape_cast %add3A_456 : vector<16xf32> to vector<1x16xf32>
      tpu.vector_store %arg15[%swap3A_457, %swap3A_458], %swap3A_461 {strides = array<i32>} : memref<64x128xf32, #tpu.memory_space<vmem>>, vector<1x16xf32>,
    }
    %scan3A_319 = arith.constant 64 : i32
    %mul3A_320 = arith.constant 512 : i32
    %mul3A_321 = arith.muli %add3A, %mul3A_320 : i32
    %add3A_322 = arith.constant 448 : i32
    %add3A_323 = arith.addi %mul3A_321, %add3A_322 : i32
    %dma_start3A_324 = arith.constant 0 : i32
    %dma_start3A_325 = tpu.memref_slice %arg6[%add3A_323, %dma_start3A_324] : memref<16384x128xf32, #tpu.memory_space<hbm>> -> memref<64x128xf32, #tpu.memory_space<hbm>>
    %dma_start3A_326 = arith.constant 0 : i32
    %dma_start3A_327 = tpu.memref_slice %arg6[%add3A_323, %dma_start3A_326] : memref<16384x128xf32, #tpu.memory_space<hbm>> -> memref<64x128xf32, #tpu.memory_space<hbm>>
    tpu.enqueue_dma source(%arg15 : memref<64x128xf32, #tpu.memory_space<vmem>>) target(%dma_start3A_327 : memref<64x128xf32, #tpu.memory_space<hbm>>) target_semaphore(%arg23 : memref<!tpu.dma_semaphore, #tpu.memory_space<semaphore_mem>>)
    %dma_wait3A_328 = arith.constant 0 : i32
    %dma_wait3A_329 = tpu.memref_slice %arg6[%add3A_295, %dma_wait3A_328] : memref<16384x128xf32, #tpu.memory_space<hbm>> -> memref<64x128xf32, #tpu.memory_space<hbm>>
    %dma_wait3A_330 = arith.constant 0 : i32
    %dma_wait3A_331 = tpu.memref_slice %arg6[%add3A_295, %dma_wait3A_330] : memref<16384x128xf32, #tpu.memory_space<hbm>> -> memref<64x128xf32, #tpu.memory_space<hbm>>
    tpu.wait_dma2 semaphore(%arg22 : memref<!tpu.dma_semaphore, #tpu.memory_space<semaphore_mem>>) src(%arg14 : memref<64x128xf32, #tpu.memory_space<vmem>>) dst(%dma_wait3A_331 : memref<64x128xf32, #tpu.memory_space<hbm>>)
    %dma_wait3A_332 = arith.constant 0 : i32
    %dma_wait3A_333 = tpu.memref_slice %arg6[%add3A_323, %dma_wait3A_332] : memref<16384x128xf32, #tpu.memory_space<hbm>> -> memref<64x128xf32, #tpu.memory_space<hbm>>
    %dma_wait3A_334 = arith.constant 0 : i32
    %dma_wait3A_335 = tpu.memref_slice %arg6[%add3A_323, %dma_wait3A_334] : memref<16384x128xf32, #tpu.memory_space<hbm>> -> memref<64x128xf32, #tpu.memory_space<hbm>>
    tpu.wait_dma2 semaphore(%arg23 : memref<!tpu.dma_semaphore, #tpu.memory_space<semaphore_mem>>) src(%arg15 : memref<64x128xf32, #tpu.memory_space<vmem>>) dst(%dma_wait3A_335 : memref<64x128xf32, #tpu.memory_space<hbm>>)
    return
  }
}

</mosaic_0001>

<sc_bundles>
// kernel: kernel.3.cloned.1.call-start
scs
__scs_entry_jumppad:
0x0: {  	(pc) =	sbr.rel $0x88, $3  }
0x1: {  	(tag) =	ssettag $0x0;
	lr =	simm.s32 $0x1  }
0x2: {  	[smem:$0x3F9D] =	sst lr;
	_ =	strace $0xD0000000  }
0x3: {  	_ = 	snop  }
0x4: {  	_ = 	snop  }
0x5: {  	_ = 	snop  }
0x6: {  	_ = 	snop  }
0x7: {  	_ = 	snop  }
__scs_overlays_trampoline_lowered:
0x8: {  	[smem:$0x3FAC] =	sst s0  }
0x9: {  	[smem:$0x3FAD] =	sst s1  }
0xa: {  	[smem:$0x3FAE] =	sst s2  }
0xb: {  	[smem:$0x3FAF] =	sst s3  }
0xc: {  	[smem:$0x3FB0] =	sst s4  }
0xd: {  	[smem:$0x3FB1] =	sst s5  }
0xe: {  	[smem:$0x3FB2] =	sst s6  }
0xf: {  	[smem:$0x3FB3] =	sst s7  }
0x10: {  	[smem:$0x3FB4] =	sst s8  }
0x11: {  	[smem:$0x3FB5] =	sst s9;
	s0 =	simm.s32 @!p0 $0x0  }
0x12: {  	s1 =	sld [smem:$0x3F9B];
	s0 =	simm.s32 @p0 $0x1  }
0x13: {  	[smem:$0x3FB6] =	sst s0;
	s0 =	simm.s32 @!p1 $0x0  }
0x14: {  	s2 =	sld [smem:$0x3F9A];
	s0 =	simm.s32 @p1 $0x1  }
0x15: {  	[smem:$0x3FB7] =	sst s0;
	s0 =	simm.s32 @!p2 $0x0  }
0x16: {  	s3 =	sld [smem:$0x3FDB];
	s0 =	simm.s32 @p2 $0x1  }
0x17: {  	s4 =	simm.s32 $0x1BF5;
	[smem:$0x3FB9] =	sst s0  }
0x18: {  	s0 =	sld [smem:$0x3F9C];
	_ =	swait.ge [sflag:s4], $0x0  }
0x19: {  	s7 =	sld [smem:$0x3F9D]  }
0x1a: {  	s8 =	sadd.s32 $0xFFFFE003, lr  }
0x1b: {  	s9 =	sadd.s32 $0xFFFFFEF7, lr;
	s5 =	simm.s32 $0xFFFFFFFF;
	p2 =	slt.u32 s8, $0xFFFFF086  }
0x1c: {  	p1 =	slt.u32 s9, $0xF7A;
	s5 =	simm.s32 @!p2 $0x0  }
0x1d: {  	s5 =	simm.s32 @p1 $0x1;
	p0 =	seq.s32 s7, s2  }
0x1e: {  	s7 =	smul.u32 @!p0 $0xF7A, s2;
	p2 =	seq.s32 @!p0 s5, $0x0  }
0x1f: {  	s9 =	smul.u32 $0xF7A, s1;
	s8 =	simm.s32 @!p0 $0x1BF5;
	p2 =	por !p2, p0  }
0x20: {  	[sflag:s8] =	ssyncset.s32 @!p0 $0xFFFFF086;
	s6 =	sadd.s32 @!p0 s3, s7;
	s7 =	simm.s32 @!p0 $0x108  }
0x21: {  	s3 =	sadd.s32 s3, s9;
	s6 =	sadd.s32 @!p0 $0x88, s6;
	s7 =	simm.s32 @p2 $0x1082  }
0x22: {  	[simem:s7], [sflag:s8] =	dma.local @!p0 [hbm:s6], $0xF7A  }
0x23: {  	s9 =	sor.u32 $0xD0000000, s2;
	s6 =	simm.s32 $0x108;
	_ =	swait.ge @!p0 [sflag:s8], $0x0  }
0x24: {  	s3 =	sadd.s32 $0x88, s3;
	s6 =	simm.s32 @!p1 $0x1082;
	[sflag:s4] =	ssyncset.s32 $0xFFFFF086  }
0x25: {  	[simem:s6], [sflag:s4] =	dma.local [hbm:s3], $0xF7A  }
0x26: {  	[smem:$0x3F9D] =	sst s1;
	(tag) =	ssettag s2;
	_ =	strace s9  }
0x27: {  	s1 =	sld [smem:$0x3FAD]  }
0x28: {  	s2 =	sld [smem:$0x3FAE]  }
0x29: {  	s4 =	sld [smem:$0x3FB0]  }
0x2a: {  	p0 =	seq.s32 s5, $0x0;
	s5 =	sld [smem:$0x3FB1]  }
0x2b: {  	s6 =	sld [smem:$0x3FB2]  }
0x2c: {  	s7 =	sld [smem:$0x3FB3]  }
0x2d: {  	s3 =	simm.s32 $0x108;
	s8 =	sld [smem:$0x3FB4]  }
0x2e: {  	s3 =	simm.s32 @!p0 $0x1082;
	s9 =	sld [smem:$0x3FB5]  }
0x2f: {  	lr =	sadd.s32 s0, s3;
	s0 =	sld [smem:$0x3FAC]  }
0x30: {  	s3 =	sld [smem:$0x3FAF]  }
0x31: {  	[smem:$0x3FB8] =	sst s10  }
0x32: {  	s10 =	sld [smem:$0x3FB6];
	_ =	sdelay $0x3  }
0x33: {  	p0 =	seq.s32 s10, $0x1;
	s10 =	sld [smem:$0x3FB8];
	_ =	sdelay $0x3  }
0x34: {  	[smem:$0x3FB8] =	sst s10  }
0x35: {  	s10 =	sld [smem:$0x3FB7];
	_ =	sdelay $0x3  }
0x36: {  	p1 =	seq.s32 s10, $0x1;
	s10 =	sld [smem:$0x3FB8];
	_ =	sdelay $0x3  }
0x37: {  	[smem:$0x3FB8] =	sst s10  }
0x38: {  	s10 =	sld [smem:$0x3FB9]  }
0x39: {  	_ = 	snop;
	(pc) =	sbr.ind lr, $3  }
0x3a: {  	_ = 	snop  }
0x3b: {  	_ = 	snop  }
0x3c: {  	p2 =	seq.s32 s10, $0x1;
	s10 =	sld [smem:$0x3FB8]  }
0x3d: {  	_ =	shalt  }
0x3e: {  	_ =	shalt  }
0x3f: {  	_ =	shalt  }
0x40: {  	_ =	shalt  }
0x41: {  	_ =	shalt  }
0x42: {  	_ =	shalt  }
0x43: {  	_ =	shalt  }
0x44: {  	_ =	shalt  }
0x45: {  	_ =	shalt  }
0x46: {  	_ =	shalt  }
0x47: {  	_ =	shalt  }
0x48: {  	_ =	shalt  }
0x49: {  	_ =	shalt  }
0x4a: {  	_ =	shalt  }
0x4b: {  	_ =	shalt  }
0x4c: {  	_ =	shalt  }
0x4d: {  	_ =	shalt  }
0x4e: {  	_ =	shalt  }
0x4f: {  	_ =	shalt  }
0x50: {  	_ =	shalt  }
0x51: {  	_ =	shalt  }
0x52: {  	_ =	shalt  }
0x53: {  	_ =	shalt  }
0x54: {  	_ =	shalt  }
0x55: {  	_ =	shalt  }
0x56: {  	_ =	shalt  }
0x57: {  	_ =	shalt  }
0x58: {  	_ =	shalt  }
0x59: {  	_ =	shalt  }
0x5a: {  	_ =	shalt  }
0x5b: {  	_ =	shalt  }
0x5c: {  	_ =	shalt  }
0x5d: {  	_ =	shalt  }
0x5e: {  	_ =	shalt  }
0x5f: {  	_ =	shalt  }
0x60: {  	_ =	shalt  }
0x61: {  	_ =	shalt  }
0x62: {  	_ =	shalt  }
0x63: {  	_ =	shalt  }
0x64: {  	_ =	shalt  }
0x65: {  	_ =	shalt  }
0x66: {  	_ =	shalt  }
0x67: {  	_ =	shalt  }
0x68: {  	_ =	shalt  }
0x69: {  	_ =	shalt  }
0x6a: {  	_ =	shalt  }
0x6b: {  	_ =	shalt  }
0x6c: {  	_ =	shalt  }
0x6d: {  	_ =	shalt  }
0x6e: {  	_ =	shalt  }
0x6f: {  	_ =	shalt  }
0x70: {  	_ =	shalt  }
0x71: {  	_ =	shalt  }
0x72: {  	_ =	shalt  }
0x73: {  	_ =	shalt  }
0x74: {  	_ =	shalt  }
0x75: {  	_ =	shalt  }
0x76: {  	_ =	shalt  }
0x77: {  	_ =	shalt  }
0x78: {  	_ =	shalt  }
0x79: {  	_ =	shalt  }
0x7a: {  	_ =	shalt  }
0x7b: {  	_ =	shalt  }
0x7c: {  	_ =	shalt  }
0x7d: {  	_ =	shalt  }
0x7e: {  	_ =	shalt  }
0x7f: {  	_ =	shalt  }
0x80: {  	_ =	shalt  }
0x81: {  	_ =	shalt  }
0x82: {  	_ =	shalt  }
0x83: {  	_ =	shalt  }
0x84: {  	_ =	shalt  }
0x85: {  	_ =	shalt  }
0x86: {  	_ =	shalt  }
0x87: {  	_ =	shalt  }
.Lfunc_end0:
.L_simem_size_0:
called_computation_lowered:
.L_overlay_start_0:
0x88: {  	s2 =	sld [smem:$0x3FD9]  }
0x89: {  	s3 =	sld [smem:$0x3FFE];
	_ =	sdelay $0x1  }
0x8a: {  	s1 =	srdreg.scid  }
0x8b: {  	s0 =	sand.u32 $0x1, s1  }
0x8c: {  	s17 =	sshll.u32 s0, $0xA;
	s2 =	sadd.s32 s3, s2  }
0x8d: {  	s2 =	sadd.s32 s2, s17  }
0x8e: {  	[smem:$0x3FC4] =	sst s2  }
0x8f: {  	_ = 	snop  }
0x90: {  	s2 =	sld [smem:$0x3FC9]  }
0x91: {  	s18 =	sld [smem:$0x3FC8]  }
0x92: {  	s4 =	sld [smem:$0x3FD0];
	(tm) =	ssettm $0x1  }
0x93: {  	s5 =	sld [smem:$0x3FFB];
	_ =	sdelay $0x3  }
0x94: {  	_ =	strace s5  }
0x95: {  	s5 =	sld [smem:$0x3FFC];
	_ =	sdelay $0x3  }
0x96: {  	_ =	strace s5  }
0x97: {  	s5 =	sld [smem:$0x3FFD];
	_ =	sdelay $0x3  }
0x98: {  	_ =	strace s5  }
0x99: {  	_ =	strace $0x8FFFFFFF  }
0x9a: {  	s19 =	sld [smem:$0x3FDB];
	_ =	sdelay $0x1  }
0x9b: {  	s6 =	simm.s32 $_scs_section_size  }
0x9c: {  	s7 =	simm.s32 $_size__tile_overlayer_lowered;
	s8 =	simm.s32 $_tile_overlayer_lowered  }
0x9d: {  	s22 =	simm.s32 $0x1BFF;
	s21 =	sshll.u32 s8, $0x1;
	s5 =	sadd.s32 s6, s19  }
0x9e: {  	s9 =	simm.s32 $0x0;
	s20 =	sshll.u32 s7, $0x1;
	s7 =	sadd.s32 s21, s5  }
0x9f: {  	[timem:s9], [sflag:s22] =	dma.local [hbm:s7], s20  }
0xa0: {  	_ =	swait.ge [sflag:s22], s20  }
0xa1: {  	s6 =	ssub.s32 $0x0, s20;
	[sflag:s22] =	ssyncset.done $0x0  }
0xa2: {  	[sflag:s22] =	ssyncadd.s32 s6;
	_ =	sdelay $0x1  }
0xa3: {  	s23 =	simm.s32 $0x1B8B  }
0xa4: {  	_ =	swait.ge [sflag:s23], $0x1  }
0xa5: {  	[sflag:s23] =	ssyncset.done $0x0  }
0xa6: {  	s25 =	simm.s32 $0x1B8E;
	s24 =	sld [smem:$0x3FFE];
	[sflag:s23] =	ssyncadd.s32 $0xFFFFFFFF  }
0xa7: {  	s26 =	simm.s32 $execute0_lowered;
	[smem:$0x3FD2] =	sst s25  }
0xa8: {  	s7 =	sshll.u32 s26, $0x1;
	_ =	strace $0x80000046;
	[dreg:$0x1] =	wrdreg $0xFFFFFFFF  }
0xa9: {  	s28 =	simm.s32 $_size_execute0_lowered;
	s5 =	sadd.s32 s5, s7;
	[dreg:$0x0] =	wrdreg $0x0  }
0xaa: {  	s7 =	sshll.u32 s28, $0x1;
	[dreg:$0x2] =	wrdreg s5  }
0xab: {  	[dreg:$0x3] =	wrdreg s7  }
0xac: {  	[dreg:$0x4] =	wrdreg $0xC0  }
0xad: {  	_ =	task [dreg:s9], $0x5FFFF  }
0xae: {  	[dreg:$0x1] =	wrdreg $0xFFFFFFFF  }
0xaf: {  	[dreg:$0x0] =	wrdreg $0x60  }
0xb0: {  	[dreg:$0x2] =	wrdreg s2  }
0xb1: {  	[dreg:$0x3] =	wrdreg s18  }
0xb2: {  	[dreg:$0x4] =	wrdreg s24  }
0xb3: {  	[dreg:$0x5] =	wrdreg s4  }
0xb4: {  	[dreg:$0x6] =	wrdreg $0x9  }
0xb5: {  	_ =	task.clear_ibuf [dreg:s9], $0x7FFFF;
	_ =	strace $0x90000046  }
0xb6: {  	s29 =	simm.s32 $0x9;
	_ =	strace $0x80000048  }
0xb7: {  	_ =	swait.ge [sflag:s29], $0x1  }
0xb8: {  	[sflag:s29] =	ssyncadd.s32 $0xFFFFFFFF  }
0xb9: {  	_ =	strace $0x90000048  }
0xba: {  	_ =	sfence  }
0xbb: {  	s30 =	sld [smem:$0x0];
	_ =	sdelay $0x2  }
0xbc: {  	s31 =	sshll.u32 s1, $0xD;
	s1 =	sshrl.u32 s1, $0x2  }
0xbd: {  	s3 =	sand.u32 $0x4000, s31;
	s1 =	sadd.s32 s1, s30  }
0xbe: {  	s0 =	sor.u32 s3, s0;
	s1 =	sshll.u32 s1, $0x11  }
0xbf: {  	s0 =	sor.u32 s1, s0  }
0xc0: {  	s0 =	sadd.s32 $0x8F2B, s0  }
0xc1: {  	[sflag:s0] =	ssyncadd.remote.s32 $0x1  }
0xc2: {  	_ =	sfence.sel $0xFFFF  }
0xc3: {  	[dreg:$0x0] =	wrdreg $0xFFFFFFFF;
	(pc) =	sbr.abs _section_cstart, $3  }
0xc4: {  	[dreg:$0x1] =	wrdreg $0xFFFFFFFF  }
0xc5: {  	_ =	task.clear_ibuf [dreg:s9], $0x2FFFF;
	_ =	strace $0x9FFFFFFF  }
0xc6: {  	(tm) =	ssettm $0x7FFFFFFF  }
0xc7: {  	_ =	shalt  }
tec
execute0_lowered:
.L_overlay_start_1:
0x0: {  	(tag) =	ssettag $0x1  }
0x1: {  	s0 =	rddreg [dreg:$0x0]  }
0x2: {  	s2 =	rddreg [dreg:$0x1]  }
0x3: {  	s4 =	rddreg [dreg:$0x2]  }
0x4: {  	s5 =	rddreg [dreg:$0x3]  }
0x5: {  	s1 =	simm.s32 $0x0;
	s6 =	srdreg.scid;
	s8 =	stileid.u32  }
0x6: {  	s28 =	simm.s32 $0x3;
	s29 =	simm.s32 $0x5;
	s30 =	simm.s32 $0xC280  }
0x7: {  	s31 =	simm.s32 $0x2;
	[smem:$0x7FF] =	sst s1;
	s6 =	sand.u32 $0x1, s6  }
0x8: {  	s8 =	sshll.u32 s8, $0xA;
	s7 =	ssub.s32 $0x2, s6;
	s6 =	sshll.u32 s6, $0x9  }
0x9: {  	s3 =	sadd.s32 $0x400, s4;
	s4 =	sadd.s32 $0xF42800, s4;
	s6 =	sor.u32 s6, s8  }
0xa: {  	_ =	strace $0x80000047;
	s9 =	sshrl.u32 s7, $0x1;
	s8 =	sshrl.u32 s6, $0x3  }
0xb: {  	s7 =	ssub.s32 s7, s9;
	s6 =	sshll.u32 s6, $0x4;
	s2 =	sadd.s32 s2, s8  }
0xc: {  	s13 =	sadd.s32 s0, s6;
	s14 =	sor.u32 $0x400, s6;
	s16 =	sadd.s32 s5, s6  }
0xd: {  	s17 =	sor.u32 $0x800, s6;
	s19 =	sor.u32 $0xC00, s6;
	[dreg:$0x5] =	wrdreg s2  }
0xe: {  	s21 =	sor.u32 $0x1000, s6;
	s23 =	sor.u32 $0x1400, s6;
	[dreg:$0x6] =	wrdreg s13  }
0xf: {  	s25 =	sor.u32 $0x1800, s6;
	s15 =	sadd.s32 s0, s14;
	[dreg:$0x8] =	wrdreg s16  }
0x10: {  	s26 =	sor.u32 $0x1C00, s6;
	s18 =	sadd.s32 s0, s17;
	[dreg:$0x7] =	wrdreg s15  }
0x11: {  	s6 =	simm.s32 $0x7;
	s2 =	sadd.s32 s5, s14;
	[dreg:$0x9] =	wrdreg s18  }
0x12: {  	s20 =	sadd.s32 s0, s19;
	s8 =	sadd.s32 s5, s17;
	[dreg:$0xa] =	wrdreg s2  }
0x13: {  	s22 =	sadd.s32 s0, s21;
	s24 =	sadd.s32 s0, s23;
	[dreg:$0xb] =	wrdreg s20  }
0x14: {  	s16 =	sadd.s32 s5, s21;
	s17 =	sadd.s32 s0, s25;
	[dreg:$0xc] =	wrdreg s8  }
0x15: {  	s21 =	sadd.s32 s5, s26;
	[dreg:$0xd] =	wrdreg s22;
	s2 =	sadd.s32 s5, s19  }
0x16: {  	[dreg:$0xf] =	wrdreg s24;
	s18 =	sadd.s32 s5, s23;
	s19 =	sadd.s32 s0, s26  }
0x17: {  	s20 =	sadd.s32 s5, s25;
	s22 =	smax.u32 s7, $0x1;
	s23 =	simm.s32 $0x9  }
0x18: {  	s24 =	simm.s32 $0x280;
	s25 =	simm.s32 $0x2280;
	s26 =	simm.s32 $0x1  }
0x19: {  	s0 =	simm.s32 $0x4;
	s5 =	simm.s32 $0xE280;
	s7 =	simm.s32 $0x8  }
0x1a: {  	s8 =	simm.s32 $0x0;
	[dreg:$0xe] =	wrdreg s2;
	s2 =	simm.s32 $0x6  }
.LBB2_1:
0x1b: {  	s9 =	rddreg [dreg:$0x5]  }
0x1c: {  	[tilespmem:s1], [sflag:$0x9] =	stream.linear.gather [hbm4b:s9+s1], $0x200, $0x38;
	[tilespmem:$0x10280] =	vst v63  }
0x1d: {  	_ =	swait.ge [sflag:s23], $0x200  }
0x1e: {  	[sflag:s23] =	ssyncset.done $0x0  }
0x1f: {  	s15 =	rddreg [dreg:$0x6];
	[sflag:s23] =	ssyncadd.s32 $0xFFFFFE00  }
0x20: {  	[tilespmem:s24], [sflag:$0x1] =	stream.linear.gather [hbm4b:s15+s1], $0x2000, $0x38;
	[tilespmem:$0x10280] =	vst v63  }
0x21: {  	s10 =	simm.s32 $0x200;
	s11 =	simm.s32 $0x0;
	s9 =	simm.s32 $0x0;
	v0 =	vld [tilespmem:s1+$0x0]  }
.LBB2_2:
0x22: {  	p0 =	sne.s32 s10, $0x7E00;
	_ =	sdelay $0x3  }
0x23: {  	(v2sf) =	vpush v0, $0x0;
	_ =	sdelay $0xe  }
0x24: {  	s12 =	spop (v2sf)  }
0x25: {  	s13 =	sshra.s32 s9, $0x2;
	s12 =	sshll.u32 s12, $0x4  }
0x26: {  	s9 =	smov.u32 s10;
	s14 =	sadd.s32 $0x4280, s13;
	s12 =	sand.u32 $0x1FFFFFF0, s12  }
.Ltmp0:
0x27: {  	s15 =	sadd.s32 s3, s12;
	s12 =	sadd.s32 s4, s12;
	(pc) =	sbr.rel @p0 .LBB2_2-.Ltmp0, $4  }
0x28: {  	[tilespmem:s14], [sflag:$0x3] =	stream.linear.gather [hbm4b:s15+s1], $0x80, $0x38;
	[tilespmem:$0x10280] =	vst v63  }
0x29: {  	s11 =	sadd.s32 $0x1, s11;
	s13 =	sadd.s32 $0x8280, s13  }
0x2a: {  	[tilespmem:s13], [sflag:$0x5] =	stream.linear.gather [hbm4b:s12+s1], $0x80, $0x38;
	[tilespmem:$0x10280] =	vst v63  }
0x2b: {  	s10 =	sadd.s32 $0x200, s10;
	v0 =	vld [tilespmem:s11+$0x0]  }
0x2c: {  	_ =	sdelay $0x3  }
0x2d: {  	(v2sf) =	vpush v0, $0x0;
	_ =	sdelay $0xe  }
0x2e: {  	s10 =	spop (v2sf)  }
0x2f: {  	s10 =	sshll.u32 s10, $0x4  }
0x30: {  	s9 =	sshra.s32 s9, $0x2;
	s10 =	sand.u32 $0x1FFFFFF0, s10  }
0x31: {  	s11 =	sadd.s32 $0x4280, s9;
	s12 =	sadd.s32 s3, s10  }
0x32: {  	[tilespmem:s11], [sflag:$0x3] =	stream.linear.gather [hbm4b:s12+s1], $0x80, $0x38;
	[tilespmem:$0x10280] =	vst v63  }
0x33: {  	s9 =	sadd.s32 $0x8280, s9;
	s10 =	sadd.s32 s4, s10  }
0x34: {  	[tilespmem:s9], [sflag:$0x5] =	stream.linear.gather [hbm4b:s10+s1], $0x80, $0x38;
	[tilespmem:$0x10280] =	vst v63  }
0x35: {  	s15 =	rddreg [dreg:$0x7];
	s9 =	simm.s32 $0x0;
	s10 =	simm.s32 $0x40  }
0x36: {  	[tilespmem:s25], [sflag:$0x2] =	stream.linear.gather [hbm4b:s15+s9], $0x2000, $0x38;
	[tilespmem:$0x10280] =	vst v63  }
0x37: {  	s11 =	simm.s32 $0x200;
	v0 =	vld [tilespmem:s10+$0x0]  }
.LBB2_4:
0x38: {  	p0 =	sne.s32 s11, $0x7E00;
	_ =	sdelay $0x3  }
0x39: {  	(v2sf) =	vpush v0, $0x0;
	_ =	sdelay $0xe  }
0x3a: {  	s12 =	spop (v2sf)  }
0x3b: {  	s13 =	sshra.s32 s9, $0x2;
	s12 =	sshll.u32 s12, $0x4  }
0x3c: {  	s9 =	smov.u32 s11;
	s14 =	sadd.s32 $0x6280, s13;
	s12 =	sand.u32 $0x1FFFFFF0, s12  }
.Ltmp1:
0x3d: {  	s15 =	sadd.s32 s3, s12;
	s12 =	sadd.s32 s4, s12;
	(pc) =	sbr.rel @p0 .LBB2_4-.Ltmp1, $4  }
0x3e: {  	[tilespmem:s14], [sflag:$0x4] =	stream.linear.gather [hbm4b:s15+s1], $0x80, $0x38;
	[tilespmem:$0x10280] =	vst v63  }
0x3f: {  	s10 =	sadd.s32 $0x1, s10;
	s13 =	sadd.s32 $0xA280, s13  }
0x40: {  	[tilespmem:s13], [sflag:$0x6] =	stream.linear.gather [hbm4b:s12+s1], $0x80, $0x38;
	[tilespmem:$0x10280] =	vst v63  }
0x41: {  	s11 =	sadd.s32 $0x200, s11;
	v0 =	vld [tilespmem:s10+$0x0]  }
0x42: {  	_ =	sdelay $0x3  }
0x43: {  	(v2sf) =	vpush v0, $0x0;
	_ =	sdelay $0xe  }
0x44: {  	s10 =	spop (v2sf)  }
0x45: {  	s10 =	sshll.u32 s10, $0x4  }
0x46: {  	s9 =	sshra.s32 s9, $0x2;
	s10 =	sand.u32 $0x1FFFFFF0, s10  }
0x47: {  	s11 =	sadd.s32 $0x6280, s9;
	s12 =	sadd.s32 s3, s10  }
0x48: {  	[tilespmem:s11], [sflag:$0x4] =	stream.linear.gather [hbm4b:s12+s1], $0x80, $0x38;
	[tilespmem:$0x10280] =	vst v63  }
0x49: {  	s9 =	sadd.s32 $0xA280, s9;
	s10 =	sadd.s32 s4, s10  }
0x4a: {  	[tilespmem:s9], [sflag:$0x6] =	stream.linear.gather [hbm4b:s10+s1], $0x80, $0x38;
	[tilespmem:$0x10280] =	vst v63  }
0x4b: {  	_ =	swait.ge [sflag:s26], $0x2000  }
0x4c: {  	[sflag:s26] =	ssyncset.done $0x0  }
0x4d: {  	[sflag:s26] =	ssyncadd.s32 $0xFFFFE000  }
0x4e: {  	_ =	swait.ge [sflag:s28], $0x80  }
0x4f: {  	[sflag:s28] =	ssyncset.done $0x0  }
0x50: {  	[sflag:s28] =	ssyncadd.s32 $0xFFFFFF80  }
0x51: {  	_ =	swait.ge [sflag:s29], $0x80  }
0x52: {  	s9 =	simm.s32 $0x3F;
	[sflag:s29] =	ssyncset.done $0x0  }
.LBB2_6:
0x53: {  	p0 =	sne.s32 s9, $0x1;
	s9 =	sadd.s32 $0xFFFFFFFF, s9;
	[sflag:s29] =	ssyncadd.s32 $0xFFFFFF80  }
.Ltmp2:
0x54: {  	_ =	swait.ge [sflag:s28], $0x80;
	(pc) =	sbr.rel @p0 .LBB2_6-.Ltmp2, $4  }
0x55: {  	[sflag:s28] =	ssyncset.done $0x0  }
0x56: {  	[sflag:s28] =	ssyncadd.s32 $0xFFFFFF80  }
0x57: {  	_ =	swait.ge [sflag:s29], $0x80  }
0x58: {  	[sflag:s29] =	ssyncset.done $0x0  }
0x59: {  	[sflag:s29] =	ssyncadd.s32 $0xFFFFFF80;
	s9 =	simm.s32 $0x0  }
0x5a: {  	v0 =	vld [tilespmem:s9+$0x2B0]  }
0x5b: {  	v1 =	vld [tilespmem:s9+$0x2F0]  }
0x5c: {  	v2 =	vld [tilespmem:s9+$0x42B0]  }
0x5d: {  	v3 =	vld [tilespmem:s9+$0x82B0]  }
0x5e: {  	v4 =	vld [tilespmem:s9+$0x280]  }
0x5f: {  	v6 =	vld [tilespmem:s9+$0x2C0]  }
0x60: {  	v7 =	vld [tilespmem:s9+$0x4280]  }
0x61: {  	v8 =	vld [tilespmem:s9+$0x8280]  }
0x62: {  	v9 =	vld [tilespmem:s9+$0x290];
	v5 =	vmul.f32 v3, v0;
	v10 =	vmul.f32 v2, v1  }
0x63: {  	v11 =	vld [tilespmem:s9+$0x2D0]  }
0x64: {  	v12 =	vld [tilespmem:s9+$0x4290];
	v1 =	vmul.f32 v3, v1;
	v3 =	vadd.f32 v5, v10  }
0x65: {  	v2 =	vmul.f32 v2, v0;
	v10 =	vld [tilespmem:s9+$0x8290]  }
0x66: {  	v0 =	vld [tilespmem:s9+$0x2A0];
	v13 =	vmul.f32 v8, v6;
	[tilespmem:s9+$0xC2F0] =	vst v3;
	v3 =	vmul.f32 v7, v4  }
0x67: {  	v1 =	vsub.f32 v2, v1;
	v2 =	vld [tilespmem:s9+$0x2E0];
	v7 =	vmul.f32 v7, v6;
	v4 =	vmul.f32 v8, v4  }
0x68: {  	v5 =	vld [tilespmem:s9+$0x42A0];
	v3 =	vsub.f32 v3, v13  }
0x69: {  	s10 =	simm.s32 $0x80;
	[tilespmem:s9+$0xC2B0] =	vst v1;
	v6 =	vld [tilespmem:s9+$0x82A0];
	v4 =	vadd.f32 v4, v7;
	v7 =	vmul.f32 v12, v9;
	v12 =	vmul.f32 v12, v11  }
0x6a: {  	v1 =	vld [tilespmem:s10+$0x2B0];
	v8 =	vmul.f32 v10, v11;
	v9 =	vmul.f32 v10, v9;
	[tilespmem:s9+$0xC280] =	vst v3  }
0x6b: {  	v3 =	vld [tilespmem:s10+$0x2F0];
	[tilespmem:s9+$0xC2C0] =	vst v4  }
0x6c: {  	s11 =	simm.s32 $0x400;
	v8 =	vsub.f32 v7, v8;
	v7 =	vadd.f32 v9, v12;
	v4 =	vld [tilespmem:s10+$0x42B0]  }
.LBB2_8:
0x6d: {  	p0 =	sne.s32 s11, $0x7E00;
	v9 =	vld [tilespmem:s10+$0x82B0];
	v10 =	vmul.f32 v5, v0;
	v5 =	vmul.f32 v5, v2  }
0x6e: {  	v11 =	vld [tilespmem:s10+$0x280];
	[tilespmem:s9+$0xC290] =	vst v8;
	v2 =	vmul.f32 v6, v2;
	v0 =	vmul.f32 v6, v0  }
0x6f: {  	v6 =	vld [tilespmem:s10+$0x2C0];
	[tilespmem:s9+$0xC2D0] =	vst v7  }
0x70: {  	v7 =	vld [tilespmem:s10+$0x4280];
	v2 =	vsub.f32 v10, v2;
	v0 =	vadd.f32 v0, v5  }
0x71: {  	v5 =	vld [tilespmem:s10+$0x8280];
	v8 =	vmul.f32 v4, v1  }
0x72: {  	v4 =	vmul.f32 v4, v3;
	v10 =	vld [tilespmem:s10+$0x290];
	v1 =	vmul.f32 v9, v1;
	[tilespmem:s9+$0xC2A0] =	vst v2  }
0x73: {  	v2 =	vmul.f32 v9, v3;
	v12 =	vld [tilespmem:s10+$0x2D0];
	[tilespmem:s9+$0xC2E0] =	vst v0;
	s9 =	smov.u32 s10  }
0x74: {  	v3 =	vld [tilespmem:s9+$0x4290];
	v1 =	vadd.f32 v1, v4  }
0x75: {  	v8 =	vsub.f32 v8, v2;
	v4 =	vmul.f32 v7, v11;
	v7 =	vmul.f32 v7, v6;
	v9 =	vld [tilespmem:s9+$0x8290]  }
0x76: {  	v6 =	vmul.f32 v5, v6;
	v5 =	vmul.f32 v5, v11;
	v0 =	vld [tilespmem:s9+$0x2A0];
	[tilespmem:s9+$0xC2F0] =	vst v1  }
0x77: {  	v2 =	vld [tilespmem:s9+$0x2E0];
	[tilespmem:s9+$0xC2B0] =	vst v8  }
.Ltmp3:
0x78: {  	v4 =	vsub.f32 v4, v6;
	v7 =	vadd.f32 v5, v7;
	v5 =	vld [tilespmem:s9+$0x42A0];
	(pc) =	sbr.rel @p0 .LBB2_8-.Ltmp3, $4  }
0x79: {  	s10 =	sshra.s32 s11, $0x2;
	v8 =	vmul.f32 v3, v10;
	v11 =	vmul.f32 v3, v12;
	v6 =	vld [tilespmem:s9+$0x82A0]  }
0x7a: {  	v1 =	vld [tilespmem:s10+$0x2B0];
	[tilespmem:s9+$0xC280] =	vst v4;
	v12 =	vmul.f32 v9, v12;
	v9 =	vmul.f32 v9, v10  }
0x7b: {  	v3 =	vld [tilespmem:s10+$0x2F0];
	[tilespmem:s9+$0xC2C0] =	vst v7  }
0x7c: {  	s11 =	sadd.s32 $0x200, s11;
	v4 =	vld [tilespmem:s10+$0x42B0];
	v8 =	vsub.f32 v8, v12;
	v7 =	vadd.f32 v9, v11  }
0x7d: {  	v9 =	vld [tilespmem:s10+$0x82B0]  }
0x7e: {  	v10 =	vld [tilespmem:s10+$0x280];
	v11 =	vmul.f32 v5, v0;
	[tilespmem:s9+$0xC290] =	vst v8;
	v12 =	vmul.f32 v6, v2  }
0x7f: {  	v2 =	vmul.f32 v5, v2;
	v0 =	vmul.f32 v6, v0;
	v8 =	vld [tilespmem:s10+$0x2C0];
	[tilespmem:s9+$0xC2D0] =	vst v7  }
0x80: {  	v7 =	vld [tilespmem:s10+$0x4280];
	v48 =	vsub.f32 v11, v12  }
0x81: {  	v49 =	vld [tilespmem:s10+$0x8280];
	v0 =	vadd.f32 v0, v2  }
0x82: {  	v50 =	vld [tilespmem:s10+$0x290];
	[tilespmem:s9+$0xC2A0] =	vst v48  }
0x83: {  	v2 =	vld [tilespmem:s10+$0x2D0];
	[tilespmem:s9+$0xC2E0] =	vst v0  }
0x84: {  	v52 =	vmul.f32 v4, v3;
	v51 =	vmul.f32 v9, v1;
	v0 =	vld [tilespmem:s10+$0x4290]  }
0x85: {  	v1 =	vmul.f32 v4, v1;
	v3 =	vmul.f32 v9, v3;
	v54 =	vld [tilespmem:s10+$0x8290]  }
0x86: {  	v55 =	vld [tilespmem:s10+$0x2A0]  }
0x87: {  	v1 =	vsub.f32 v1, v3;
	v3 =	vld [tilespmem:s10+$0x2E0]  }
0x88: {  	v56 =	vld [tilespmem:s10+$0x82A0]  }
0x89: {  	[tilespmem:s10+$0xC2B0] =	vst v1;
	v1 =	vld [tilespmem:s10+$0x42A0]  }
0x8a: {  	v57 =	vmul.f32 v7, v10;
	v13 =	vmul.f32 v49, v8  }
0x8b: {  	v53 =	vadd.f32 v51, v52;
	v7 =	vmul.f32 v7, v8;
	v6 =	vmul.f32 v49, v10  }
0x8c: {  	v58 =	vsub.f32 v57, v13;
	v59 =	vmul.f32 v0, v50;
	v60 =	vmul.f32 v54, v2  }
0x8d: {  	[tilespmem:s10+$0xC2F0] =	vst v53;
	v6 =	vadd.f32 v6, v7;
	v0 =	vmul.f32 v0, v2;
	v2 =	vmul.f32 v54, v50  }
0x8e: {  	[tilespmem:s10+$0xC280] =	vst v58;
	v63 =	vmul.f32 v56, v3;
	v61 =	vsub.f32 v59, v60;
	v62 =	vmul.f32 v1, v55  }
0x8f: {  	[tilespmem:s10+$0xC2C0] =	vst v6;
	v0 =	vadd.f32 v2, v0;
	v1 =	vmul.f32 v1, v3;
	v2 =	vmul.f32 v56, v55  }
0x90: {  	[tilespmem:s10+$0xC290] =	vst v61;
	v3 =	vsub.f32 v62, v63  }
0x91: {  	[tilespmem:s10+$0xC2D0] =	vst v0;
	v0 =	vadd.f32 v2, v1  }
0x92: {  	[tilespmem:s10+$0xC2A0] =	vst v3  }
0x93: {  	s14 =	rddreg [dreg:$0x8];
	s9 =	simm.s32 $0x0;
	[tilespmem:s10+$0xC2E0] =	vst v0  }
0x94: {  	[hbm4b:s14+s9] =	stream.linear.scatter [tilespmem:s30], [sflag:$0x7], $0x2000, $0x38;
	[tilespmem:$0x10280] =	vst v63  }
0x95: {  	s15 =	rddreg [dreg:$0x9];
	s10 =	simm.s32 $0x80  }
0x96: {  	[tilespmem:s24], [sflag:$0x1] =	stream.linear.gather [hbm4b:s15+s9], $0x2000, $0x38;
	[tilespmem:$0x10280] =	vst v63  }
0x97: {  	s11 =	simm.s32 $0x200;
	v0 =	vld [tilespmem:s10+$0x0]  }
.LBB2_10:
0x98: {  	p0 =	sne.s32 s11, $0x7E00;
	_ =	sdelay $0x3  }
0x99: {  	(v2sf) =	vpush v0, $0x0;
	_ =	sdelay $0xe  }
0x9a: {  	s12 =	spop (v2sf)  }
0x9b: {  	s13 =	sshra.s32 s9, $0x2;
	s12 =	sshll.u32 s12, $0x4  }
0x9c: {  	s9 =	smov.u32 s11;
	s14 =	sadd.s32 $0x4280, s13;
	s12 =	sand.u32 $0x1FFFFFF0, s12  }
.Ltmp4:
0x9d: {  	s15 =	sadd.s32 s3, s12;
	s12 =	sadd.s32 s4, s12;
	(pc) =	sbr.rel @p0 .LBB2_10-.Ltmp4, $4  }
0x9e: {  	[tilespmem:s14], [sflag:$0x3] =	stream.linear.gather [hbm4b:s15+s1], $0x80, $0x38;
	[tilespmem:$0x10280] =	vst v63  }
0x9f: {  	s10 =	sadd.s32 $0x1, s10;
	s13 =	sadd.s32 $0x8280, s13  }
0xa0: {  	[tilespmem:s13], [sflag:$0x5] =	stream.linear.gather [hbm4b:s12+s1], $0x80, $0x38;
	[tilespmem:$0x10280] =	vst v63  }
0xa1: {  	s11 =	sadd.s32 $0x200, s11;
	v0 =	vld [tilespmem:s10+$0x0]  }
0xa2: {  	_ =	sdelay $0x3  }
0xa3: {  	(v2sf) =	vpush v0, $0x0;
	_ =	sdelay $0xe  }
0xa4: {  	s10 =	spop (v2sf)  }
0xa5: {  	s10 =	sshll.u32 s10, $0x4  }
0xa6: {  	s9 =	sshra.s32 s9, $0x2;
	s10 =	sand.u32 $0x1FFFFFF0, s10  }
0xa7: {  	s11 =	sadd.s32 $0x4280, s9;
	s12 =	sadd.s32 s3, s10  }
0xa8: {  	[tilespmem:s11], [sflag:$0x3] =	stream.linear.gather [hbm4b:s12+s1], $0x80, $0x38;
	[tilespmem:$0x10280] =	vst v63  }
0xa9: {  	s9 =	sadd.s32 $0x8280, s9;
	s10 =	sadd.s32 s4, s10  }
0xaa: {  	[tilespmem:s9], [sflag:$0x5] =	stream.linear.gather [hbm4b:s10+s1], $0x80, $0x38;
	[tilespmem:$0x10280] =	vst v63  }
0xab: {  	_ =	swait.ge [sflag:s31], $0x2000  }
0xac: {  	[sflag:s31] =	ssyncset.done $0x0  }
0xad: {  	[sflag:s31] =	ssyncadd.s32 $0xFFFFE000  }
0xae: {  	_ =	swait.ge [sflag:s0], $0x80  }
0xaf: {  	[sflag:s0] =	ssyncset.done $0x0  }
0xb0: {  	[sflag:s0] =	ssyncadd.s32 $0xFFFFFF80  }
0xb1: {  	_ =	swait.ge [sflag:s2], $0x80  }
0xb2: {  	s9 =	simm.s32 $0x3F;
	[sflag:s2] =	ssyncset.done $0x0  }
.LBB2_12:
0xb3: {  	p0 =	sne.s32 s9, $0x1;
	s9 =	sadd.s32 $0xFFFFFFFF, s9;
	[sflag:s2] =	ssyncadd.s32 $0xFFFFFF80  }
.Ltmp5:
0xb4: {  	_ =	swait.ge [sflag:s0], $0x80;
	(pc) =	sbr.rel @p0 .LBB2_12-.Ltmp5, $4  }
0xb5: {  	[sflag:s0] =	ssyncset.done $0x0  }
0xb6: {  	[sflag:s0] =	ssyncadd.s32 $0xFFFFFF80  }
0xb7: {  	_ =	swait.ge [sflag:s2], $0x80  }
0xb8: {  	[sflag:s2] =	ssyncset.done $0x0  }
0xb9: {  	[sflag:s2] =	ssyncadd.s32 $0xFFFFFF80;
	s9 =	simm.s32 $0x0  }
0xba: {  	v0 =	vld [tilespmem:s9+$0x22B0]  }
0xbb: {  	v1 =	vld [tilespmem:s9+$0x22F0]  }
0xbc: {  	v2 =	vld [tilespmem:s9+$0x62B0]  }
0xbd: {  	v3 =	vld [tilespmem:s9+$0xA2B0]  }
0xbe: {  	v4 =	vld [tilespmem:s9+$0x2280]  }
0xbf: {  	v6 =	vld [tilespmem:s9+$0x22C0]  }
0xc0: {  	v7 =	vld [tilespmem:s9+$0x6280]  }
0xc1: {  	v8 =	vld [tilespmem:s9+$0xA280]  }
0xc2: {  	v9 =	vld [tilespmem:s9+$0x2290];
	v5 =	vmul.f32 v3, v0;
	v10 =	vmul.f32 v2, v1  }
0xc3: {  	v11 =	vld [tilespmem:s9+$0x22D0]  }
0xc4: {  	v12 =	vld [tilespmem:s9+$0x6290];
	v1 =	vmul.f32 v3, v1;
	v3 =	vadd.f32 v5, v10  }
0xc5: {  	v2 =	vmul.f32 v2, v0;
	v10 =	vld [tilespmem:s9+$0xA290]  }
0xc6: {  	v0 =	vld [tilespmem:s9+$0x22A0];
	v13 =	vmul.f32 v8, v6;
	[tilespmem:s9+$0xE2F0] =	vst v3;
	v3 =	vmul.f32 v7, v4  }
0xc7: {  	v1 =	vsub.f32 v2, v1;
	v2 =	vld [tilespmem:s9+$0x22E0];
	v7 =	vmul.f32 v7, v6;
	v4 =	vmul.f32 v8, v4  }
0xc8: {  	v5 =	vld [tilespmem:s9+$0x62A0];
	v3 =	vsub.f32 v3, v13  }
0xc9: {  	s10 =	simm.s32 $0x80;
	[tilespmem:s9+$0xE2B0] =	vst v1;
	v6 =	vld [tilespmem:s9+$0xA2A0];
	v4 =	vadd.f32 v4, v7;
	v7 =	vmul.f32 v12, v9;
	v12 =	vmul.f32 v12, v11  }
0xca: {  	v1 =	vld [tilespmem:s10+$0x22B0];
	v8 =	vmul.f32 v10, v11;
	v9 =	vmul.f32 v10, v9;
	[tilespmem:s9+$0xE280] =	vst v3  }
0xcb: {  	v3 =	vld [tilespmem:s10+$0x22F0];
	[tilespmem:s9+$0xE2C0] =	vst v4  }
0xcc: {  	s11 =	simm.s32 $0x400;
	v8 =	vsub.f32 v7, v8;
	v7 =	vadd.f32 v9, v12;
	v4 =	vld [tilespmem:s10+$0x62B0]  }
.LBB2_14:
0xcd: {  	p0 =	sne.s32 s11, $0x7E00;
	v9 =	vld [tilespmem:s10+$0xA2B0];
	v10 =	vmul.f32 v5, v0;
	v5 =	vmul.f32 v5, v2  }
0xce: {  	v11 =	vld [tilespmem:s10+$0x2280];
	[tilespmem:s9+$0xE290] =	vst v8;
	v2 =	vmul.f32 v6, v2;
	v0 =	vmul.f32 v6, v0  }
0xcf: {  	v6 =	vld [tilespmem:s10+$0x22C0];
	[tilespmem:s9+$0xE2D0] =	vst v7  }
0xd0: {  	v7 =	vld [tilespmem:s10+$0x6280];
	v2 =	vsub.f32 v10, v2;
	v0 =	vadd.f32 v0, v5  }
0xd1: {  	v5 =	vld [tilespmem:s10+$0xA280];
	v8 =	vmul.f32 v4, v1  }
0xd2: {  	v4 =	vmul.f32 v4, v3;
	v10 =	vld [tilespmem:s10+$0x2290];
	v1 =	vmul.f32 v9, v1;
	[tilespmem:s9+$0xE2A0] =	vst v2  }
0xd3: {  	v2 =	vmul.f32 v9, v3;
	v12 =	vld [tilespmem:s10+$0x22D0];
	[tilespmem:s9+$0xE2E0] =	vst v0;
	s9 =	smov.u32 s10  }
0xd4: {  	v3 =	vld [tilespmem:s9+$0x6290];
	v1 =	vadd.f32 v1, v4  }
0xd5: {  	v8 =	vsub.f32 v8, v2;
	v4 =	vmul.f32 v7, v11;
	v7 =	vmul.f32 v7, v6;
	v9 =	vld [tilespmem:s9+$0xA290]  }
0xd6: {  	v6 =	vmul.f32 v5, v6;
	v5 =	vmul.f32 v5, v11;
	v0 =	vld [tilespmem:s9+$0x22A0];
	[tilespmem:s9+$0xE2F0] =	vst v1  }
0xd7: {  	v2 =	vld [tilespmem:s9+$0x22E0];
	[tilespmem:s9+$0xE2B0] =	vst v8  }
.Ltmp6:
0xd8: {  	v4 =	vsub.f32 v4, v6;
	v7 =	vadd.f32 v5, v7;
	v5 =	vld [tilespmem:s9+$0x62A0];
	(pc) =	sbr.rel @p0 .LBB2_14-.Ltmp6, $4  }
0xd9: {  	s10 =	sshra.s32 s11, $0x2;
	v8 =	vmul.f32 v3, v10;
	v11 =	vmul.f32 v3, v12;
	v6 =	vld [tilespmem:s9+$0xA2A0]  }
0xda: {  	v1 =	vld [tilespmem:s10+$0x22B0];
	[tilespmem:s9+$0xE280] =	vst v4;
	v12 =	vmul.f32 v9, v12;
	v9 =	vmul.f32 v9, v10  }
0xdb: {  	v3 =	vld [tilespmem:s10+$0x22F0];
	[tilespmem:s9+$0xE2C0] =	vst v7  }
0xdc: {  	s11 =	sadd.s32 $0x200, s11;
	v4 =	vld [tilespmem:s10+$0x62B0];
	v8 =	vsub.f32 v8, v12;
	v7 =	vadd.f32 v9, v11  }
0xdd: {  	v9 =	vld [tilespmem:s10+$0xA2B0]  }
0xde: {  	v10 =	vld [tilespmem:s10+$0x2280];
	v11 =	vmul.f32 v5, v0;
	[tilespmem:s9+$0xE290] =	vst v8;
	v12 =	vmul.f32 v6, v2  }
0xdf: {  	v2 =	vmul.f32 v5, v2;
	v0 =	vmul.f32 v6, v0;
	v8 =	vld [tilespmem:s10+$0x22C0];
	[tilespmem:s9+$0xE2D0] =	vst v7  }
0xe0: {  	v7 =	vld [tilespmem:s10+$0x6280];
	v48 =	vsub.f32 v11, v12  }
0xe1: {  	v49 =	vld [tilespmem:s10+$0xA280];
	v0 =	vadd.f32 v0, v2  }
0xe2: {  	v50 =	vld [tilespmem:s10+$0x2290];
	[tilespmem:s9+$0xE2A0] =	vst v48  }
0xe3: {  	v2 =	vld [tilespmem:s10+$0x22D0];
	[tilespmem:s9+$0xE2E0] =	vst v0  }
0xe4: {  	v52 =	vmul.f32 v4, v3;
	v51 =	vmul.f32 v9, v1;
	v0 =	vld [tilespmem:s10+$0x6290]  }
0xe5: {  	v1 =	vmul.f32 v4, v1;
	v3 =	vmul.f32 v9, v3;
	v54 =	vld [tilespmem:s10+$0xA290]  }
0xe6: {  	v55 =	vld [tilespmem:s10+$0x22A0]  }
0xe7: {  	v1 =	vsub.f32 v1, v3;
	v3 =	vld [tilespmem:s10+$0x22E0]  }
0xe8: {  	v56 =	vld [tilespmem:s10+$0xA2A0]  }
0xe9: {  	[tilespmem:s10+$0xE2B0] =	vst v1;
	v1 =	vld [tilespmem:s10+$0x62A0]  }
0xea: {  	v57 =	vmul.f32 v7, v10;
	v13 =	vmul.f32 v49, v8  }
0xeb: {  	v53 =	vadd.f32 v51, v52;
	v7 =	vmul.f32 v7, v8;
	v6 =	vmul.f32 v49, v10  }
0xec: {  	v58 =	vsub.f32 v57, v13;
	v59 =	vmul.f32 v0, v50;
	v60 =	vmul.f32 v54, v2  }
0xed: {  	[tilespmem:s10+$0xE2F0] =	vst v53;
	v6 =	vadd.f32 v6, v7;
	v0 =	vmul.f32 v0, v2;
	v2 =	vmul.f32 v54, v50  }
0xee: {  	[tilespmem:s10+$0xE280] =	vst v58;
	v63 =	vmul.f32 v56, v3;
	v61 =	vsub.f32 v59, v60;
	v62 =	vmul.f32 v1, v55  }
0xef: {  	[tilespmem:s10+$0xE2C0] =	vst v6;
	v0 =	vadd.f32 v2, v0;
	v1 =	vmul.f32 v1, v3;
	v2 =	vmul.f32 v56, v55  }
0xf0: {  	[tilespmem:s10+$0xE290] =	vst v61;
	v3 =	vsub.f32 v62, v63  }
0xf1: {  	[tilespmem:s10+$0xE2D0] =	vst v0;
	v0 =	vadd.f32 v2, v1  }
0xf2: {  	[tilespmem:s10+$0xE2A0] =	vst v3  }
0xf3: {  	s14 =	rddreg [dreg:$0xa];
	s9 =	simm.s32 $0x0;
	[tilespmem:s10+$0xE2E0] =	vst v0  }
0xf4: {  	[hbm4b:s14+s9] =	stream.linear.scatter [tilespmem:s5], [sflag:$0x8], $0x2000, $0x38;
	[tilespmem:$0x10280] =	vst v63  }
0xf5: {  	s15 =	rddreg [dreg:$0xb];
	s10 =	simm.s32 $0xC0  }
0xf6: {  	[tilespmem:s25], [sflag:$0x2] =	stream.linear.gather [hbm4b:s15+s9], $0x2000, $0x38;
	[tilespmem:$0x10280] =	vst v63  }
0xf7: {  	s11 =	simm.s32 $0x200;
	v0 =	vld [tilespmem:s10+$0x0]  }
.LBB2_16:
0xf8: {  	p0 =	sne.s32 s11, $0x7E00;
	_ =	sdelay $0x3  }
0xf9: {  	(v2sf) =	vpush v0, $0x0;
	_ =	sdelay $0xe  }
0xfa: {  	s12 =	spop (v2sf)  }
0xfb: {  	s13 =	sshra.s32 s9, $0x2;
	s12 =	sshll.u32 s12, $0x4  }
0xfc: {  	s9 =	smov.u32 s11;
	s14 =	sadd.s32 $0x6280, s13;
	s12 =	sand.u32 $0x1FFFFFF0, s12  }
.Ltmp7:
0xfd: {  	s15 =	sadd.s32 s3, s12;
	s12 =	sadd.s32 s4, s12;
	(pc) =	sbr.rel @p0 .LBB2_16-.Ltmp7, $4  }
0xfe: {  	[tilespmem:s14], [sflag:$0x4] =	stream.linear.gather [hbm4b:s15+s1], $0x80, $0x38;
	[tilespmem:$0x10280] =	vst v63  }
0xff: {  	s10 =	sadd.s32 $0x1, s10;
	s13 =	sadd.s32 $0xA280, s13  }
0x100: {  	[tilespmem:s13], [sflag:$0x6] =	stream.linear.gather [hbm4b:s12+s1], $0x80, $0x38;
	[tilespmem:$0x10280] =	vst v63  }
0x101: {  	s11 =	sadd.s32 $0x200, s11;
	v0 =	vld [tilespmem:s10+$0x0]  }
0x102: {  	_ =	sdelay $0x3  }
0x103: {  	(v2sf) =	vpush v0, $0x0;
	_ =	sdelay $0xe  }
0x104: {  	s10 =	spop (v2sf)  }
0x105: {  	s10 =	sshll.u32 s10, $0x4  }
0x106: {  	s9 =	sshra.s32 s9, $0x2;
	s10 =	sand.u32 $0x1FFFFFF0, s10  }
0x107: {  	s11 =	sadd.s32 $0x6280, s9;
	s12 =	sadd.s32 s3, s10  }
0x108: {  	[tilespmem:s11], [sflag:$0x4] =	stream.linear.gather [hbm4b:s12+s1], $0x80, $0x38;
	[tilespmem:$0x10280] =	vst v63  }
0x109: {  	s9 =	sadd.s32 $0xA280, s9;
	s10 =	sadd.s32 s4, s10  }
0x10a: {  	[tilespmem:s9], [sflag:$0x6] =	stream.linear.gather [hbm4b:s10+s1], $0x80, $0x38;
	[tilespmem:$0x10280] =	vst v63  }
0x10b: {  	_ =	swait.ge [sflag:s26], $0x2000  }
0x10c: {  	[sflag:s26] =	ssyncset.done $0x0  }
0x10d: {  	[sflag:s26] =	ssyncadd.s32 $0xFFFFE000  }
0x10e: {  	_ =	swait.ge [sflag:s28], $0x80  }
0x10f: {  	[sflag:s28] =	ssyncset.done $0x0  }
0x110: {  	[sflag:s28] =	ssyncadd.s32 $0xFFFFFF80  }
0x111: {  	_ =	swait.ge [sflag:s29], $0x80  }
0x112: {  	s9 =	simm.s32 $0x3F;
	[sflag:s29] =	ssyncset.done $0x0  }
.LBB2_18:
0x113: {  	p0 =	sne.s32 s9, $0x1;
	s9 =	sadd.s32 $0xFFFFFFFF, s9;
	[sflag:s29] =	ssyncadd.s32 $0xFFFFFF80  }
.Ltmp8:
0x114: {  	_ =	swait.ge [sflag:s28], $0x80;
	(pc) =	sbr.rel @p0 .LBB2_18-.Ltmp8, $4  }
0x115: {  	[sflag:s28] =	ssyncset.done $0x0  }
0x116: {  	[sflag:s28] =	ssyncadd.s32 $0xFFFFFF80  }
0x117: {  	_ =	swait.ge [sflag:s29], $0x80  }
0x118: {  	[sflag:s29] =	ssyncset.done $0x0  }
0x119: {  	[sflag:s29] =	ssyncadd.s32 $0xFFFFFF80  }
0x11a: {  	_ =	swait.ge [sflag:s6], $0x2000  }
0x11b: {  	[sflag:s6] =	ssyncset.done $0x0  }
0x11c: {  	s9 =	simm.s32 $0x0;
	[sflag:s6] =	ssyncadd.s32 $0xFFFFE000  }
0x11d: {  	v0 =	vld [tilespmem:s9+$0x2B0]  }
0x11e: {  	v1 =	vld [tilespmem:s9+$0x2F0]  }
0x11f: {  	v2 =	vld [tilespmem:s9+$0x42B0]  }
0x120: {  	v3 =	vld [tilespmem:s9+$0x82B0]  }
0x121: {  	v4 =	vld [tilespmem:s9+$0x280]  }
0x122: {  	v6 =	vld [tilespmem:s9+$0x2C0]  }
0x123: {  	v7 =	vld [tilespmem:s9+$0x4280]  }
0x124: {  	v8 =	vld [tilespmem:s9+$0x8280]  }
0x125: {  	v9 =	vld [tilespmem:s9+$0x290];
	v5 =	vmul.f32 v3, v0;
	v10 =	vmul.f32 v2, v1  }
0x126: {  	v11 =	vld [tilespmem:s9+$0x2D0]  }
0x127: {  	v12 =	vld [tilespmem:s9+$0x4290];
	v1 =	vmul.f32 v3, v1;
	v3 =	vadd.f32 v5, v10  }
0x128: {  	v2 =	vmul.f32 v2, v0;
	v10 =	vld [tilespmem:s9+$0x8290]  }
0x129: {  	v0 =	vld [tilespmem:s9+$0x2A0];
	v13 =	vmul.f32 v8, v6;
	[tilespmem:s9+$0xC2F0] =	vst v3;
	v3 =	vmul.f32 v7, v4  }
0x12a: {  	v1 =	vsub.f32 v2, v1;
	v2 =	vld [tilespmem:s9+$0x2E0];
	v7 =	vmul.f32 v7, v6;
	v4 =	vmul.f32 v8, v4  }
0x12b: {  	v5 =	vld [tilespmem:s9+$0x42A0];
	v3 =	vsub.f32 v3, v13  }
0x12c: {  	s10 =	simm.s32 $0x80;
	[tilespmem:s9+$0xC2B0] =	vst v1;
	v6 =	vld [tilespmem:s9+$0x82A0];
	v4 =	vadd.f32 v4, v7;
	v7 =	vmul.f32 v12, v9;
	v12 =	vmul.f32 v12, v11  }
0x12d: {  	v1 =	vld [tilespmem:s10+$0x2B0];
	v8 =	vmul.f32 v10, v11;
	v9 =	vmul.f32 v10, v9;
	[tilespmem:s9+$0xC280] =	vst v3  }
0x12e: {  	v3 =	vld [tilespmem:s10+$0x2F0];
	[tilespmem:s9+$0xC2C0] =	vst v4  }
0x12f: {  	s11 =	simm.s32 $0x400;
	v8 =	vsub.f32 v7, v8;
	v7 =	vadd.f32 v9, v12;
	v4 =	vld [tilespmem:s10+$0x42B0]  }
.LBB2_20:
0x130: {  	p0 =	sne.s32 s11, $0x7E00;
	v9 =	vld [tilespmem:s10+$0x82B0];
	v10 =	vmul.f32 v5, v0;
	v5 =	vmul.f32 v5, v2  }
0x131: {  	v11 =	vld [tilespmem:s10+$0x280];
	[tilespmem:s9+$0xC290] =	vst v8;
	v2 =	vmul.f32 v6, v2;
	v0 =	vmul.f32 v6, v0  }
0x132: {  	v6 =	vld [tilespmem:s10+$0x2C0];
	[tilespmem:s9+$0xC2D0] =	vst v7  }
0x133: {  	v7 =	vld [tilespmem:s10+$0x4280];
	v2 =	vsub.f32 v10, v2;
	v0 =	vadd.f32 v0, v5  }
0x134: {  	v5 =	vld [tilespmem:s10+$0x8280];
	v8 =	vmul.f32 v4, v1  }
0x135: {  	v4 =	vmul.f32 v4, v3;
	v10 =	vld [tilespmem:s10+$0x290];
	v1 =	vmul.f32 v9, v1;
	[tilespmem:s9+$0xC2A0] =	vst v2  }
0x136: {  	v2 =	vmul.f32 v9, v3;
	v12 =	vld [tilespmem:s10+$0x2D0];
	[tilespmem:s9+$0xC2E0] =	vst v0;
	s9 =	smov.u32 s10  }
0x137: {  	v3 =	vld [tilespmem:s9+$0x4290];
	v1 =	vadd.f32 v1, v4  }
0x138: {  	v8 =	vsub.f32 v8, v2;
	v4 =	vmul.f32 v7, v11;
	v7 =	vmul.f32 v7, v6;
	v9 =	vld [tilespmem:s9+$0x8290]  }
0x139: {  	v6 =	vmul.f32 v5, v6;
	v5 =	vmul.f32 v5, v11;
	v0 =	vld [tilespmem:s9+$0x2A0];
	[tilespmem:s9+$0xC2F0] =	vst v1  }
0x13a: {  	v2 =	vld [tilespmem:s9+$0x2E0];
	[tilespmem:s9+$0xC2B0] =	vst v8  }
.Ltmp9:
0x13b: {  	v4 =	vsub.f32 v4, v6;
	v7 =	vadd.f32 v5, v7;
	v5 =	vld [tilespmem:s9+$0x42A0];
	(pc) =	sbr.rel @p0 .LBB2_20-.Ltmp9, $4  }
0x13c: {  	s10 =	sshra.s32 s11, $0x2;
	v8 =	vmul.f32 v3, v10;
	v11 =	vmul.f32 v3, v12;
	v6 =	vld [tilespmem:s9+$0x82A0]  }
0x13d: {  	v1 =	vld [tilespmem:s10+$0x2B0];
	[tilespmem:s9+$0xC280] =	vst v4;
	v12 =	vmul.f32 v9, v12;
	v9 =	vmul.f32 v9, v10  }
0x13e: {  	v3 =	vld [tilespmem:s10+$0x2F0];
	[tilespmem:s9+$0xC2C0] =	vst v7  }
0x13f: {  	s11 =	sadd.s32 $0x200, s11;
	v4 =	vld [tilespmem:s10+$0x42B0];
	v8 =	vsub.f32 v8, v12;
	v7 =	vadd.f32 v9, v11  }
0x140: {  	v9 =	vld [tilespmem:s10+$0x82B0]  }
0x141: {  	v10 =	vld [tilespmem:s10+$0x280];
	v11 =	vmul.f32 v5, v0;
	[tilespmem:s9+$0xC290] =	vst v8;
	v12 =	vmul.f32 v6, v2  }
0x142: {  	v2 =	vmul.f32 v5, v2;
	v0 =	vmul.f32 v6, v0;
	v8 =	vld [tilespmem:s10+$0x2C0];
	[tilespmem:s9+$0xC2D0] =	vst v7  }
0x143: {  	v7 =	vld [tilespmem:s10+$0x4280];
	v48 =	vsub.f32 v11, v12  }
0x144: {  	v49 =	vld [tilespmem:s10+$0x8280];
	v0 =	vadd.f32 v0, v2  }
0x145: {  	v50 =	vld [tilespmem:s10+$0x290];
	[tilespmem:s9+$0xC2A0] =	vst v48  }
0x146: {  	v2 =	vld [tilespmem:s10+$0x2D0];
	[tilespmem:s9+$0xC2E0] =	vst v0  }
0x147: {  	v52 =	vmul.f32 v4, v3;
	v51 =	vmul.f32 v9, v1;
	v0 =	vld [tilespmem:s10+$0x4290]  }
0x148: {  	v1 =	vmul.f32 v4, v1;
	v3 =	vmul.f32 v9, v3;
	v54 =	vld [tilespmem:s10+$0x8290]  }
0x149: {  	v55 =	vld [tilespmem:s10+$0x2A0]  }
0x14a: {  	v1 =	vsub.f32 v1, v3;
	v3 =	vld [tilespmem:s10+$0x2E0]  }
0x14b: {  	v56 =	vld [tilespmem:s10+$0x82A0]  }
0x14c: {  	[tilespmem:s10+$0xC2B0] =	vst v1;
	v1 =	vld [tilespmem:s10+$0x42A0]  }
0x14d: {  	v57 =	vmul.f32 v7, v10;
	v13 =	vmul.f32 v49, v8  }
0x14e: {  	v53 =	vadd.f32 v51, v52;
	v7 =	vmul.f32 v7, v8;
	v6 =	vmul.f32 v49, v10  }
0x14f: {  	v58 =	vsub.f32 v57, v13;
	v59 =	vmul.f32 v0, v50;
	v60 =	vmul.f32 v54, v2  }
0x150: {  	[tilespmem:s10+$0xC2F0] =	vst v53;
	v6 =	vadd.f32 v6, v7;
	v0 =	vmul.f32 v0, v2;
	v2 =	vmul.f32 v54, v50  }
0x151: {  	[tilespmem:s10+$0xC280] =	vst v58;
	v63 =	vmul.f32 v56, v3;
	v61 =	vsub.f32 v59, v60;
	v62 =	vmul.f32 v1, v55  }
0x152: {  	[tilespmem:s10+$0xC2C0] =	vst v6;
	v0 =	vadd.f32 v2, v0;
	v1 =	vmul.f32 v1, v3;
	v2 =	vmul.f32 v56, v55  }
0x153: {  	[tilespmem:s10+$0xC290] =	vst v61;
	v3 =	vsub.f32 v62, v63  }
0x154: {  	[tilespmem:s10+$0xC2D0] =	vst v0;
	v0 =	vadd.f32 v2, v1  }
0x155: {  	[tilespmem:s10+$0xC2A0] =	vst v3  }
0x156: {  	s14 =	rddreg [dreg:$0xc];
	s9 =	simm.s32 $0x0;
	[tilespmem:s10+$0xC2E0] =	vst v0  }
0x157: {  	[hbm4b:s14+s9] =	stream.linear.scatter [tilespmem:s30], [sflag:$0x7], $0x2000, $0x38;
	[tilespmem:$0x10280] =	vst v63  }
0x158: {  	s15 =	rddreg [dreg:$0xd];
	s10 =	simm.s32 $0x100  }
0x159: {  	[tilespmem:s24], [sflag:$0x1] =	stream.linear.gather [hbm4b:s15+s9], $0x2000, $0x38;
	[tilespmem:$0x10280] =	vst v63  }
0x15a: {  	s11 =	simm.s32 $0x200;
	v0 =	vld [tilespmem:s10+$0x0]  }
.LBB2_22:
0x15b: {  	p0 =	sne.s32 s11, $0x7E00;
	_ =	sdelay $0x3  }
0x15c: {  	(v2sf) =	vpush v0, $0x0;
	_ =	sdelay $0xe  }
0x15d: {  	s12 =	spop (v2sf)  }
0x15e: {  	s13 =	sshra.s32 s9, $0x2;
	s12 =	sshll.u32 s12, $0x4  }
0x15f: {  	s9 =	smov.u32 s11;
	s14 =	sadd.s32 $0x4280, s13;
	s12 =	sand.u32 $0x1FFFFFF0, s12  }
.Ltmp10:
0x160: {  	s15 =	sadd.s32 s3, s12;
	s12 =	sadd.s32 s4, s12;
	(pc) =	sbr.rel @p0 .LBB2_22-.Ltmp10, $4  }
0x161: {  	[tilespmem:s14], [sflag:$0x3] =	stream.linear.gather [hbm4b:s15+s1], $0x80, $0x38;
	[tilespmem:$0x10280] =	vst v63  }
0x162: {  	s10 =	sadd.s32 $0x1, s10;
	s13 =	sadd.s32 $0x8280, s13  }
0x163: {  	[tilespmem:s13], [sflag:$0x5] =	stream.linear.gather [hbm4b:s12+s1], $0x80, $0x38;
	[tilespmem:$0x10280] =	vst v63  }
0x164: {  	s11 =	sadd.s32 $0x200, s11;
	v0 =	vld [tilespmem:s10+$0x0]  }
0x165: {  	_ =	sdelay $0x3  }
0x166: {  	(v2sf) =	vpush v0, $0x0;
	_ =	sdelay $0xe  }
0x167: {  	s10 =	spop (v2sf)  }
0x168: {  	s10 =	sshll.u32 s10, $0x4  }
0x169: {  	s9 =	sshra.s32 s9, $0x2;
	s10 =	sand.u32 $0x1FFFFFF0, s10  }
0x16a: {  	s11 =	sadd.s32 $0x4280, s9;
	s12 =	sadd.s32 s3, s10  }
0x16b: {  	[tilespmem:s11], [sflag:$0x3] =	stream.linear.gather [hbm4b:s12+s1], $0x80, $0x38;
	[tilespmem:$0x10280] =	vst v63  }
0x16c: {  	s9 =	sadd.s32 $0x8280, s9;
	s10 =	sadd.s32 s4, s10  }
0x16d: {  	[tilespmem:s9], [sflag:$0x5] =	stream.linear.gather [hbm4b:s10+s1], $0x80, $0x38;
	[tilespmem:$0x10280] =	vst v63  }
0x16e: {  	_ =	swait.ge [sflag:s31], $0x2000  }
0x16f: {  	[sflag:s31] =	ssyncset.done $0x0  }
0x170: {  	[sflag:s31] =	ssyncadd.s32 $0xFFFFE000  }
0x171: {  	_ =	swait.ge [sflag:s0], $0x80  }
0x172: {  	[sflag:s0] =	ssyncset.done $0x0  }
0x173: {  	[sflag:s0] =	ssyncadd.s32 $0xFFFFFF80  }
0x174: {  	_ =	swait.ge [sflag:s2], $0x80  }
0x175: {  	s9 =	simm.s32 $0x3F;
	[sflag:s2] =	ssyncset.done $0x0  }
.LBB2_24:
0x176: {  	p0 =	sne.s32 s9, $0x1;
	s9 =	sadd.s32 $0xFFFFFFFF, s9;
	[sflag:s2] =	ssyncadd.s32 $0xFFFFFF80  }
.Ltmp11:
0x177: {  	_ =	swait.ge [sflag:s0], $0x80;
	(pc) =	sbr.rel @p0 .LBB2_24-.Ltmp11, $4  }
0x178: {  	[sflag:s0] =	ssyncset.done $0x0  }
0x179: {  	[sflag:s0] =	ssyncadd.s32 $0xFFFFFF80  }
0x17a: {  	_ =	swait.ge [sflag:s2], $0x80  }
0x17b: {  	[sflag:s2] =	ssyncset.done $0x0  }
0x17c: {  	[sflag:s2] =	ssyncadd.s32 $0xFFFFFF80  }
0x17d: {  	_ =	swait.ge [sflag:s7], $0x2000  }
0x17e: {  	[sflag:s7] =	ssyncset.done $0x0  }
0x17f: {  	s9 =	simm.s32 $0x0;
	[sflag:s7] =	ssyncadd.s32 $0xFFFFE000  }
0x180: {  	v0 =	vld [tilespmem:s9+$0x22B0]  }
0x181: {  	v1 =	vld [tilespmem:s9+$0x22F0]  }
0x182: {  	v2 =	vld [tilespmem:s9+$0x62B0]  }
0x183: {  	v3 =	vld [tilespmem:s9+$0xA2B0]  }
0x184: {  	v4 =	vld [tilespmem:s9+$0x2280]  }
0x185: {  	v6 =	vld [tilespmem:s9+$0x22C0]  }
0x186: {  	v7 =	vld [tilespmem:s9+$0x6280]  }
0x187: {  	v8 =	vld [tilespmem:s9+$0xA280]  }
0x188: {  	v9 =	vld [tilespmem:s9+$0x2290];
	v5 =	vmul.f32 v3, v0;
	v10 =	vmul.f32 v2, v1  }
0x189: {  	v11 =	vld [tilespmem:s9+$0x22D0]  }
0x18a: {  	v12 =	vld [tilespmem:s9+$0x6290];
	v1 =	vmul.f32 v3, v1;
	v3 =	vadd.f32 v5, v10  }
0x18b: {  	v2 =	vmul.f32 v2, v0;
	v10 =	vld [tilespmem:s9+$0xA290]  }
0x18c: {  	v0 =	vld [tilespmem:s9+$0x22A0];
	v13 =	vmul.f32 v8, v6;
	[tilespmem:s9+$0xE2F0] =	vst v3;
	v3 =	vmul.f32 v7, v4  }
0x18d: {  	v1 =	vsub.f32 v2, v1;
	v2 =	vld [tilespmem:s9+$0x22E0];
	v7 =	vmul.f32 v7, v6;
	v4 =	vmul.f32 v8, v4  }
0x18e: {  	v5 =	vld [tilespmem:s9+$0x62A0];
	v3 =	vsub.f32 v3, v13  }
0x18f: {  	s10 =	simm.s32 $0x80;
	[tilespmem:s9+$0xE2B0] =	vst v1;
	v6 =	vld [tilespmem:s9+$0xA2A0];
	v4 =	vadd.f32 v4, v7;
	v7 =	vmul.f32 v12, v9;
	v12 =	vmul.f32 v12, v11  }
0x190: {  	v1 =	vld [tilespmem:s10+$0x22B0];
	v8 =	vmul.f32 v10, v11;
	v9 =	vmul.f32 v10, v9;
	[tilespmem:s9+$0xE280] =	vst v3  }
0x191: {  	v3 =	vld [tilespmem:s10+$0x22F0];
	[tilespmem:s9+$0xE2C0] =	vst v4  }
0x192: {  	s11 =	simm.s32 $0x400;
	v8 =	vsub.f32 v7, v8;
	v7 =	vadd.f32 v9, v12;
	v4 =	vld [tilespmem:s10+$0x62B0]  }
.LBB2_26:
0x193: {  	p0 =	sne.s32 s11, $0x7E00;
	v9 =	vld [tilespmem:s10+$0xA2B0];
	v10 =	vmul.f32 v5, v0;
	v5 =	vmul.f32 v5, v2  }
0x194: {  	v11 =	vld [tilespmem:s10+$0x2280];
	[tilespmem:s9+$0xE290] =	vst v8;
	v2 =	vmul.f32 v6, v2;
	v0 =	vmul.f32 v6, v0  }
0x195: {  	v6 =	vld [tilespmem:s10+$0x22C0];
	[tilespmem:s9+$0xE2D0] =	vst v7  }
0x196: {  	v7 =	vld [tilespmem:s10+$0x6280];
	v2 =	vsub.f32 v10, v2;
	v0 =	vadd.f32 v0, v5  }
0x197: {  	v5 =	vld [tilespmem:s10+$0xA280];
	v8 =	vmul.f32 v4, v1  }
0x198: {  	v4 =	vmul.f32 v4, v3;
	v10 =	vld [tilespmem:s10+$0x2290];
	v1 =	vmul.f32 v9, v1;
	[tilespmem:s9+$0xE2A0] =	vst v2  }
0x199: {  	v2 =	vmul.f32 v9, v3;
	v12 =	vld [tilespmem:s10+$0x22D0];
	[tilespmem:s9+$0xE2E0] =	vst v0;
	s9 =	smov.u32 s10  }
0x19a: {  	v3 =	vld [tilespmem:s9+$0x6290];
	v1 =	vadd.f32 v1, v4  }
0x19b: {  	v8 =	vsub.f32 v8, v2;
	v4 =	vmul.f32 v7, v11;
	v7 =	vmul.f32 v7, v6;
	v9 =	vld [tilespmem:s9+$0xA290]  }
0x19c: {  	v6 =	vmul.f32 v5, v6;
	v5 =	vmul.f32 v5, v11;
	v0 =	vld [tilespmem:s9+$0x22A0];
	[tilespmem:s9+$0xE2F0] =	vst v1  }
0x19d: {  	v2 =	vld [tilespmem:s9+$0x22E0];
	[tilespmem:s9+$0xE2B0] =	vst v8  }
.Ltmp12:
0x19e: {  	v4 =	vsub.f32 v4, v6;
	v7 =	vadd.f32 v5, v7;
	v5 =	vld [tilespmem:s9+$0x62A0];
	(pc) =	sbr.rel @p0 .LBB2_26-.Ltmp12, $4  }
0x19f: {  	s10 =	sshra.s32 s11, $0x2;
	v8 =	vmul.f32 v3, v10;
	v11 =	vmul.f32 v3, v12;
	v6 =	vld [tilespmem:s9+$0xA2A0]  }
0x1a0: {  	v1 =	vld [tilespmem:s10+$0x22B0];
	[tilespmem:s9+$0xE280] =	vst v4;
	v12 =	vmul.f32 v9, v12;
	v9 =	vmul.f32 v9, v10  }
0x1a1: {  	v3 =	vld [tilespmem:s10+$0x22F0];
	[tilespmem:s9+$0xE2C0] =	vst v7  }
0x1a2: {  	s11 =	sadd.s32 $0x200, s11;
	v4 =	vld [tilespmem:s10+$0x62B0];
	v8 =	vsub.f32 v8, v12;
	v7 =	vadd.f32 v9, v11  }
0x1a3: {  	v9 =	vld [tilespmem:s10+$0xA2B0]  }
0x1a4: {  	v10 =	vld [tilespmem:s10+$0x2280];
	v11 =	vmul.f32 v5, v0;
	[tilespmem:s9+$0xE290] =	vst v8;
	v12 =	vmul.f32 v6, v2  }
0x1a5: {  	v2 =	vmul.f32 v5, v2;
	v0 =	vmul.f32 v6, v0;
	v8 =	vld [tilespmem:s10+$0x22C0];
	[tilespmem:s9+$0xE2D0] =	vst v7  }
0x1a6: {  	v7 =	vld [tilespmem:s10+$0x6280];
	v48 =	vsub.f32 v11, v12  }
0x1a7: {  	v49 =	vld [tilespmem:s10+$0xA280];
	v0 =	vadd.f32 v0, v2  }
0x1a8: {  	v50 =	vld [tilespmem:s10+$0x2290];
	[tilespmem:s9+$0xE2A0] =	vst v48  }
0x1a9: {  	v2 =	vld [tilespmem:s10+$0x22D0];
	[tilespmem:s9+$0xE2E0] =	vst v0  }
0x1aa: {  	v52 =	vmul.f32 v4, v3;
	v51 =	vmul.f32 v9, v1;
	v0 =	vld [tilespmem:s10+$0x6290]  }
0x1ab: {  	v1 =	vmul.f32 v4, v1;
	v3 =	vmul.f32 v9, v3;
	v54 =	vld [tilespmem:s10+$0xA290]  }
0x1ac: {  	v55 =	vld [tilespmem:s10+$0x22A0]  }
0x1ad: {  	v1 =	vsub.f32 v1, v3;
	v3 =	vld [tilespmem:s10+$0x22E0]  }
0x1ae: {  	v56 =	vld [tilespmem:s10+$0xA2A0]  }
0x1af: {  	[tilespmem:s10+$0xE2B0] =	vst v1;
	v1 =	vld [tilespmem:s10+$0x62A0]  }
0x1b0: {  	v57 =	vmul.f32 v7, v10;
	v13 =	vmul.f32 v49, v8  }
0x1b1: {  	v53 =	vadd.f32 v51, v52;
	v7 =	vmul.f32 v7, v8;
	v6 =	vmul.f32 v49, v10  }
0x1b2: {  	v58 =	vsub.f32 v57, v13;
	v59 =	vmul.f32 v0, v50;
	v60 =	vmul.f32 v54, v2  }
0x1b3: {  	[tilespmem:s10+$0xE2F0] =	vst v53;
	v6 =	vadd.f32 v6, v7;
	v0 =	vmul.f32 v0, v2;
	v2 =	vmul.f32 v54, v50  }
0x1b4: {  	[tilespmem:s10+$0xE280] =	vst v58;
	v63 =	vmul.f32 v56, v3;
	v61 =	vsub.f32 v59, v60;
	v62 =	vmul.f32 v1, v55  }
0x1b5: {  	[tilespmem:s10+$0xE2C0] =	vst v6;
	v0 =	vadd.f32 v2, v0;
	v1 =	vmul.f32 v1, v3;
	v2 =	vmul.f32 v56, v55  }
0x1b6: {  	[tilespmem:s10+$0xE290] =	vst v61;
	v3 =	vsub.f32 v62, v63  }
0x1b7: {  	[tilespmem:s10+$0xE2D0] =	vst v0;
	v0 =	vadd.f32 v2, v1  }
0x1b8: {  	[tilespmem:s10+$0xE2A0] =	vst v3  }
0x1b9: {  	s14 =	rddreg [dreg:$0xe];
	s9 =	simm.s32 $0x0;
	[tilespmem:s10+$0xE2E0] =	vst v0  }
0x1ba: {  	[hbm4b:s14+s9] =	stream.linear.scatter [tilespmem:s5], [sflag:$0x8], $0x2000, $0x38;
	[tilespmem:$0x10280] =	vst v63  }
0x1bb: {  	s15 =	rddreg [dreg:$0xf];
	s10 =	simm.s32 $0x140  }
0x1bc: {  	[tilespmem:s25], [sflag:$0x2] =	stream.linear.gather [hbm4b:s15+s9], $0x2000, $0x38;
	[tilespmem:$0x10280] =	vst v63  }
0x1bd: {  	s11 =	simm.s32 $0x200;
	v0 =	vld [tilespmem:s10+$0x0]  }
.LBB2_28:
0x1be: {  	p0 =	sne.s32 s11, $0x7E00;
	_ =	sdelay $0x3  }
0x1bf: {  	(v2sf) =	vpush v0, $0x0;
	_ =	sdelay $0xe  }
0x1c0: {  	s12 =	spop (v2sf)  }
0x1c1: {  	s13 =	sshra.s32 s9, $0x2;
	s12 =	sshll.u32 s12, $0x4  }
0x1c2: {  	s9 =	smov.u32 s11;
	s14 =	sadd.s32 $0x6280, s13;
	s12 =	sand.u32 $0x1FFFFFF0, s12  }
.Ltmp13:
0x1c3: {  	s15 =	sadd.s32 s3, s12;
	s12 =	sadd.s32 s4, s12;
	(pc) =	sbr.rel @p0 .LBB2_28-.Ltmp13, $4  }
0x1c4: {  	[tilespmem:s14], [sflag:$0x4] =	stream.linear.gather [hbm4b:s15+s1], $0x80, $0x38;
	[tilespmem:$0x10280] =	vst v63  }
0x1c5: {  	s10 =	sadd.s32 $0x1, s10;
	s13 =	sadd.s32 $0xA280, s13  }
0x1c6: {  	[tilespmem:s13], [sflag:$0x6] =	stream.linear.gather [hbm4b:s12+s1], $0x80, $0x38;
	[tilespmem:$0x10280] =	vst v63  }
0x1c7: {  	s11 =	sadd.s32 $0x200, s11;
	v0 =	vld [tilespmem:s10+$0x0]  }
0x1c8: {  	_ =	sdelay $0x3  }
0x1c9: {  	(v2sf) =	vpush v0, $0x0;
	_ =	sdelay $0xe  }
0x1ca: {  	s10 =	spop (v2sf)  }
0x1cb: {  	s10 =	sshll.u32 s10, $0x4  }
0x1cc: {  	s9 =	sshra.s32 s9, $0x2;
	s10 =	sand.u32 $0x1FFFFFF0, s10  }
0x1cd: {  	s11 =	sadd.s32 $0x6280, s9;
	s12 =	sadd.s32 s3, s10  }
0x1ce: {  	[tilespmem:s11], [sflag:$0x4] =	stream.linear.gather [hbm4b:s12+s1], $0x80, $0x38;
	[tilespmem:$0x10280] =	vst v63  }
0x1cf: {  	s9 =	sadd.s32 $0xA280, s9;
	s10 =	sadd.s32 s4, s10  }
0x1d0: {  	[tilespmem:s9], [sflag:$0x6] =	stream.linear.gather [hbm4b:s10+s1], $0x80, $0x38;
	[tilespmem:$0x10280] =	vst v63  }
0x1d1: {  	_ =	swait.ge [sflag:s26], $0x2000  }
0x1d2: {  	[sflag:s26] =	ssyncset.done $0x0  }
0x1d3: {  	[sflag:s26] =	ssyncadd.s32 $0xFFFFE000  }
0x1d4: {  	_ =	swait.ge [sflag:s28], $0x80  }
0x1d5: {  	[sflag:s28] =	ssyncset.done $0x0  }
0x1d6: {  	[sflag:s28] =	ssyncadd.s32 $0xFFFFFF80  }
0x1d7: {  	_ =	swait.ge [sflag:s29], $0x80  }
0x1d8: {  	s9 =	simm.s32 $0x3F;
	[sflag:s29] =	ssyncset.done $0x0  }
.LBB2_30:
0x1d9: {  	p0 =	sne.s32 s9, $0x1;
	s9 =	sadd.s32 $0xFFFFFFFF, s9;
	[sflag:s29] =	ssyncadd.s32 $0xFFFFFF80  }
.Ltmp14:
0x1da: {  	_ =	swait.ge [sflag:s28], $0x80;
	(pc) =	sbr.rel @p0 .LBB2_30-.Ltmp14, $4  }
0x1db: {  	[sflag:s28] =	ssyncset.done $0x0  }
0x1dc: {  	[sflag:s28] =	ssyncadd.s32 $0xFFFFFF80  }
0x1dd: {  	_ =	swait.ge [sflag:s29], $0x80  }
0x1de: {  	[sflag:s29] =	ssyncset.done $0x0  }
0x1df: {  	[sflag:s29] =	ssyncadd.s32 $0xFFFFFF80  }
0x1e0: {  	_ =	swait.ge [sflag:s6], $0x2000  }
0x1e1: {  	[sflag:s6] =	ssyncset.done $0x0  }
0x1e2: {  	s9 =	simm.s32 $0x0;
	[sflag:s6] =	ssyncadd.s32 $0xFFFFE000  }
0x1e3: {  	v0 =	vld [tilespmem:s9+$0x2B0]  }
0x1e4: {  	v1 =	vld [tilespmem:s9+$0x2F0]  }
0x1e5: {  	v2 =	vld [tilespmem:s9+$0x42B0]  }
0x1e6: {  	v3 =	vld [tilespmem:s9+$0x82B0]  }
0x1e7: {  	v4 =	vld [tilespmem:s9+$0x280]  }
0x1e8: {  	v6 =	vld [tilespmem:s9+$0x2C0]  }
0x1e9: {  	v7 =	vld [tilespmem:s9+$0x4280]  }
0x1ea: {  	v8 =	vld [tilespmem:s9+$0x8280]  }
0x1eb: {  	v9 =	vld [tilespmem:s9+$0x290];
	v5 =	vmul.f32 v3, v0;
	v10 =	vmul.f32 v2, v1  }
0x1ec: {  	v11 =	vld [tilespmem:s9+$0x2D0]  }
0x1ed: {  	v12 =	vld [tilespmem:s9+$0x4290];
	v1 =	vmul.f32 v3, v1;
	v3 =	vadd.f32 v5, v10  }
0x1ee: {  	v2 =	vmul.f32 v2, v0;
	v10 =	vld [tilespmem:s9+$0x8290]  }
0x1ef: {  	v0 =	vld [tilespmem:s9+$0x2A0];
	v13 =	vmul.f32 v8, v6;
	[tilespmem:s9+$0xC2F0] =	vst v3;
	v3 =	vmul.f32 v7, v4  }
0x1f0: {  	v1 =	vsub.f32 v2, v1;
	v2 =	vld [tilespmem:s9+$0x2E0];
	v7 =	vmul.f32 v7, v6;
	v4 =	vmul.f32 v8, v4  }
0x1f1: {  	v5 =	vld [tilespmem:s9+$0x42A0];
	v3 =	vsub.f32 v3, v13  }
0x1f2: {  	s10 =	simm.s32 $0x80;
	[tilespmem:s9+$0xC2B0] =	vst v1;
	v6 =	vld [tilespmem:s9+$0x82A0];
	v4 =	vadd.f32 v4, v7;
	v7 =	vmul.f32 v12, v9;
	v12 =	vmul.f32 v12, v11  }
0x1f3: {  	v1 =	vld [tilespmem:s10+$0x2B0];
	v8 =	vmul.f32 v10, v11;
	v9 =	vmul.f32 v10, v9;
	[tilespmem:s9+$0xC280] =	vst v3  }
0x1f4: {  	v3 =	vld [tilespmem:s10+$0x2F0];
	[tilespmem:s9+$0xC2C0] =	vst v4  }
0x1f5: {  	s11 =	simm.s32 $0x400;
	v8 =	vsub.f32 v7, v8;
	v7 =	vadd.f32 v9, v12;
	v4 =	vld [tilespmem:s10+$0x42B0]  }
.LBB2_32:
0x1f6: {  	p0 =	sne.s32 s11, $0x7E00;
	v9 =	vld [tilespmem:s10+$0x82B0];
	v10 =	vmul.f32 v5, v0;
	v5 =	vmul.f32 v5, v2  }
0x1f7: {  	v11 =	vld [tilespmem:s10+$0x280];
	[tilespmem:s9+$0xC290] =	vst v8;
	v2 =	vmul.f32 v6, v2;
	v0 =	vmul.f32 v6, v0  }
0x1f8: {  	v6 =	vld [tilespmem:s10+$0x2C0];
	[tilespmem:s9+$0xC2D0] =	vst v7  }
0x1f9: {  	v7 =	vld [tilespmem:s10+$0x4280];
	v2 =	vsub.f32 v10, v2;
	v0 =	vadd.f32 v0, v5  }
0x1fa: {  	v5 =	vld [tilespmem:s10+$0x8280];
	v8 =	vmul.f32 v4, v1  }
0x1fb: {  	v4 =	vmul.f32 v4, v3;
	v10 =	vld [tilespmem:s10+$0x290];
	v1 =	vmul.f32 v9, v1;
	[tilespmem:s9+$0xC2A0] =	vst v2  }
0x1fc: {  	v2 =	vmul.f32 v9, v3;
	v12 =	vld [tilespmem:s10+$0x2D0];
	[tilespmem:s9+$0xC2E0] =	vst v0;
	s9 =	smov.u32 s10  }
0x1fd: {  	v3 =	vld [tilespmem:s9+$0x4290];
	v1 =	vadd.f32 v1, v4  }
0x1fe: {  	v8 =	vsub.f32 v8, v2;
	v4 =	vmul.f32 v7, v11;
	v7 =	vmul.f32 v7, v6;
	v9 =	vld [tilespmem:s9+$0x8290]  }
0x1ff: {  	v6 =	vmul.f32 v5, v6;
	v5 =	vmul.f32 v5, v11;
	v0 =	vld [tilespmem:s9+$0x2A0];
	[tilespmem:s9+$0xC2F0] =	vst v1  }
0x200: {  	v2 =	vld [tilespmem:s9+$0x2E0];
	[tilespmem:s9+$0xC2B0] =	vst v8  }
.Ltmp15:
0x201: {  	v4 =	vsub.f32 v4, v6;
	v7 =	vadd.f32 v5, v7;
	v5 =	vld [tilespmem:s9+$0x42A0];
	(pc) =	sbr.rel @p0 .LBB2_32-.Ltmp15, $4  }
0x202: {  	s10 =	sshra.s32 s11, $0x2;
	v8 =	vmul.f32 v3, v10;
	v11 =	vmul.f32 v3, v12;
	v6 =	vld [tilespmem:s9+$0x82A0]  }
0x203: {  	v1 =	vld [tilespmem:s10+$0x2B0];
	[tilespmem:s9+$0xC280] =	vst v4;
	v12 =	vmul.f32 v9, v12;
	v9 =	vmul.f32 v9, v10  }
0x204: {  	v3 =	vld [tilespmem:s10+$0x2F0];
	[tilespmem:s9+$0xC2C0] =	vst v7  }
0x205: {  	s11 =	sadd.s32 $0x200, s11;
	v4 =	vld [tilespmem:s10+$0x42B0];
	v8 =	vsub.f32 v8, v12;
	v7 =	vadd.f32 v9, v11  }
0x206: {  	v9 =	vld [tilespmem:s10+$0x82B0]  }
0x207: {  	v10 =	vld [tilespmem:s10+$0x280];
	v11 =	vmul.f32 v5, v0;
	[tilespmem:s9+$0xC290] =	vst v8;
	v12 =	vmul.f32 v6, v2  }
0x208: {  	v2 =	vmul.f32 v5, v2;
	v0 =	vmul.f32 v6, v0;
	v8 =	vld [tilespmem:s10+$0x2C0];
	[tilespmem:s9+$0xC2D0] =	vst v7  }
0x209: {  	v7 =	vld [tilespmem:s10+$0x4280];
	v48 =	vsub.f32 v11, v12  }
0x20a: {  	v49 =	vld [tilespmem:s10+$0x8280];
	v0 =	vadd.f32 v0, v2  }
0x20b: {  	v50 =	vld [tilespmem:s10+$0x290];
	[tilespmem:s9+$0xC2A0] =	vst v48  }
0x20c: {  	v2 =	vld [tilespmem:s10+$0x2D0];
	[tilespmem:s9+$0xC2E0] =	vst v0  }
0x20d: {  	v52 =	vmul.f32 v4, v3;
	v51 =	vmul.f32 v9, v1;
	v0 =	vld [tilespmem:s10+$0x4290]  }
0x20e: {  	v1 =	vmul.f32 v4, v1;
	v3 =	vmul.f32 v9, v3;
	v54 =	vld [tilespmem:s10+$0x8290]  }
0x20f: {  	v55 =	vld [tilespmem:s10+$0x2A0]  }
0x210: {  	v1 =	vsub.f32 v1, v3;
	v3 =	vld [tilespmem:s10+$0x2E0]  }
0x211: {  	v56 =	vld [tilespmem:s10+$0x82A0]  }
0x212: {  	[tilespmem:s10+$0xC2B0] =	vst v1;
	v1 =	vld [tilespmem:s10+$0x42A0]  }
0x213: {  	v57 =	vmul.f32 v7, v10;
	v13 =	vmul.f32 v49, v8  }
0x214: {  	v53 =	vadd.f32 v51, v52;
	v7 =	vmul.f32 v7, v8;
	v6 =	vmul.f32 v49, v10  }
0x215: {  	v58 =	vsub.f32 v57, v13;
	v59 =	vmul.f32 v0, v50;
	v60 =	vmul.f32 v54, v2  }
0x216: {  	[tilespmem:s10+$0xC2F0] =	vst v53;
	v6 =	vadd.f32 v6, v7;
	v0 =	vmul.f32 v0, v2;
	v2 =	vmul.f32 v54, v50  }
0x217: {  	[tilespmem:s10+$0xC280] =	vst v58;
	v63 =	vmul.f32 v56, v3;
	v61 =	vsub.f32 v59, v60;
	v62 =	vmul.f32 v1, v55  }
0x218: {  	[tilespmem:s10+$0xC2C0] =	vst v6;
	v0 =	vadd.f32 v2, v0;
	v1 =	vmul.f32 v1, v3;
	v2 =	vmul.f32 v56, v55  }
0x219: {  	[tilespmem:s10+$0xC290] =	vst v61;
	v3 =	vsub.f32 v62, v63  }
0x21a: {  	[tilespmem:s10+$0xC2D0] =	vst v0;
	v0 =	vadd.f32 v2, v1  }
0x21b: {  	[tilespmem:s10+$0xC2A0] =	vst v3  }
0x21c: {  	s9 =	simm.s32 $0x0;
	[tilespmem:s10+$0xC2E0] =	vst v0  }
0x21d: {  	[hbm4b:s16+s9] =	stream.linear.scatter [tilespmem:s30], [sflag:$0x7], $0x2000, $0x38;
	[tilespmem:$0x10280] =	vst v63  }
0x21e: {  	s10 =	simm.s32 $0x180  }
0x21f: {  	[tilespmem:s24], [sflag:$0x1] =	stream.linear.gather [hbm4b:s17+s9], $0x2000, $0x38;
	[tilespmem:$0x10280] =	vst v63  }
0x220: {  	s11 =	simm.s32 $0x200;
	v0 =	vld [tilespmem:s10+$0x0]  }
.LBB2_34:
0x221: {  	p0 =	sne.s32 s11, $0x7E00;
	_ =	sdelay $0x3  }
0x222: {  	(v2sf) =	vpush v0, $0x0;
	_ =	sdelay $0xe  }
0x223: {  	s12 =	spop (v2sf)  }
0x224: {  	s13 =	sshra.s32 s9, $0x2;
	s12 =	sshll.u32 s12, $0x4  }
0x225: {  	s9 =	smov.u32 s11;
	s14 =	sadd.s32 $0x4280, s13;
	s12 =	sand.u32 $0x1FFFFFF0, s12  }
.Ltmp16:
0x226: {  	s15 =	sadd.s32 s3, s12;
	s12 =	sadd.s32 s4, s12;
	(pc) =	sbr.rel @p0 .LBB2_34-.Ltmp16, $4  }
0x227: {  	[tilespmem:s14], [sflag:$0x3] =	stream.linear.gather [hbm4b:s15+s1], $0x80, $0x38;
	[tilespmem:$0x10280] =	vst v63  }
0x228: {  	s10 =	sadd.s32 $0x1, s10;
	s13 =	sadd.s32 $0x8280, s13  }
0x229: {  	[tilespmem:s13], [sflag:$0x5] =	stream.linear.gather [hbm4b:s12+s1], $0x80, $0x38;
	[tilespmem:$0x10280] =	vst v63  }
0x22a: {  	s11 =	sadd.s32 $0x200, s11;
	v0 =	vld [tilespmem:s10+$0x0]  }
0x22b: {  	_ =	sdelay $0x3  }
0x22c: {  	(v2sf) =	vpush v0, $0x0;
	_ =	sdelay $0xe  }
0x22d: {  	s10 =	spop (v2sf)  }
0x22e: {  	s10 =	sshll.u32 s10, $0x4  }
0x22f: {  	s9 =	sshra.s32 s9, $0x2;
	s10 =	sand.u32 $0x1FFFFFF0, s10  }
0x230: {  	s11 =	sadd.s32 $0x4280, s9;
	s12 =	sadd.s32 s3, s10  }
0x231: {  	[tilespmem:s11], [sflag:$0x3] =	stream.linear.gather [hbm4b:s12+s1], $0x80, $0x38;
	[tilespmem:$0x10280] =	vst v63  }
0x232: {  	s9 =	sadd.s32 $0x8280, s9;
	s10 =	sadd.s32 s4, s10  }
0x233: {  	[tilespmem:s9], [sflag:$0x5] =	stream.linear.gather [hbm4b:s10+s1], $0x80, $0x38;
	[tilespmem:$0x10280] =	vst v63  }
0x234: {  	_ =	swait.ge [sflag:s31], $0x2000  }
0x235: {  	[sflag:s31] =	ssyncset.done $0x0  }
0x236: {  	[sflag:s31] =	ssyncadd.s32 $0xFFFFE000  }
0x237: {  	_ =	swait.ge [sflag:s0], $0x80  }
0x238: {  	[sflag:s0] =	ssyncset.done $0x0  }
0x239: {  	[sflag:s0] =	ssyncadd.s32 $0xFFFFFF80  }
0x23a: {  	_ =	swait.ge [sflag:s2], $0x80  }
0x23b: {  	s9 =	simm.s32 $0x3F;
	[sflag:s2] =	ssyncset.done $0x0  }
.LBB2_36:
0x23c: {  	p0 =	sne.s32 s9, $0x1;
	s9 =	sadd.s32 $0xFFFFFFFF, s9;
	[sflag:s2] =	ssyncadd.s32 $0xFFFFFF80  }
.Ltmp17:
0x23d: {  	_ =	swait.ge [sflag:s0], $0x80;
	(pc) =	sbr.rel @p0 .LBB2_36-.Ltmp17, $4  }
0x23e: {  	[sflag:s0] =	ssyncset.done $0x0  }
0x23f: {  	[sflag:s0] =	ssyncadd.s32 $0xFFFFFF80  }
0x240: {  	_ =	swait.ge [sflag:s2], $0x80  }
0x241: {  	[sflag:s2] =	ssyncset.done $0x0  }
0x242: {  	[sflag:s2] =	ssyncadd.s32 $0xFFFFFF80  }
0x243: {  	_ =	swait.ge [sflag:s7], $0x2000  }
0x244: {  	[sflag:s7] =	ssyncset.done $0x0  }
0x245: {  	s9 =	simm.s32 $0x0;
	[sflag:s7] =	ssyncadd.s32 $0xFFFFE000  }
0x246: {  	v0 =	vld [tilespmem:s9+$0x22B0]  }
0x247: {  	v1 =	vld [tilespmem:s9+$0x22F0]  }
0x248: {  	v2 =	vld [tilespmem:s9+$0x62B0]  }
0x249: {  	v3 =	vld [tilespmem:s9+$0xA2B0]  }
0x24a: {  	v4 =	vld [tilespmem:s9+$0x2280]  }
0x24b: {  	v6 =	vld [tilespmem:s9+$0x22C0]  }
0x24c: {  	v7 =	vld [tilespmem:s9+$0x6280]  }
0x24d: {  	v8 =	vld [tilespmem:s9+$0xA280]  }
0x24e: {  	v9 =	vld [tilespmem:s9+$0x2290];
	v5 =	vmul.f32 v3, v0;
	v10 =	vmul.f32 v2, v1  }
0x24f: {  	v11 =	vld [tilespmem:s9+$0x22D0]  }
0x250: {  	v12 =	vld [tilespmem:s9+$0x6290];
	v1 =	vmul.f32 v3, v1;
	v3 =	vadd.f32 v5, v10  }
0x251: {  	v2 =	vmul.f32 v2, v0;
	v10 =	vld [tilespmem:s9+$0xA290]  }
0x252: {  	v0 =	vld [tilespmem:s9+$0x22A0];
	v13 =	vmul.f32 v8, v6;
	[tilespmem:s9+$0xE2F0] =	vst v3;
	v3 =	vmul.f32 v7, v4  }
0x253: {  	v1 =	vsub.f32 v2, v1;
	v2 =	vld [tilespmem:s9+$0x22E0];
	v7 =	vmul.f32 v7, v6;
	v4 =	vmul.f32 v8, v4  }
0x254: {  	v5 =	vld [tilespmem:s9+$0x62A0];
	v3 =	vsub.f32 v3, v13  }
0x255: {  	s10 =	simm.s32 $0x80;
	[tilespmem:s9+$0xE2B0] =	vst v1;
	v6 =	vld [tilespmem:s9+$0xA2A0];
	v4 =	vadd.f32 v4, v7;
	v7 =	vmul.f32 v12, v9;
	v12 =	vmul.f32 v12, v11  }
0x256: {  	v1 =	vld [tilespmem:s10+$0x22B0];
	v8 =	vmul.f32 v10, v11;
	v9 =	vmul.f32 v10, v9;
	[tilespmem:s9+$0xE280] =	vst v3  }
0x257: {  	v3 =	vld [tilespmem:s10+$0x22F0];
	[tilespmem:s9+$0xE2C0] =	vst v4  }
0x258: {  	s11 =	simm.s32 $0x400;
	v8 =	vsub.f32 v7, v8;
	v7 =	vadd.f32 v9, v12;
	v4 =	vld [tilespmem:s10+$0x62B0]  }
.LBB2_38:
0x259: {  	p0 =	sne.s32 s11, $0x7E00;
	v9 =	vld [tilespmem:s10+$0xA2B0];
	v10 =	vmul.f32 v5, v0;
	v5 =	vmul.f32 v5, v2  }
0x25a: {  	v11 =	vld [tilespmem:s10+$0x2280];
	[tilespmem:s9+$0xE290] =	vst v8;
	v2 =	vmul.f32 v6, v2;
	v0 =	vmul.f32 v6, v0  }
0x25b: {  	v6 =	vld [tilespmem:s10+$0x22C0];
	[tilespmem:s9+$0xE2D0] =	vst v7  }
0x25c: {  	v7 =	vld [tilespmem:s10+$0x6280];
	v2 =	vsub.f32 v10, v2;
	v0 =	vadd.f32 v0, v5  }
0x25d: {  	v5 =	vld [tilespmem:s10+$0xA280];
	v8 =	vmul.f32 v4, v1  }
0x25e: {  	v4 =	vmul.f32 v4, v3;
	v10 =	vld [tilespmem:s10+$0x2290];
	v1 =	vmul.f32 v9, v1;
	[tilespmem:s9+$0xE2A0] =	vst v2  }
0x25f: {  	v2 =	vmul.f32 v9, v3;
	v12 =	vld [tilespmem:s10+$0x22D0];
	[tilespmem:s9+$0xE2E0] =	vst v0;
	s9 =	smov.u32 s10  }
0x260: {  	v3 =	vld [tilespmem:s9+$0x6290];
	v1 =	vadd.f32 v1, v4  }
0x261: {  	v8 =	vsub.f32 v8, v2;
	v4 =	vmul.f32 v7, v11;
	v7 =	vmul.f32 v7, v6;
	v9 =	vld [tilespmem:s9+$0xA290]  }
0x262: {  	v6 =	vmul.f32 v5, v6;
	v5 =	vmul.f32 v5, v11;
	v0 =	vld [tilespmem:s9+$0x22A0];
	[tilespmem:s9+$0xE2F0] =	vst v1  }
0x263: {  	v2 =	vld [tilespmem:s9+$0x22E0];
	[tilespmem:s9+$0xE2B0] =	vst v8  }
.Ltmp18:
0x264: {  	v4 =	vsub.f32 v4, v6;
	v7 =	vadd.f32 v5, v7;
	v5 =	vld [tilespmem:s9+$0x62A0];
	(pc) =	sbr.rel @p0 .LBB2_38-.Ltmp18, $4  }
0x265: {  	s10 =	sshra.s32 s11, $0x2;
	v8 =	vmul.f32 v3, v10;
	v11 =	vmul.f32 v3, v12;
	v6 =	vld [tilespmem:s9+$0xA2A0]  }
0x266: {  	v1 =	vld [tilespmem:s10+$0x22B0];
	[tilespmem:s9+$0xE280] =	vst v4;
	v12 =	vmul.f32 v9, v12;
	v9 =	vmul.f32 v9, v10  }
0x267: {  	v3 =	vld [tilespmem:s10+$0x22F0];
	[tilespmem:s9+$0xE2C0] =	vst v7  }
0x268: {  	s11 =	sadd.s32 $0x200, s11;
	v4 =	vld [tilespmem:s10+$0x62B0];
	v8 =	vsub.f32 v8, v12;
	v7 =	vadd.f32 v9, v11  }
0x269: {  	v9 =	vld [tilespmem:s10+$0xA2B0]  }
0x26a: {  	v10 =	vld [tilespmem:s10+$0x2280];
	v11 =	vmul.f32 v5, v0;
	[tilespmem:s9+$0xE290] =	vst v8;
	v12 =	vmul.f32 v6, v2  }
0x26b: {  	v2 =	vmul.f32 v5, v2;
	v0 =	vmul.f32 v6, v0;
	v8 =	vld [tilespmem:s10+$0x22C0];
	[tilespmem:s9+$0xE2D0] =	vst v7  }
0x26c: {  	v7 =	vld [tilespmem:s10+$0x6280];
	v48 =	vsub.f32 v11, v12  }
0x26d: {  	v49 =	vld [tilespmem:s10+$0xA280];
	v0 =	vadd.f32 v0, v2  }
0x26e: {  	v50 =	vld [tilespmem:s10+$0x2290];
	[tilespmem:s9+$0xE2A0] =	vst v48  }
0x26f: {  	v2 =	vld [tilespmem:s10+$0x22D0];
	[tilespmem:s9+$0xE2E0] =	vst v0  }
0x270: {  	v52 =	vmul.f32 v4, v3;
	v51 =	vmul.f32 v9, v1;
	v0 =	vld [tilespmem:s10+$0x6290]  }
0x271: {  	v1 =	vmul.f32 v4, v1;
	v3 =	vmul.f32 v9, v3;
	v54 =	vld [tilespmem:s10+$0xA290]  }
0x272: {  	v55 =	vld [tilespmem:s10+$0x22A0]  }
0x273: {  	v1 =	vsub.f32 v1, v3;
	v3 =	vld [tilespmem:s10+$0x22E0]  }
0x274: {  	v56 =	vld [tilespmem:s10+$0xA2A0]  }
0x275: {  	[tilespmem:s10+$0xE2B0] =	vst v1;
	v1 =	vld [tilespmem:s10+$0x62A0]  }
0x276: {  	v57 =	vmul.f32 v7, v10;
	v13 =	vmul.f32 v49, v8  }
0x277: {  	v53 =	vadd.f32 v51, v52;
	v7 =	vmul.f32 v7, v8;
	v6 =	vmul.f32 v49, v10  }
0x278: {  	v58 =	vsub.f32 v57, v13;
	v59 =	vmul.f32 v0, v50;
	v60 =	vmul.f32 v54, v2  }
0x279: {  	[tilespmem:s10+$0xE2F0] =	vst v53;
	v6 =	vadd.f32 v6, v7;
	v0 =	vmul.f32 v0, v2;
	v2 =	vmul.f32 v54, v50  }
0x27a: {  	[tilespmem:s10+$0xE280] =	vst v58;
	v63 =	vmul.f32 v56, v3;
	v61 =	vsub.f32 v59, v60;
	v62 =	vmul.f32 v1, v55  }
0x27b: {  	[tilespmem:s10+$0xE2C0] =	vst v6;
	v0 =	vadd.f32 v2, v0;
	v1 =	vmul.f32 v1, v3;
	v2 =	vmul.f32 v56, v55  }
0x27c: {  	[tilespmem:s10+$0xE290] =	vst v61;
	v3 =	vsub.f32 v62, v63  }
0x27d: {  	[tilespmem:s10+$0xE2D0] =	vst v0;
	v0 =	vadd.f32 v2, v1  }
0x27e: {  	[tilespmem:s10+$0xE2A0] =	vst v3  }
0x27f: {  	s9 =	simm.s32 $0x0;
	[tilespmem:s10+$0xE2E0] =	vst v0  }
0x280: {  	[hbm4b:s18+s9] =	stream.linear.scatter [tilespmem:s5], [sflag:$0x8], $0x2000, $0x38;
	[tilespmem:$0x10280] =	vst v63  }
0x281: {  	s10 =	simm.s32 $0x1C0  }
0x282: {  	[tilespmem:s25], [sflag:$0x2] =	stream.linear.gather [hbm4b:s19+s9], $0x2000, $0x38;
	[tilespmem:$0x10280] =	vst v63  }
0x283: {  	s11 =	simm.s32 $0x200;
	v0 =	vld [tilespmem:s10+$0x0]  }
.LBB2_40:
0x284: {  	p0 =	sne.s32 s11, $0x7E00;
	_ =	sdelay $0x3  }
0x285: {  	(v2sf) =	vpush v0, $0x0;
	_ =	sdelay $0xe  }
0x286: {  	s12 =	spop (v2sf)  }
0x287: {  	s13 =	sshra.s32 s9, $0x2;
	s12 =	sshll.u32 s12, $0x4  }
0x288: {  	s9 =	smov.u32 s11;
	s14 =	sadd.s32 $0x6280, s13;
	s12 =	sand.u32 $0x1FFFFFF0, s12  }
.Ltmp19:
0x289: {  	s15 =	sadd.s32 s3, s12;
	s12 =	sadd.s32 s4, s12;
	(pc) =	sbr.rel @p0 .LBB2_40-.Ltmp19, $4  }
0x28a: {  	[tilespmem:s14], [sflag:$0x4] =	stream.linear.gather [hbm4b:s15+s1], $0x80, $0x38;
	[tilespmem:$0x10280] =	vst v63  }
0x28b: {  	s10 =	sadd.s32 $0x1, s10;
	s13 =	sadd.s32 $0xA280, s13  }
0x28c: {  	[tilespmem:s13], [sflag:$0x6] =	stream.linear.gather [hbm4b:s12+s1], $0x80, $0x38;
	[tilespmem:$0x10280] =	vst v63  }
0x28d: {  	s11 =	sadd.s32 $0x200, s11;
	v0 =	vld [tilespmem:s10+$0x0]  }
0x28e: {  	_ =	sdelay $0x3  }
0x28f: {  	(v2sf) =	vpush v0, $0x0;
	_ =	sdelay $0xe  }
0x290: {  	s10 =	spop (v2sf)  }
0x291: {  	s10 =	sshll.u32 s10, $0x4  }
0x292: {  	s9 =	sshra.s32 s9, $0x2;
	s10 =	sand.u32 $0x1FFFFFF0, s10  }
0x293: {  	s11 =	sadd.s32 $0x6280, s9;
	s12 =	sadd.s32 s3, s10  }
0x294: {  	[tilespmem:s11], [sflag:$0x4] =	stream.linear.gather [hbm4b:s12+s1], $0x80, $0x38;
	[tilespmem:$0x10280] =	vst v63  }
0x295: {  	s9 =	sadd.s32 $0xA280, s9;
	s10 =	sadd.s32 s4, s10  }
0x296: {  	[tilespmem:s9], [sflag:$0x6] =	stream.linear.gather [hbm4b:s10+s1], $0x80, $0x38;
	[tilespmem:$0x10280] =	vst v63  }
0x297: {  	_ =	swait.ge [sflag:s26], $0x2000  }
0x298: {  	[sflag:s26] =	ssyncset.done $0x0  }
0x299: {  	[sflag:s26] =	ssyncadd.s32 $0xFFFFE000  }
0x29a: {  	_ =	swait.ge [sflag:s28], $0x80  }
0x29b: {  	[sflag:s28] =	ssyncset.done $0x0  }
0x29c: {  	[sflag:s28] =	ssyncadd.s32 $0xFFFFFF80  }
0x29d: {  	_ =	swait.ge [sflag:s29], $0x80  }
0x29e: {  	s9 =	simm.s32 $0x3F;
	[sflag:s29] =	ssyncset.done $0x0  }
.LBB2_42:
0x29f: {  	p0 =	sne.s32 s9, $0x1;
	s9 =	sadd.s32 $0xFFFFFFFF, s9;
	[sflag:s29] =	ssyncadd.s32 $0xFFFFFF80  }
.Ltmp20:
0x2a0: {  	_ =	swait.ge [sflag:s28], $0x80;
	(pc) =	sbr.rel @p0 .LBB2_42-.Ltmp20, $4  }
0x2a1: {  	[sflag:s28] =	ssyncset.done $0x0  }
0x2a2: {  	[sflag:s28] =	ssyncadd.s32 $0xFFFFFF80  }
0x2a3: {  	_ =	swait.ge [sflag:s29], $0x80  }
0x2a4: {  	[sflag:s29] =	ssyncset.done $0x0  }
0x2a5: {  	[sflag:s29] =	ssyncadd.s32 $0xFFFFFF80  }
0x2a6: {  	_ =	swait.ge [sflag:s6], $0x2000  }
0x2a7: {  	[sflag:s6] =	ssyncset.done $0x0  }
0x2a8: {  	s9 =	simm.s32 $0x0;
	[sflag:s6] =	ssyncadd.s32 $0xFFFFE000  }
0x2a9: {  	v0 =	vld [tilespmem:s9+$0x2B0]  }
0x2aa: {  	v1 =	vld [tilespmem:s9+$0x2F0]  }
0x2ab: {  	v2 =	vld [tilespmem:s9+$0x42B0]  }
0x2ac: {  	v3 =	vld [tilespmem:s9+$0x82B0]  }
0x2ad: {  	v4 =	vld [tilespmem:s9+$0x280]  }
0x2ae: {  	v6 =	vld [tilespmem:s9+$0x2C0]  }
0x2af: {  	v7 =	vld [tilespmem:s9+$0x4280]  }
0x2b0: {  	v8 =	vld [tilespmem:s9+$0x8280]  }
0x2b1: {  	v9 =	vld [tilespmem:s9+$0x290];
	v5 =	vmul.f32 v3, v0;
	v10 =	vmul.f32 v2, v1  }
0x2b2: {  	v11 =	vld [tilespmem:s9+$0x2D0]  }
0x2b3: {  	v12 =	vld [tilespmem:s9+$0x4290];
	v1 =	vmul.f32 v3, v1;
	v3 =	vadd.f32 v5, v10  }
0x2b4: {  	v2 =	vmul.f32 v2, v0;
	v10 =	vld [tilespmem:s9+$0x8290]  }
0x2b5: {  	v0 =	vld [tilespmem:s9+$0x2A0];
	v13 =	vmul.f32 v8, v6;
	[tilespmem:s9+$0xC2F0] =	vst v3;
	v3 =	vmul.f32 v7, v4  }
0x2b6: {  	v1 =	vsub.f32 v2, v1;
	v2 =	vld [tilespmem:s9+$0x2E0];
	v7 =	vmul.f32 v7, v6;
	v4 =	vmul.f32 v8, v4  }
0x2b7: {  	v5 =	vld [tilespmem:s9+$0x42A0];
	v3 =	vsub.f32 v3, v13  }
0x2b8: {  	s10 =	simm.s32 $0x80;
	[tilespmem:s9+$0xC2B0] =	vst v1;
	v6 =	vld [tilespmem:s9+$0x82A0];
	v4 =	vadd.f32 v4, v7;
	v7 =	vmul.f32 v12, v9;
	v12 =	vmul.f32 v12, v11  }
0x2b9: {  	v1 =	vld [tilespmem:s10+$0x2B0];
	v8 =	vmul.f32 v10, v11;
	v9 =	vmul.f32 v10, v9;
	[tilespmem:s9+$0xC280] =	vst v3  }
0x2ba: {  	v3 =	vld [tilespmem:s10+$0x2F0];
	[tilespmem:s9+$0xC2C0] =	vst v4  }
0x2bb: {  	s11 =	simm.s32 $0x400;
	v8 =	vsub.f32 v7, v8;
	v7 =	vadd.f32 v9, v12;
	v4 =	vld [tilespmem:s10+$0x42B0]  }
.LBB2_44:
0x2bc: {  	p0 =	sne.s32 s11, $0x7E00;
	v9 =	vld [tilespmem:s10+$0x82B0];
	v10 =	vmul.f32 v5, v0;
	v5 =	vmul.f32 v5, v2  }
0x2bd: {  	v11 =	vld [tilespmem:s10+$0x280];
	[tilespmem:s9+$0xC290] =	vst v8;
	v2 =	vmul.f32 v6, v2;
	v0 =	vmul.f32 v6, v0  }
0x2be: {  	v6 =	vld [tilespmem:s10+$0x2C0];
	[tilespmem:s9+$0xC2D0] =	vst v7  }
0x2bf: {  	v7 =	vld [tilespmem:s10+$0x4280];
	v2 =	vsub.f32 v10, v2;
	v0 =	vadd.f32 v0, v5  }
0x2c0: {  	v5 =	vld [tilespmem:s10+$0x8280];
	v8 =	vmul.f32 v4, v1  }
0x2c1: {  	v4 =	vmul.f32 v4, v3;
	v10 =	vld [tilespmem:s10+$0x290];
	v1 =	vmul.f32 v9, v1;
	[tilespmem:s9+$0xC2A0] =	vst v2  }
0x2c2: {  	v2 =	vmul.f32 v9, v3;
	v12 =	vld [tilespmem:s10+$0x2D0];
	[tilespmem:s9+$0xC2E0] =	vst v0;
	s9 =	smov.u32 s10  }
0x2c3: {  	v3 =	vld [tilespmem:s9+$0x4290];
	v1 =	vadd.f32 v1, v4  }
0x2c4: {  	v8 =	vsub.f32 v8, v2;
	v4 =	vmul.f32 v7, v11;
	v7 =	vmul.f32 v7, v6;
	v9 =	vld [tilespmem:s9+$0x8290]  }
0x2c5: {  	v6 =	vmul.f32 v5, v6;
	v5 =	vmul.f32 v5, v11;
	v0 =	vld [tilespmem:s9+$0x2A0];
	[tilespmem:s9+$0xC2F0] =	vst v1  }
0x2c6: {  	v2 =	vld [tilespmem:s9+$0x2E0];
	[tilespmem:s9+$0xC2B0] =	vst v8  }
.Ltmp21:
0x2c7: {  	v4 =	vsub.f32 v4, v6;
	v7 =	vadd.f32 v5, v7;
	v5 =	vld [tilespmem:s9+$0x42A0];
	(pc) =	sbr.rel @p0 .LBB2_44-.Ltmp21, $4  }
0x2c8: {  	s10 =	sshra.s32 s11, $0x2;
	v8 =	vmul.f32 v3, v10;
	v11 =	vmul.f32 v3, v12;
	v6 =	vld [tilespmem:s9+$0x82A0]  }
0x2c9: {  	v1 =	vld [tilespmem:s10+$0x2B0];
	[tilespmem:s9+$0xC280] =	vst v4;
	v12 =	vmul.f32 v9, v12;
	v9 =	vmul.f32 v9, v10  }
0x2ca: {  	v3 =	vld [tilespmem:s10+$0x2F0];
	[tilespmem:s9+$0xC2C0] =	vst v7  }
0x2cb: {  	s11 =	sadd.s32 $0x200, s11;
	v4 =	vld [tilespmem:s10+$0x42B0];
	v8 =	vsub.f32 v8, v12;
	v7 =	vadd.f32 v9, v11  }
0x2cc: {  	v9 =	vld [tilespmem:s10+$0x82B0]  }
0x2cd: {  	v10 =	vld [tilespmem:s10+$0x280];
	v11 =	vmul.f32 v5, v0;
	[tilespmem:s9+$0xC290] =	vst v8;
	v12 =	vmul.f32 v6, v2  }
0x2ce: {  	v37 =	vmul.f32 v5, v2;
	v38 =	vmul.f32 v6, v0;
	v8 =	vld [tilespmem:s10+$0x2C0];
	[tilespmem:s9+$0xC2D0] =	vst v7  }
0x2cf: {  	v7 =	vld [tilespmem:s10+$0x4280];
	v39 =	vsub.f32 v11, v12  }
0x2d0: {  	v40 =	vld [tilespmem:s10+$0x8280];
	v0 =	vadd.f32 v38, v37  }
0x2d1: {  	v41 =	vld [tilespmem:s10+$0x290];
	[tilespmem:s9+$0xC2A0] =	vst v39  }
0x2d2: {  	v42 =	vld [tilespmem:s10+$0x2D0];
	[tilespmem:s9+$0xC2E0] =	vst v0  }
0x2d3: {  	v0 =	vld [tilespmem:s10+$0x4290]  }
0x2d4: {  	v48 =	vld [tilespmem:s10+$0x8290]  }
0x2d5: {  	v49 =	vld [tilespmem:s10+$0x2A0]  }
0x2d6: {  	v50 =	vld [tilespmem:s10+$0x2E0]  }
0x2d7: {  	v44 =	vmul.f32 v4, v3;
	v43 =	vmul.f32 v9, v1;
	v51 =	vld [tilespmem:s10+$0x42A0]  }
0x2d8: {  	v45 =	vmul.f32 v4, v1;
	v46 =	vmul.f32 v9, v3;
	v52 =	vld [tilespmem:s10+$0x82A0]  }
0x2d9: {  	v47 =	vadd.f32 v43, v44;
	v53 =	vmul.f32 v7, v10;
	v13 =	vmul.f32 v40, v8  }
0x2da: {  	v1 =	vsub.f32 v45, v46;
	v7 =	vmul.f32 v7, v8;
	v6 =	vmul.f32 v40, v10  }
0x2db: {  	[tilespmem:s10+$0xC2F0] =	vst v47;
	v54 =	vsub.f32 v53, v13;
	v55 =	vmul.f32 v0, v41;
	v56 =	vmul.f32 v48, v42  }
0x2dc: {  	[tilespmem:s10+$0xC2B0] =	vst v1;
	v6 =	vadd.f32 v6, v7;
	v0 =	vmul.f32 v0, v42;
	v57 =	vmul.f32 v48, v41  }
0x2dd: {  	[tilespmem:s10+$0xC280] =	vst v54;
	v59 =	vmul.f32 v51, v49;
	v60 =	vmul.f32 v52, v50;
	v58 =	vsub.f32 v55, v56  }
0x2de: {  	[tilespmem:s10+$0xC2C0] =	vst v6;
	v1 =	vmul.f32 v51, v50;
	v61 =	vmul.f32 v52, v49;
	v0 =	vadd.f32 v57, v0  }
0x2df: {  	v62 =	vsub.f32 v59, v60;
	[tilespmem:s10+$0xC290] =	vst v58  }
0x2e0: {  	v63 =	vadd.f32 v61, v1;
	[tilespmem:s10+$0xC2D0] =	vst v0  }
0x2e1: {  	[tilespmem:s10+$0xC2A0] =	vst v62  }
0x2e2: {  	[tilespmem:s10+$0xC2E0] =	vst v63  }
0x2e3: {  	[hbm4b:s20+s1] =	stream.linear.scatter [tilespmem:s30], [sflag:$0x7], $0x2000, $0x38;
	[tilespmem:$0x10280] =	vst v63  }
0x2e4: {  	_ =	swait.ge [sflag:s31], $0x2000  }
0x2e5: {  	[sflag:s31] =	ssyncset.done $0x0  }
0x2e6: {  	[sflag:s31] =	ssyncadd.s32 $0xFFFFE000  }
0x2e7: {  	_ =	swait.ge [sflag:s0], $0x80  }
0x2e8: {  	[sflag:s0] =	ssyncset.done $0x0  }
0x2e9: {  	[sflag:s0] =	ssyncadd.s32 $0xFFFFFF80  }
0x2ea: {  	_ =	swait.ge [sflag:s2], $0x80  }
0x2eb: {  	s9 =	simm.s32 $0x3F;
	[sflag:s2] =	ssyncset.done $0x0  }
.LBB2_46:
0x2ec: {  	p0 =	sne.s32 s9, $0x1;
	s9 =	sadd.s32 $0xFFFFFFFF, s9;
	[sflag:s2] =	ssyncadd.s32 $0xFFFFFF80  }
.Ltmp22:
0x2ed: {  	_ =	swait.ge [sflag:s0], $0x80;
	(pc) =	sbr.rel @p0 .LBB2_46-.Ltmp22, $4  }
0x2ee: {  	[sflag:s0] =	ssyncset.done $0x0  }
0x2ef: {  	[sflag:s0] =	ssyncadd.s32 $0xFFFFFF80  }
0x2f0: {  	_ =	swait.ge [sflag:s2], $0x80  }
0x2f1: {  	[sflag:s2] =	ssyncset.done $0x0  }
0x2f2: {  	[sflag:s2] =	ssyncadd.s32 $0xFFFFFF80  }
0x2f3: {  	_ =	swait.ge [sflag:s7], $0x2000  }
0x2f4: {  	[sflag:s7] =	ssyncset.done $0x0  }
0x2f5: {  	s9 =	simm.s32 $0x0;
	[sflag:s7] =	ssyncadd.s32 $0xFFFFE000  }
0x2f6: {  	v0 =	vld [tilespmem:s9+$0x22B0]  }
0x2f7: {  	v1 =	vld [tilespmem:s9+$0x22F0]  }
0x2f8: {  	v2 =	vld [tilespmem:s9+$0x62B0]  }
0x2f9: {  	v3 =	vld [tilespmem:s9+$0xA2B0]  }
0x2fa: {  	v4 =	vld [tilespmem:s9+$0x2280]  }
0x2fb: {  	v6 =	vld [tilespmem:s9+$0x22C0]  }
0x2fc: {  	v7 =	vld [tilespmem:s9+$0x6280]  }
0x2fd: {  	v8 =	vld [tilespmem:s9+$0xA280]  }
0x2fe: {  	v9 =	vld [tilespmem:s9+$0x2290];
	v5 =	vmul.f32 v3, v0;
	v10 =	vmul.f32 v2, v1  }
0x2ff: {  	v11 =	vld [tilespmem:s9+$0x22D0]  }
0x300: {  	v12 =	vld [tilespmem:s9+$0x6290];
	v1 =	vmul.f32 v3, v1;
	v3 =	vadd.f32 v5, v10  }
0x301: {  	v2 =	vmul.f32 v2, v0;
	v10 =	vld [tilespmem:s9+$0xA290]  }
0x302: {  	v0 =	vld [tilespmem:s9+$0x22A0];
	v13 =	vmul.f32 v8, v6;
	[tilespmem:s9+$0xE2F0] =	vst v3;
	v3 =	vmul.f32 v7, v4  }
0x303: {  	v1 =	vsub.f32 v2, v1;
	v2 =	vld [tilespmem:s9+$0x22E0];
	v7 =	vmul.f32 v7, v6;
	v4 =	vmul.f32 v8, v4  }
0x304: {  	v5 =	vld [tilespmem:s9+$0x62A0];
	v3 =	vsub.f32 v3, v13  }
0x305: {  	s10 =	simm.s32 $0x80;
	[tilespmem:s9+$0xE2B0] =	vst v1;
	v6 =	vld [tilespmem:s9+$0xA2A0];
	v4 =	vadd.f32 v4, v7;
	v7 =	vmul.f32 v12, v9;
	v12 =	vmul.f32 v12, v11  }
0x306: {  	v1 =	vld [tilespmem:s10+$0x22B0];
	v8 =	vmul.f32 v10, v11;
	v9 =	vmul.f32 v10, v9;
	[tilespmem:s9+$0xE280] =	vst v3  }
0x307: {  	v3 =	vld [tilespmem:s10+$0x22F0];
	[tilespmem:s9+$0xE2C0] =	vst v4  }
0x308: {  	s11 =	simm.s32 $0x400;
	v8 =	vsub.f32 v7, v8;
	v7 =	vadd.f32 v9, v12;
	v4 =	vld [tilespmem:s10+$0x62B0]  }
.LBB2_48:
0x309: {  	p0 =	sne.s32 s11, $0x7E00;
	v9 =	vld [tilespmem:s10+$0xA2B0];
	v10 =	vmul.f32 v5, v0;
	v5 =	vmul.f32 v5, v2  }
0x30a: {  	v11 =	vld [tilespmem:s10+$0x2280];
	[tilespmem:s9+$0xE290] =	vst v8;
	v2 =	vmul.f32 v6, v2;
	v0 =	vmul.f32 v6, v0  }
0x30b: {  	v6 =	vld [tilespmem:s10+$0x22C0];
	[tilespmem:s9+$0xE2D0] =	vst v7  }
0x30c: {  	v7 =	vld [tilespmem:s10+$0x6280];
	v2 =	vsub.f32 v10, v2;
	v0 =	vadd.f32 v0, v5  }
0x30d: {  	v5 =	vld [tilespmem:s10+$0xA280];
	v8 =	vmul.f32 v4, v1  }
0x30e: {  	v4 =	vmul.f32 v4, v3;
	v10 =	vld [tilespmem:s10+$0x2290];
	v1 =	vmul.f32 v9, v1;
	[tilespmem:s9+$0xE2A0] =	vst v2  }
0x30f: {  	v2 =	vmul.f32 v9, v3;
	v12 =	vld [tilespmem:s10+$0x22D0];
	[tilespmem:s9+$0xE2E0] =	vst v0;
	s9 =	smov.u32 s10  }
0x310: {  	v3 =	vld [tilespmem:s9+$0x6290];
	v1 =	vadd.f32 v1, v4  }
0x311: {  	v8 =	vsub.f32 v8, v2;
	v4 =	vmul.f32 v7, v11;
	v7 =	vmul.f32 v7, v6;
	v9 =	vld [tilespmem:s9+$0xA290]  }
0x312: {  	v6 =	vmul.f32 v5, v6;
	v5 =	vmul.f32 v5, v11;
	v0 =	vld [tilespmem:s9+$0x22A0];
	[tilespmem:s9+$0xE2F0] =	vst v1  }
0x313: {  	v2 =	vld [tilespmem:s9+$0x22E0];
	[tilespmem:s9+$0xE2B0] =	vst v8  }
.Ltmp23:
0x314: {  	v4 =	vsub.f32 v4, v6;
	v7 =	vadd.f32 v5, v7;
	v5 =	vld [tilespmem:s9+$0x62A0];
	(pc) =	sbr.rel @p0 .LBB2_48-.Ltmp23, $4  }
0x315: {  	s10 =	sshra.s32 s11, $0x2;
	v8 =	vmul.f32 v3, v10;
	v11 =	vmul.f32 v3, v12;
	v6 =	vld [tilespmem:s9+$0xA2A0]  }
0x316: {  	v1 =	vld [tilespmem:s10+$0x22B0];
	[tilespmem:s9+$0xE280] =	vst v4;
	v12 =	vmul.f32 v9, v12;
	v9 =	vmul.f32 v9, v10  }
0x317: {  	v3 =	vld [tilespmem:s10+$0x22F0];
	[tilespmem:s9+$0xE2C0] =	vst v7  }
0x318: {  	s11 =	sadd.s32 $0x200, s11;
	v4 =	vld [tilespmem:s10+$0x62B0];
	v8 =	vsub.f32 v8, v12;
	v7 =	vadd.f32 v9, v11  }
0x319: {  	v9 =	vld [tilespmem:s10+$0xA2B0]  }
0x31a: {  	v10 =	vld [tilespmem:s10+$0x2280];
	v11 =	vmul.f32 v5, v0;
	[tilespmem:s9+$0xE290] =	vst v8;
	v12 =	vmul.f32 v6, v2  }
0x31b: {  	v37 =	vmul.f32 v5, v2;
	v38 =	vmul.f32 v6, v0;
	v8 =	vld [tilespmem:s10+$0x22C0];
	[tilespmem:s9+$0xE2D0] =	vst v7  }
0x31c: {  	v7 =	vld [tilespmem:s10+$0x6280];
	v39 =	vsub.f32 v11, v12  }
0x31d: {  	v40 =	vld [tilespmem:s10+$0xA280];
	v0 =	vadd.f32 v38, v37  }
0x31e: {  	v41 =	vld [tilespmem:s10+$0x2290];
	[tilespmem:s9+$0xE2A0] =	vst v39  }
0x31f: {  	v42 =	vld [tilespmem:s10+$0x22D0];
	[tilespmem:s9+$0xE2E0] =	vst v0  }
0x320: {  	v0 =	vld [tilespmem:s10+$0x6290]  }
0x321: {  	v48 =	vld [tilespmem:s10+$0xA290]  }
0x322: {  	v49 =	vld [tilespmem:s10+$0x22A0]  }
0x323: {  	v50 =	vld [tilespmem:s10+$0x22E0]  }
0x324: {  	v44 =	vmul.f32 v4, v3;
	v43 =	vmul.f32 v9, v1;
	v51 =	vld [tilespmem:s10+$0x62A0]  }
0x325: {  	v45 =	vmul.f32 v4, v1;
	v46 =	vmul.f32 v9, v3;
	v52 =	vld [tilespmem:s10+$0xA2A0]  }
0x326: {  	v47 =	vadd.f32 v43, v44;
	v53 =	vmul.f32 v7, v10;
	v13 =	vmul.f32 v40, v8  }
0x327: {  	v1 =	vsub.f32 v45, v46;
	v7 =	vmul.f32 v7, v8;
	v6 =	vmul.f32 v40, v10  }
0x328: {  	[tilespmem:s10+$0xE2F0] =	vst v47;
	v54 =	vsub.f32 v53, v13;
	v55 =	vmul.f32 v0, v41;
	v56 =	vmul.f32 v48, v42  }
0x329: {  	[tilespmem:s10+$0xE2B0] =	vst v1;
	v6 =	vadd.f32 v6, v7;
	v0 =	vmul.f32 v0, v42;
	v57 =	vmul.f32 v48, v41  }
0x32a: {  	[tilespmem:s10+$0xE280] =	vst v54;
	v59 =	vmul.f32 v51, v49;
	v60 =	vmul.f32 v52, v50;
	v58 =	vsub.f32 v55, v56  }
0x32b: {  	[tilespmem:s10+$0xE2C0] =	vst v6;
	v1 =	vmul.f32 v51, v50;
	v61 =	vmul.f32 v52, v49;
	v0 =	vadd.f32 v57, v0  }
0x32c: {  	v62 =	vsub.f32 v59, v60;
	[tilespmem:s10+$0xE290] =	vst v58  }
0x32d: {  	v63 =	vadd.f32 v61, v1;
	[tilespmem:s10+$0xE2D0] =	vst v0  }
0x32e: {  	[tilespmem:s10+$0xE2A0] =	vst v62  }
0x32f: {  	s8 =	sadd.s32 $0x1, s8;
	[tilespmem:s10+$0xE2E0] =	vst v63  }
0x330: {  	[hbm4b:s21+s1] =	stream.linear.scatter [tilespmem:s5], [sflag:$0x8], $0x2000, $0x38;
	[tilespmem:$0x10280] =	vst v63  }
0x331: {  	p0 =	sne.s32 s8, s22;
	_ =	swait.ge [sflag:s6], $0x2000  }
.Ltmp24:
0x332: {  	[sflag:s6] =	ssyncset.done $0x0;
	(pc) =	sbr.rel @p0 .LBB2_1-.Ltmp24, $4  }
0x333: {  	[sflag:s6] =	ssyncadd.s32 $0xFFFFE000  }
0x334: {  	_ =	swait.ge [sflag:s7], $0x2000  }
0x335: {  	[sflag:s7] =	ssyncset.done $0x0  }
0x336: {  	[sflag:s7] =	ssyncadd.s32 $0xFFFFE000  }
0x337: {  	_ =	sfence.sel $0x180000  }
0x338: {  	[bflag:$0x0] =	sbarrier.arrive $0xFFFF  }
0x339: {  	_ =	strace $0x90000047  }
0x33a: {  	s0 =	stileid.u32;
	[bflag:$0x2] =	sbarrier.arrive $0xFFFF  }
0x33b: {  	p0 =	sne.s32 s0, $0x0;
	s0 =	rddreg [dreg:$0x4]  }
0x33c: {  	s0 =	sadd.s32 @!p0 $0x100000, s0  }
0x33d: {  	[sflag:s0] =	ssyncadd.tile.s32 @!p0 $0x1;
	_ =	shalt  }
.Lfunc_end2:
_tile_overlayer_lowered:
.L_overlay_start_2:
0x33e: {  	(tag) =	ssettag $0x2  }
0x33f: {  	s0 =	rddreg [dreg:$0x0];
	s2 =	stileid.u32  }
0x340: {  	s1 =	rddreg [dreg:$0x1];
	p0 =	sne.s32 s2, $0x0  }
0x341: {  	s3 =	rddreg [dreg:$0x2];
	[bflag:$0x3] =	sbarrier.arrive $0xFFFF;
	s2 =	simm.s32 @!p0 $0x1C09  }
0x342: {  	[timem:s3], [sflag:s2] =	dma.local @!p0 [hbm:s0], s1  }
0x343: {  	s0 =	simm.s32 @!p0 $0x9  }
0x344: {  	_ =	swait.ge @!p0 [sflag:s0], s1  }
0x345: {  	s1 =	ssub.s32 @!p0 $0x0, s1;
	[sflag:s0] =	ssyncset.done @!p0 $0x0  }
0x346: {  	[sflag:s0] =	ssyncadd.s32 @!p0 s1  }
0x347: {  	[bflag:$0x3] =	sbarrier.arrive $0xFFFF  }
0x348: {  	_ =	shalt  }

</sc_bundles>
